<compile_context>
chip_gen: v7x
topology: tpu7x:2x2x1
jax: 0.10.2.dev20260603
libtpu: 0.0.44.dev20260713+nightly
codegen_flags: <defaults>
</compile_context>

<pallas_src>
import functools

import jax
import jax.numpy as jnp
from jax import lax
from jax.experimental import pallas as pl
from jax.experimental.pallas import tpu as pltpu
from jax.experimental.pallas import tpu_sc as plsc

N = 10000
E = 160000
D = 256
DOUT = 128
H = D // 2

def _mm_kernel(x_ref, w_ref, o_ref):
    o_ref[...] = jnp.dot(x_ref[...], w_ref[...],
                         preferred_element_type=jnp.float32)


def _mm_bias_bf16in_kernel(x_ref, w_ref, b_ref, o_ref):
    acc = jnp.dot(x_ref[...].astype(jnp.bfloat16),
                  w_ref[...].astype(jnp.bfloat16),
                  preferred_element_type=jnp.float32)
    o_ref[...] = acc + b_ref[0]


def _xw_split(x, wtop):
    bn = 2000
    return pl.pallas_call(
        _mm_kernel,
        grid=(2, N // bn),
        in_specs=[
            pl.BlockSpec((bn, D), lambda h, i: (i, 0)),
            pl.BlockSpec((D, H), lambda h, i: (0, h)),
        ],
        out_specs=pl.BlockSpec((bn, H), lambda h, i: (h * (N // bn) + i, 0)),
        out_shape=jax.ShapeDtypeStruct((2 * N, H), jnp.float32),
    )(x, wtop)


def _eaw_split(ea, wbot, b2, ne):
    be = 4000
    return pl.pallas_call(
        _mm_bias_bf16in_kernel,
        grid=(2, ne // be),
        in_specs=[
            pl.BlockSpec((be, D), lambda h, i: (i, 0)),
            pl.BlockSpec((D, H), lambda h, i: (0, h)),
            pl.BlockSpec((1, 1, H), lambda h, i: (h, 0, 0)),
        ],
        out_specs=pl.BlockSpec((be, H), lambda h, i: (h * (ne // be) + i, 0)),
        out_shape=jax.ShapeDtypeStruct((2 * ne, H), jnp.float32),
    )(ea, wbot, b2)


def _post_kernel(x_ref, agg_ref, wut_ref, wub_ref, bu_ref,
                 w1_ref, b1_ref, w2_ref, b2_ref, w3_ref, b3_ref,
                 o_ref, acc_ref, *, nblocks):
    i = pl.program_id(0)
    h = jnp.dot(x_ref[...], wut_ref[...], preferred_element_type=jnp.float32)
    h += jnp.dot(agg_ref[...], wub_ref[...],
                 preferred_element_type=jnp.float32)
    h = jnp.maximum(h + bu_ref[...], 0.0)
    s = jnp.sum(h, axis=0, keepdims=True)

    @pl.when(i == 0)
    def _init():
        acc_ref[0:1, :] = s

    @pl.when(i > 0)
    def _accum():
        acc_ref[0:1, :] += s

    @pl.when(i == nblocks - 1)
    def _final():
        g = acc_ref[0:1, :] * (1.0 / N)
        o = jnp.maximum(jnp.dot(g, w1_ref[...],
                                preferred_element_type=jnp.float32)
                        + b1_ref[...], 0.0)
        o = jnp.maximum(jnp.dot(o, w2_ref[...],
                                preferred_element_type=jnp.float32)
                        + b2_ref[...], 0.0)
        o_ref[...] = jnp.dot(o, w3_ref[...],
                             preferred_element_type=jnp.float32) + b3_ref[...]


def _post(x, agg, wut, wub, bu, w1, b1, w2, b2, w3, b3):
    bn = 2000
    nblocks = N // bn
    full = lambda shape: pl.BlockSpec(shape, lambda i: tuple(0 for _ in shape))
    return pl.pallas_call(
        functools.partial(_post_kernel, nblocks=nblocks),
        grid=(nblocks,),
        in_specs=[
            pl.BlockSpec((bn, D), lambda i: (i, 0)),
            pl.BlockSpec((bn, D), lambda i: (i, 0)),
            full((D, D)), full((D, D)), full((1, D)),
            full((D, D)), full((1, D)),
            full((D, D)), full((1, D)),
            full((D, DOUT)), full((1, DOUT)),
        ],
        out_specs=pl.BlockSpec((1, DOUT), lambda i: (0, 0)),
        out_shape=jax.ShapeDtypeStruct((1, DOUT), jnp.float32),
        scratch_shapes=[pltpu.VMEM((8, D), jnp.float32)],
    )(x, agg, wut, wub, bu, w1, b1, w2, b2, w3, b3)


SC_K = 80
SC_TILES = 16
SC_ROWS = 624


def _sc_middle(src2, dst, xw2, eaw2, ne):
    nchunks = ne // SC_K
    assert ne % SC_K == 0
    mesh = plsc.VectorSubcoreMesh(core_axis_name="c", subcore_axis_name="s")

    @functools.partial(
        pl.kernel,
        mesh=mesh,
        out_type=jax.ShapeDtypeStruct((N, D), jnp.float32),
        scratch_types=[
            pltpu.VMEM((SC_K,), jnp.int32),
            pltpu.VMEM((SC_K,), jnp.int32),
            pltpu.VMEM((SC_K,), jnp.int32),
            pltpu.VMEM((SC_K,), jnp.int32),
            pltpu.VMEM((SC_K, H), jnp.float32),
            pltpu.VMEM((SC_K, H), jnp.float32),
            pltpu.VMEM((SC_K, H), jnp.float32),
            pltpu.VMEM((SC_K, H), jnp.float32),
            pltpu.VMEM_SHARED((N, H), jnp.float32),
            pltpu.SemaphoreType.DMA,
            pltpu.SemaphoreType.DMA,
            pltpu.SemaphoreType.DMA,
            pltpu.SemaphoreType.DMA,
            pltpu.SemaphoreType.DMA,
            pltpu.SemaphoreType.DMA,
            pltpu.SemaphoreType.DMA,
            pltpu.SemaphoreType.DMA,
        ],
    )
    def k(src_hbm, dst_hbm, xw_hbm, eaw_hbm, out_hbm,
          sidx0, sidx1, didx0, didx1, gbuf0, gbuf1, ebuf0, ebuf1, acc,
          sg0, sg1, se0, se1, ss0, ss1, si0, si1):
        cid = lax.axis_index("c")
        sid = lax.axis_index("s")
        sidx = (sidx0, sidx1)
        didx = (didx0, didx1)
        gbuf = (gbuf0, gbuf1)
        ebuf = (ebuf0, ebuf1)
        sg = (sg0, sg1)
        se = (se0, se1)
        ss = (ss0, ss1)
        si = (si0, si1)

        def zrow(i, _):
            for j in range(H // 16):
                gbuf0[i, pl.ds(j * 16, 16)] = jnp.zeros((16,), jnp.float32)
            return 0
        lax.fori_loop(0, SC_K, zrow, 0)
        base = sid * SC_ROWS
        for r in range(SC_ROWS // SC_K):
            pltpu.sync_copy(gbuf0, acc.at[pl.ds(base + r * SC_K, SC_K)])
        rem = SC_ROWS % SC_K
        pltpu.sync_copy(gbuf0.at[pl.ds(0, rem)],
                        acc.at[pl.ds(base + SC_ROWS - rem, rem)])

        @pl.when(sid == SC_TILES - 1)
        def _zero_tail():
            pltpu.sync_copy(gbuf0.at[pl.ds(0, N - SC_TILES * SC_ROWS)],
                            acc.at[pl.ds(SC_TILES * SC_ROWS,
                                         N - SC_TILES * SC_ROWS)])

        plsc.subcore_barrier()

        nfull = nchunks // SC_TILES
        ntail = nchunks - nfull * SC_TILES

        def idx_load(c, b):
            e0 = (sid + c * SC_TILES) * SC_K
            pltpu.async_copy(src_hbm.at[pl.ds(cid * ne + e0, SC_K)],
                             sidx[b], si[b])
            pltpu.async_copy(dst_hbm.at[pl.ds(e0, SC_K)], didx[b], si[b])
            pltpu.make_async_copy(src_hbm.at[pl.ds(cid * ne, SC_K)],
                                  sidx[b], si[b]).wait()
            pltpu.make_async_copy(dst_hbm.at[pl.ds(0, SC_K)],
                                  didx[b], si[b]).wait()

        def issue_in(c, b):
            e0 = (sid + c * SC_TILES) * SC_K
            pltpu.async_copy(xw_hbm.at[sidx[b]], gbuf[b], sg[b])
            pltpu.async_copy(eaw_hbm.at[pl.ds(cid * ne + e0, SC_K)],
                             ebuf[b], se[b])

        def wait_in(b):
            pltpu.make_async_copy(xw_hbm.at[sidx[b]], gbuf[b], sg[b]).wait()
            pltpu.make_async_copy(eaw_hbm.at[pl.ds(cid * ne, SC_K)],
                                  ebuf[b], se[b]).wait()

        def compute(b):
            g, e = gbuf[b], ebuf[b]

            @plsc.parallel_loop(0, SC_K, 1, unroll=4)
            def crow(i):
                for j in range(H // 16):
                    s_ = pl.ds(j * 16, 16)
                    e[i, s_] = jnp.maximum(g[i, s_] + e[i, s_], 0.0)

        def issue_sc(b):
            pltpu.async_copy(ebuf[b], acc.at[didx[b]], ss[b], add=True)

        def wait_sc(b):
            pltpu.make_async_copy(ebuf[b], acc.at[didx[b]], ss[b]).wait()

        idx_load(0, 0)
        issue_in(0, 0)
        idx_load(1, 1)
        issue_in(1, 1)
        wait_in(0)
        compute(0)
        issue_sc(0)
        wait_in(1)
        wait_sc(0)
        idx_load(2, 0)
        issue_in(2, 0)
        compute(1)
        issue_sc(1)

        npairs = (nfull - 2) // 2

        def pair(k_i, _):
            for b in (0, 1):
                c = 2 + 2 * k_i + b
                nb = 1 - b
                wait_in(b)
                wait_sc(nb)

                @pl.when(c + 1 < nfull)
                def _prefetch():
                    idx_load(c + 1, nb)
                    issue_in(c + 1, nb)

                compute(b)
                issue_sc(b)
            return 0
        lax.fori_loop(0, npairs, pair, 0)

        if (nfull - 2) % 2 == 1:
            wait_in(0)
            wait_sc(1)
            compute(0)
            issue_sc(0)
            wait_sc(0)
        else:
            wait_sc(1)

        if ntail:
            @pl.when(sid < ntail)
            def _tail():
                idx_load(nfull, 0)
                issue_in(nfull, 0)
                wait_in(0)
                compute(0)
                issue_sc(0)
                wait_sc(0)

        plsc.subcore_barrier()
        pltpu.sync_copy(acc.at[pl.ds(base, SC_ROWS)],
                        out_hbm.at[pl.ds(base, SC_ROWS), pl.ds(cid * H, H)])

        @pl.when(sid == SC_TILES - 1)
        def _write_tail():
            t0 = SC_TILES * SC_ROWS
            pltpu.sync_copy(acc.at[pl.ds(t0, N - t0)],
                            out_hbm.at[pl.ds(t0, N - t0), pl.ds(cid * H, H)])

    return k(src2, dst, xw2, eaw2)


def kernel(x, edge_index, edge_attr, W_msg, b_msg, W_upd, b_upd,
           W1, b1, W2, b2, W3, b3):
    src = edge_index[0]
    dst = edge_index[1]
    src2 = jnp.concatenate([src, src + N])
    wtop, wbot = W_msg[:D], W_msg[D:]
    wut, wub = W_upd[:D], W_upd[D:]

    xw2 = _xw_split(x, wtop)
    eaw2 = _eaw_split(edge_attr, wbot, b_msg.reshape(2, 1, H), E)
    agg = _sc_middle(src2, dst, xw2, eaw2, E)
    out = _post(x, agg, wut, wub, b_upd.reshape(1, D),
                W1, b1.reshape(1, D), W2, b2.reshape(1, D),
                W3, b3.reshape(1, DOUT))
    return out.reshape(DOUT)

# --- scband reference (transcript-rebuilt; emitter-appended) ---
"""Pipeline reference for scband-gnnfor-generalization-35673998360743 (READ-ONLY COPY).

The authoritative reference and input builder live on the scoring server;
editing this copy changes nothing except your own understanding.
"""

import jax, jax.numpy as jnp
import numpy as np

N = 10000
E = 160000
D = 256
DOUT = 128


def setup_inputs(seed: int = 0) -> dict:
    key = jax.random.key(seed)
    ks = jax.random.split(key, 14)
    x = jax.random.normal(ks[0], (N, D), dtype=jnp.float32)
    edge_index = jax.random.randint(ks[1], (2, E), 0, N, dtype=jnp.int32)
    edge_attr = jax.random.normal(ks[2], (E, D), dtype=jnp.float32)
    s = 0.02
    W_msg = jax.random.normal(ks[3], (2 * D, D), dtype=jnp.float32) * s
    b_msg = jnp.zeros((D,), dtype=jnp.float32)
    W_upd = jax.random.normal(ks[4], (2 * D, D), dtype=jnp.float32) * s
    b_upd = jnp.zeros((D,), dtype=jnp.float32)
    W1 = jax.random.normal(ks[5], (D, D), dtype=jnp.float32) * s
    b1 = jnp.zeros((D,), dtype=jnp.float32)
    W2 = jax.random.normal(ks[6], (D, D), dtype=jnp.float32) * s
    b2 = jnp.zeros((D,), dtype=jnp.float32)
    W3 = jax.random.normal(ks[7], (D, DOUT), dtype=jnp.float32) * s
    b3 = jnp.zeros((DOUT,), dtype=jnp.float32)
    return {
        "x": x,
        "edge_index": edge_index,
        "edge_attr": edge_attr,
        "W_msg": W_msg,
        "b_msg": b_msg,
        "W_upd": W_upd,
        "b_upd": b_upd,
        "W1": W1,
        "b1": b1,
        "W2": W2,
        "b2": b2,
        "W3": W3,
        "b3": b3,
    }


def reference(x, edge_index, edge_attr, W_msg, b_msg, W_upd, b_upd, W1, b1, W2, b2, W3, b3):
    # GNN message passing over edges with edge attributes (gnn backbone),
    # followed by pooling over nodes and the proj_out MLP (Linear-ReLU-Linear-ReLU-Linear).
    src = edge_index[0]
    dst = edge_index[1]
    # message: f([x_src || edge_attr])
    m_in = jnp.concatenate([jnp.take(x, src, axis=0), edge_attr], axis=-1)
    msg = jax.nn.relu(m_in @ W_msg + b_msg)
    # aggregate messages at destination nodes (scatter-add)
    agg = jax.ops.segment_sum(msg, dst, num_segments=N)
    # node update: g([x || agg])
    h = jax.nn.relu(jnp.concatenate([x, agg], axis=-1) @ W_upd + b_upd)
    # pooling over nodes (mean pooling)
    g = jnp.mean(h, axis=0)
    # proj_out MLP
    o = jax.nn.relu(g @ W1 + b1)
    o = jax.nn.relu(o @ W2 + b2)
    out = o @ W3 + b3
    return out

if __name__ == "__main__":
    import jax
    _d = setup_inputs()
    print(jax.jit(kernel)(*tuple(_d.values())))

</pallas_src>

<mosaic_0001>
#map = affine_map<(d0, d1) -> (0)>
#map1 = affine_map<(d0, d1) -> (0, 0)>
module attributes {stable_mosaic.version = 14 : i64} {
  func.func @k(%arg0: i32, %arg1: i32, %arg2: memref<320000xi32, #tpu.memory_space<hbm>>, %arg3: memref<160000xi32, #tpu.memory_space<hbm>>, %arg4: memref<20000x128xf32, #tpu.memory_space<hbm>>, %arg5: memref<320000x128xf32, #tpu.memory_space<hbm>>, %arg6: memref<10000x256xf32, #tpu.memory_space<hbm>>, %arg7: memref<80xi32, #tpu.memory_space<vmem>>, %arg8: memref<80xi32, #tpu.memory_space<vmem>>, %arg9: memref<80xi32, #tpu.memory_space<vmem>>, %arg10: memref<80xi32, #tpu.memory_space<vmem>>, %arg11: memref<80x128xf32, #tpu.memory_space<vmem>>, %arg12: memref<80x128xf32, #tpu.memory_space<vmem>>, %arg13: memref<80x128xf32, #tpu.memory_space<vmem>>, %arg14: memref<80x128xf32, #tpu.memory_space<vmem>>, %arg15: memref<10000x128xf32, #tpu.memory_space<vmem_shared>>, %arg16: memref<!tpu.dma_semaphore, #tpu.memory_space<semaphore_mem>>, %arg17: memref<!tpu.dma_semaphore, #tpu.memory_space<semaphore_mem>>, %arg18: memref<!tpu.dma_semaphore, #tpu.memory_space<semaphore_mem>>, %arg19: memref<!tpu.dma_semaphore, #tpu.memory_space<semaphore_mem>>, %arg20: memref<!tpu.dma_semaphore, #tpu.memory_space<semaphore_mem>>, %arg21: memref<!tpu.dma_semaphore, #tpu.memory_space<semaphore_mem>>, %arg22: memref<!tpu.dma_semaphore, #tpu.memory_space<semaphore_mem>>, %arg23: memref<!tpu.dma_semaphore, #tpu.memory_space<semaphore_mem>>) attributes {dimension_semantics = [#tpu.dimension_semantics<core_parallel>, #tpu.dimension_semantics<subcore_parallel>], iteration_bounds = array<i64: 2, 16>, scalar_prefetch = 0 : i64, scratch_operands = 17 : i64, tpu.core_type = #tpu.core_type<sc_vector_subcore>, window_params = [{transform_indices = #map}, {transform_indices = #map}, {transform_indices = #map1}, {transform_indices = #map1}, {transform_indices = #map1}]} {
    %scan3A = arith.constant 0 : i32
    %scan3A_0 = arith.constant 0 : i32
    %scan3A_1 = arith.constant 80 : i32
    %scan3A_2 = arith.addi %scan3A_0, %scan3A_1 : i32
    %scan3A_3 = arith.constant 1 : i32
    %scan3A_4 = scf.for %scan3A_190 = %scan3A_0 to %scan3A_2 step %scan3A_3 iter_args(%scan3A_191 = %scan3A) -> (i32)  : i32 {
      %broadcast_in_dim3A = arith.constant 0.000000e+00 : f32
      %broadcast_in_dim3A_192 = vector.broadcast %broadcast_in_dim3A : f32 to vector<16xf32>
      %swap3A = arith.index_cast %scan3A_190 : i32 to index
      %swap3A_193 = arith.constant 0 : index
      %swap3A_194 = tpu.vector_load %arg11[%swap3A, %swap3A_193] {strides = array<i32>} : memref<80x128xf32, #tpu.memory_space<vmem>>, vector<1x16xf32>,
      %swap3A_195 = vector.shape_cast %swap3A_194 : vector<1x16xf32> to vector<16xf32>
      %swap3A_196 = vector.shape_cast %broadcast_in_dim3A_192 : vector<16xf32> to vector<1x16xf32>
      tpu.vector_store %arg11[%swap3A, %swap3A_193], %swap3A_196 {strides = array<i32>} : memref<80x128xf32, #tpu.memory_space<vmem>>, vector<1x16xf32>,
      %broadcast_in_dim3A_197 = arith.constant 0.000000e+00 : f32
      %broadcast_in_dim3A_198 = vector.broadcast %broadcast_in_dim3A_197 : f32 to vector<16xf32>
      %swap3A_199 = arith.index_cast %scan3A_190 : i32 to index
      %swap3A_200 = arith.constant 16 : index
      %swap3A_201 = tpu.vector_load %arg11[%swap3A_199, %swap3A_200] {strides = array<i32>} : memref<80x128xf32, #tpu.memory_space<vmem>>, vector<1x16xf32>,
      %swap3A_202 = vector.shape_cast %swap3A_201 : vector<1x16xf32> to vector<16xf32>
      %swap3A_203 = vector.shape_cast %broadcast_in_dim3A_198 : vector<16xf32> to vector<1x16xf32>
      tpu.vector_store %arg11[%swap3A_199, %swap3A_200], %swap3A_203 {strides = array<i32>} : memref<80x128xf32, #tpu.memory_space<vmem>>, vector<1x16xf32>,
      %broadcast_in_dim3A_204 = arith.constant 0.000000e+00 : f32
      %broadcast_in_dim3A_205 = vector.broadcast %broadcast_in_dim3A_204 : f32 to vector<16xf32>
      %swap3A_206 = arith.index_cast %scan3A_190 : i32 to index
      %swap3A_207 = arith.constant 32 : index
      %swap3A_208 = tpu.vector_load %arg11[%swap3A_206, %swap3A_207] {strides = array<i32>} : memref<80x128xf32, #tpu.memory_space<vmem>>, vector<1x16xf32>,
      %swap3A_209 = vector.shape_cast %swap3A_208 : vector<1x16xf32> to vector<16xf32>
      %swap3A_210 = vector.shape_cast %broadcast_in_dim3A_205 : vector<16xf32> to vector<1x16xf32>
      tpu.vector_store %arg11[%swap3A_206, %swap3A_207], %swap3A_210 {strides = array<i32>} : memref<80x128xf32, #tpu.memory_space<vmem>>, vector<1x16xf32>,
      %broadcast_in_dim3A_211 = arith.constant 0.000000e+00 : f32
      %broadcast_in_dim3A_212 = vector.broadcast %broadcast_in_dim3A_211 : f32 to vector<16xf32>
      %swap3A_213 = arith.index_cast %scan3A_190 : i32 to index
      %swap3A_214 = arith.constant 48 : index
      %swap3A_215 = tpu.vector_load %arg11[%swap3A_213, %swap3A_214] {strides = array<i32>} : memref<80x128xf32, #tpu.memory_space<vmem>>, vector<1x16xf32>,
      %swap3A_216 = vector.shape_cast %swap3A_215 : vector<1x16xf32> to vector<16xf32>
      %swap3A_217 = vector.shape_cast %broadcast_in_dim3A_212 : vector<16xf32> to vector<1x16xf32>
      tpu.vector_store %arg11[%swap3A_213, %swap3A_214], %swap3A_217 {strides = array<i32>} : memref<80x128xf32, #tpu.memory_space<vmem>>, vector<1x16xf32>,
      %broadcast_in_dim3A_218 = arith.constant 0.000000e+00 : f32
      %broadcast_in_dim3A_219 = vector.broadcast %broadcast_in_dim3A_218 : f32 to vector<16xf32>
      %swap3A_220 = arith.index_cast %scan3A_190 : i32 to index
      %swap3A_221 = arith.constant 64 : index
      %swap3A_222 = tpu.vector_load %arg11[%swap3A_220, %swap3A_221] {strides = array<i32>} : memref<80x128xf32, #tpu.memory_space<vmem>>, vector<1x16xf32>,
      %swap3A_223 = vector.shape_cast %swap3A_222 : vector<1x16xf32> to vector<16xf32>
      %swap3A_224 = vector.shape_cast %broadcast_in_dim3A_219 : vector<16xf32> to vector<1x16xf32>
      tpu.vector_store %arg11[%swap3A_220, %swap3A_221], %swap3A_224 {strides = array<i32>} : memref<80x128xf32, #tpu.memory_space<vmem>>, vector<1x16xf32>,
      %broadcast_in_dim3A_225 = arith.constant 0.000000e+00 : f32
      %broadcast_in_dim3A_226 = vector.broadcast %broadcast_in_dim3A_225 : f32 to vector<16xf32>
      %swap3A_227 = arith.index_cast %scan3A_190 : i32 to index
      %swap3A_228 = arith.constant 80 : index
      %swap3A_229 = tpu.vector_load %arg11[%swap3A_227, %swap3A_228] {strides = array<i32>} : memref<80x128xf32, #tpu.memory_space<vmem>>, vector<1x16xf32>,
      %swap3A_230 = vector.shape_cast %swap3A_229 : vector<1x16xf32> to vector<16xf32>
      %swap3A_231 = vector.shape_cast %broadcast_in_dim3A_226 : vector<16xf32> to vector<1x16xf32>
      tpu.vector_store %arg11[%swap3A_227, %swap3A_228], %swap3A_231 {strides = array<i32>} : memref<80x128xf32, #tpu.memory_space<vmem>>, vector<1x16xf32>,
      %broadcast_in_dim3A_232 = arith.constant 0.000000e+00 : f32
      %broadcast_in_dim3A_233 = vector.broadcast %broadcast_in_dim3A_232 : f32 to vector<16xf32>
      %swap3A_234 = arith.index_cast %scan3A_190 : i32 to index
      %swap3A_235 = arith.constant 96 : index
      %swap3A_236 = tpu.vector_load %arg11[%swap3A_234, %swap3A_235] {strides = array<i32>} : memref<80x128xf32, #tpu.memory_space<vmem>>, vector<1x16xf32>,
      %swap3A_237 = vector.shape_cast %swap3A_236 : vector<1x16xf32> to vector<16xf32>
      %swap3A_238 = vector.shape_cast %broadcast_in_dim3A_233 : vector<16xf32> to vector<1x16xf32>
      tpu.vector_store %arg11[%swap3A_234, %swap3A_235], %swap3A_238 {strides = array<i32>} : memref<80x128xf32, #tpu.memory_space<vmem>>, vector<1x16xf32>,
      %broadcast_in_dim3A_239 = arith.constant 0.000000e+00 : f32
      %broadcast_in_dim3A_240 = vector.broadcast %broadcast_in_dim3A_239 : f32 to vector<16xf32>
      %swap3A_241 = arith.index_cast %scan3A_190 : i32 to index
      %swap3A_242 = arith.constant 112 : index
      %swap3A_243 = tpu.vector_load %arg11[%swap3A_241, %swap3A_242] {strides = array<i32>} : memref<80x128xf32, #tpu.memory_space<vmem>>, vector<1x16xf32>,
      %swap3A_244 = vector.shape_cast %swap3A_243 : vector<1x16xf32> to vector<16xf32>
      %swap3A_245 = vector.shape_cast %broadcast_in_dim3A_240 : vector<16xf32> to vector<1x16xf32>
      tpu.vector_store %arg11[%swap3A_241, %swap3A_242], %swap3A_245 {strides = array<i32>} : memref<80x128xf32, #tpu.memory_space<vmem>>, vector<1x16xf32>,
      %scan3A_246 = arith.constant 0 : i32
      scf.yield %scan3A_246 : i32
    }
    %scan3A_5 = arith.constant 80 : i32
    %mul3A = arith.constant 624 : i32
    %mul3A_6 = arith.muli %arg1, %mul3A : i32
    %add3A = arith.constant 0 : i32
    %add3A_7 = arith.addi %mul3A_6, %add3A : i32
    "tpu.region"() ({
      %run_scoped3A = tpu.sem_alloc : memref<!tpu.dma_semaphore, #tpu.memory_space<semaphore_mem>>
      %dma_start3A_190 = arith.constant 0 : i32
      %dma_start3A_191 = tpu.memref_slice %arg15[%add3A_7, %dma_start3A_190] : memref<10000x128xf32, #tpu.memory_space<vmem_shared>> -> memref<80x128xf32, #tpu.memory_space<vmem_shared>>
      %dma_start3A_192 = arith.constant 0 : i32
      %dma_start3A_193 = tpu.memref_slice %arg15[%add3A_7, %dma_start3A_192] : memref<10000x128xf32, #tpu.memory_space<vmem_shared>> -> memref<80x128xf32, #tpu.memory_space<vmem_shared>>
      tpu.enqueue_dma source(%arg11 : memref<80x128xf32, #tpu.memory_space<vmem>>) target(%dma_start3A_193 : memref<80x128xf32, #tpu.memory_space<vmem_shared>>) target_semaphore(%run_scoped3A : memref<!tpu.dma_semaphore, #tpu.memory_space<semaphore_mem>>)
      %dma_wait3A_194 = arith.constant 0 : i32
      %dma_wait3A_195 = tpu.memref_slice %arg15[%add3A_7, %dma_wait3A_194] : memref<10000x128xf32, #tpu.memory_space<vmem_shared>> -> memref<80x128xf32, #tpu.memory_space<vmem_shared>>
      %dma_wait3A_196 = arith.constant 0 : i32
      %dma_wait3A_197 = tpu.memref_slice %arg15[%add3A_7, %dma_wait3A_196] : memref<10000x128xf32, #tpu.memory_space<vmem_shared>> -> memref<80x128xf32, #tpu.memory_space<vmem_shared>>
      tpu.wait_dma2 semaphore(%run_scoped3A : memref<!tpu.dma_semaphore, #tpu.memory_space<semaphore_mem>>) src(%arg11 : memref<80x128xf32, #tpu.memory_space<vmem>>) dst(%dma_wait3A_197 : memref<80x128xf32, #tpu.memory_space<vmem_shared>>)
      tpu.yield
    }) : () -> ()
    %add3A_8 = arith.constant 80 : i32
    %add3A_9 = arith.addi %mul3A_6, %add3A_8 : i32
    "tpu.region"() ({
      %run_scoped3A = tpu.sem_alloc : memref<!tpu.dma_semaphore, #tpu.memory_space<semaphore_mem>>
      %dma_start3A_190 = arith.constant 0 : i32
      %dma_start3A_191 = tpu.memref_slice %arg15[%add3A_9, %dma_start3A_190] : memref<10000x128xf32, #tpu.memory_space<vmem_shared>> -> memref<80x128xf32, #tpu.memory_space<vmem_shared>>
      %dma_start3A_192 = arith.constant 0 : i32
      %dma_start3A_193 = tpu.memref_slice %arg15[%add3A_9, %dma_start3A_192] : memref<10000x128xf32, #tpu.memory_space<vmem_shared>> -> memref<80x128xf32, #tpu.memory_space<vmem_shared>>
      tpu.enqueue_dma source(%arg11 : memref<80x128xf32, #tpu.memory_space<vmem>>) target(%dma_start3A_193 : memref<80x128xf32, #tpu.memory_space<vmem_shared>>) target_semaphore(%run_scoped3A : memref<!tpu.dma_semaphore, #tpu.memory_space<semaphore_mem>>)
      %dma_wait3A_194 = arith.constant 0 : i32
      %dma_wait3A_195 = tpu.memref_slice %arg15[%add3A_9, %dma_wait3A_194] : memref<10000x128xf32, #tpu.memory_space<vmem_shared>> -> memref<80x128xf32, #tpu.memory_space<vmem_shared>>
      %dma_wait3A_196 = arith.constant 0 : i32
      %dma_wait3A_197 = tpu.memref_slice %arg15[%add3A_9, %dma_wait3A_196] : memref<10000x128xf32, #tpu.memory_space<vmem_shared>> -> memref<80x128xf32, #tpu.memory_space<vmem_shared>>
      tpu.wait_dma2 semaphore(%run_scoped3A : memref<!tpu.dma_semaphore, #tpu.memory_space<semaphore_mem>>) src(%arg11 : memref<80x128xf32, #tpu.memory_space<vmem>>) dst(%dma_wait3A_197 : memref<80x128xf32, #tpu.memory_space<vmem_shared>>)
      tpu.yield
    }) : () -> ()
    %add3A_10 = arith.constant 160 : i32
    %add3A_11 = arith.addi %mul3A_6, %add3A_10 : i32
    "tpu.region"() ({
      %run_scoped3A = tpu.sem_alloc : memref<!tpu.dma_semaphore, #tpu.memory_space<semaphore_mem>>
      %dma_start3A_190 = arith.constant 0 : i32
      %dma_start3A_191 = tpu.memref_slice %arg15[%add3A_11, %dma_start3A_190] : memref<10000x128xf32, #tpu.memory_space<vmem_shared>> -> memref<80x128xf32, #tpu.memory_space<vmem_shared>>
      %dma_start3A_192 = arith.constant 0 : i32
      %dma_start3A_193 = tpu.memref_slice %arg15[%add3A_11, %dma_start3A_192] : memref<10000x128xf32, #tpu.memory_space<vmem_shared>> -> memref<80x128xf32, #tpu.memory_space<vmem_shared>>
      tpu.enqueue_dma source(%arg11 : memref<80x128xf32, #tpu.memory_space<vmem>>) target(%dma_start3A_193 : memref<80x128xf32, #tpu.memory_space<vmem_shared>>) target_semaphore(%run_scoped3A : memref<!tpu.dma_semaphore, #tpu.memory_space<semaphore_mem>>)
      %dma_wait3A_194 = arith.constant 0 : i32
      %dma_wait3A_195 = tpu.memref_slice %arg15[%add3A_11, %dma_wait3A_194] : memref<10000x128xf32, #tpu.memory_space<vmem_shared>> -> memref<80x128xf32, #tpu.memory_space<vmem_shared>>
      %dma_wait3A_196 = arith.constant 0 : i32
      %dma_wait3A_197 = tpu.memref_slice %arg15[%add3A_11, %dma_wait3A_196] : memref<10000x128xf32, #tpu.memory_space<vmem_shared>> -> memref<80x128xf32, #tpu.memory_space<vmem_shared>>
      tpu.wait_dma2 semaphore(%run_scoped3A : memref<!tpu.dma_semaphore, #tpu.memory_space<semaphore_mem>>) src(%arg11 : memref<80x128xf32, #tpu.memory_space<vmem>>) dst(%dma_wait3A_197 : memref<80x128xf32, #tpu.memory_space<vmem_shared>>)
      tpu.yield
    }) : () -> ()
    %add3A_12 = arith.constant 240 : i32
    %add3A_13 = arith.addi %mul3A_6, %add3A_12 : i32
    "tpu.region"() ({
      %run_scoped3A = tpu.sem_alloc : memref<!tpu.dma_semaphore, #tpu.memory_space<semaphore_mem>>
      %dma_start3A_190 = arith.constant 0 : i32
      %dma_start3A_191 = tpu.memref_slice %arg15[%add3A_13, %dma_start3A_190] : memref<10000x128xf32, #tpu.memory_space<vmem_shared>> -> memref<80x128xf32, #tpu.memory_space<vmem_shared>>
      %dma_start3A_192 = arith.constant 0 : i32
      %dma_start3A_193 = tpu.memref_slice %arg15[%add3A_13, %dma_start3A_192] : memref<10000x128xf32, #tpu.memory_space<vmem_shared>> -> memref<80x128xf32, #tpu.memory_space<vmem_shared>>
      tpu.enqueue_dma source(%arg11 : memref<80x128xf32, #tpu.memory_space<vmem>>) target(%dma_start3A_193 : memref<80x128xf32, #tpu.memory_space<vmem_shared>>) target_semaphore(%run_scoped3A : memref<!tpu.dma_semaphore, #tpu.memory_space<semaphore_mem>>)
      %dma_wait3A_194 = arith.constant 0 : i32
      %dma_wait3A_195 = tpu.memref_slice %arg15[%add3A_13, %dma_wait3A_194] : memref<10000x128xf32, #tpu.memory_space<vmem_shared>> -> memref<80x128xf32, #tpu.memory_space<vmem_shared>>
      %dma_wait3A_196 = arith.constant 0 : i32
      %dma_wait3A_197 = tpu.memref_slice %arg15[%add3A_13, %dma_wait3A_196] : memref<10000x128xf32, #tpu.memory_space<vmem_shared>> -> memref<80x128xf32, #tpu.memory_space<vmem_shared>>
      tpu.wait_dma2 semaphore(%run_scoped3A : memref<!tpu.dma_semaphore, #tpu.memory_space<semaphore_mem>>) src(%arg11 : memref<80x128xf32, #tpu.memory_space<vmem>>) dst(%dma_wait3A_197 : memref<80x128xf32, #tpu.memory_space<vmem_shared>>)
      tpu.yield
    }) : () -> ()
    %add3A_14 = arith.constant 320 : i32
    %add3A_15 = arith.addi %mul3A_6, %add3A_14 : i32
    "tpu.region"() ({
      %run_scoped3A = tpu.sem_alloc : memref<!tpu.dma_semaphore, #tpu.memory_space<semaphore_mem>>
      %dma_start3A_190 = arith.constant 0 : i32
      %dma_start3A_191 = tpu.memref_slice %arg15[%add3A_15, %dma_start3A_190] : memref<10000x128xf32, #tpu.memory_space<vmem_shared>> -> memref<80x128xf32, #tpu.memory_space<vmem_shared>>
      %dma_start3A_192 = arith.constant 0 : i32
      %dma_start3A_193 = tpu.memref_slice %arg15[%add3A_15, %dma_start3A_192] : memref<10000x128xf32, #tpu.memory_space<vmem_shared>> -> memref<80x128xf32, #tpu.memory_space<vmem_shared>>
      tpu.enqueue_dma source(%arg11 : memref<80x128xf32, #tpu.memory_space<vmem>>) target(%dma_start3A_193 : memref<80x128xf32, #tpu.memory_space<vmem_shared>>) target_semaphore(%run_scoped3A : memref<!tpu.dma_semaphore, #tpu.memory_space<semaphore_mem>>)
      %dma_wait3A_194 = arith.constant 0 : i32
      %dma_wait3A_195 = tpu.memref_slice %arg15[%add3A_15, %dma_wait3A_194] : memref<10000x128xf32, #tpu.memory_space<vmem_shared>> -> memref<80x128xf32, #tpu.memory_space<vmem_shared>>
      %dma_wait3A_196 = arith.constant 0 : i32
      %dma_wait3A_197 = tpu.memref_slice %arg15[%add3A_15, %dma_wait3A_196] : memref<10000x128xf32, #tpu.memory_space<vmem_shared>> -> memref<80x128xf32, #tpu.memory_space<vmem_shared>>
      tpu.wait_dma2 semaphore(%run_scoped3A : memref<!tpu.dma_semaphore, #tpu.memory_space<semaphore_mem>>) src(%arg11 : memref<80x128xf32, #tpu.memory_space<vmem>>) dst(%dma_wait3A_197 : memref<80x128xf32, #tpu.memory_space<vmem_shared>>)
      tpu.yield
    }) : () -> ()
    %add3A_16 = arith.constant 400 : i32
    %add3A_17 = arith.addi %mul3A_6, %add3A_16 : i32
    "tpu.region"() ({
      %run_scoped3A = tpu.sem_alloc : memref<!tpu.dma_semaphore, #tpu.memory_space<semaphore_mem>>
      %dma_start3A_190 = arith.constant 0 : i32
      %dma_start3A_191 = tpu.memref_slice %arg15[%add3A_17, %dma_start3A_190] : memref<10000x128xf32, #tpu.memory_space<vmem_shared>> -> memref<80x128xf32, #tpu.memory_space<vmem_shared>>
      %dma_start3A_192 = arith.constant 0 : i32
      %dma_start3A_193 = tpu.memref_slice %arg15[%add3A_17, %dma_start3A_192] : memref<10000x128xf32, #tpu.memory_space<vmem_shared>> -> memref<80x128xf32, #tpu.memory_space<vmem_shared>>
      tpu.enqueue_dma source(%arg11 : memref<80x128xf32, #tpu.memory_space<vmem>>) target(%dma_start3A_193 : memref<80x128xf32, #tpu.memory_space<vmem_shared>>) target_semaphore(%run_scoped3A : memref<!tpu.dma_semaphore, #tpu.memory_space<semaphore_mem>>)
      %dma_wait3A_194 = arith.constant 0 : i32
      %dma_wait3A_195 = tpu.memref_slice %arg15[%add3A_17, %dma_wait3A_194] : memref<10000x128xf32, #tpu.memory_space<vmem_shared>> -> memref<80x128xf32, #tpu.memory_space<vmem_shared>>
      %dma_wait3A_196 = arith.constant 0 : i32
      %dma_wait3A_197 = tpu.memref_slice %arg15[%add3A_17, %dma_wait3A_196] : memref<10000x128xf32, #tpu.memory_space<vmem_shared>> -> memref<80x128xf32, #tpu.memory_space<vmem_shared>>
      tpu.wait_dma2 semaphore(%run_scoped3A : memref<!tpu.dma_semaphore, #tpu.memory_space<semaphore_mem>>) src(%arg11 : memref<80x128xf32, #tpu.memory_space<vmem>>) dst(%dma_wait3A_197 : memref<80x128xf32, #tpu.memory_space<vmem_shared>>)
      tpu.yield
    }) : () -> ()
    %add3A_18 = arith.constant 480 : i32
    %add3A_19 = arith.addi %mul3A_6, %add3A_18 : i32
    "tpu.region"() ({
      %run_scoped3A = tpu.sem_alloc : memref<!tpu.dma_semaphore, #tpu.memory_space<semaphore_mem>>
      %dma_start3A_190 = arith.constant 0 : i32
      %dma_start3A_191 = tpu.memref_slice %arg15[%add3A_19, %dma_start3A_190] : memref<10000x128xf32, #tpu.memory_space<vmem_shared>> -> memref<80x128xf32, #tpu.memory_space<vmem_shared>>
      %dma_start3A_192 = arith.constant 0 : i32
      %dma_start3A_193 = tpu.memref_slice %arg15[%add3A_19, %dma_start3A_192] : memref<10000x128xf32, #tpu.memory_space<vmem_shared>> -> memref<80x128xf32, #tpu.memory_space<vmem_shared>>
      tpu.enqueue_dma source(%arg11 : memref<80x128xf32, #tpu.memory_space<vmem>>) target(%dma_start3A_193 : memref<80x128xf32, #tpu.memory_space<vmem_shared>>) target_semaphore(%run_scoped3A : memref<!tpu.dma_semaphore, #tpu.memory_space<semaphore_mem>>)
      %dma_wait3A_194 = arith.constant 0 : i32
      %dma_wait3A_195 = tpu.memref_slice %arg15[%add3A_19, %dma_wait3A_194] : memref<10000x128xf32, #tpu.memory_space<vmem_shared>> -> memref<80x128xf32, #tpu.memory_space<vmem_shared>>
      %dma_wait3A_196 = arith.constant 0 : i32
      %dma_wait3A_197 = tpu.memref_slice %arg15[%add3A_19, %dma_wait3A_196] : memref<10000x128xf32, #tpu.memory_space<vmem_shared>> -> memref<80x128xf32, #tpu.memory_space<vmem_shared>>
      tpu.wait_dma2 semaphore(%run_scoped3A : memref<!tpu.dma_semaphore, #tpu.memory_space<semaphore_mem>>) src(%arg11 : memref<80x128xf32, #tpu.memory_space<vmem>>) dst(%dma_wait3A_197 : memref<80x128xf32, #tpu.memory_space<vmem_shared>>)
      tpu.yield
    }) : () -> ()
    %add3A_20 = arith.constant 624 : i32
    %add3A_21 = arith.addi %mul3A_6, %add3A_20 : i32
    %sub3A = arith.constant 64 : i32
    %sub3A_22 = arith.subi %add3A_21, %sub3A : i32
    "tpu.region"() ({
      %run_scoped3A = tpu.sem_alloc : memref<!tpu.dma_semaphore, #tpu.memory_space<semaphore_mem>>
      %dma_start3A_190 = arith.constant 0 : i32
      %dma_start3A_191 = arith.constant 0 : i32
      %dma_start3A_192 = tpu.memref_slice %arg11[%dma_start3A_190, %dma_start3A_191] : memref<80x128xf32, #tpu.memory_space<vmem>> -> memref<64x128xf32, #tpu.memory_space<vmem>>
      %dma_start3A_193 = arith.constant 0 : i32
      %dma_start3A_194 = tpu.memref_slice %arg15[%sub3A_22, %dma_start3A_193] : memref<10000x128xf32, #tpu.memory_space<vmem_shared>> -> memref<64x128xf32, #tpu.memory_space<vmem_shared>>
      %dma_start3A_195 = arith.constant 0 : i32
      %dma_start3A_196 = tpu.memref_slice %arg15[%sub3A_22, %dma_start3A_195] : memref<10000x128xf32, #tpu.memory_space<vmem_shared>> -> memref<64x128xf32, #tpu.memory_space<vmem_shared>>
      %dma_start3A_197 = arith.constant 0 : i32
      %dma_start3A_198 = arith.constant 0 : i32
      %dma_start3A_199 = tpu.memref_slice %arg11[%dma_start3A_197, %dma_start3A_198] : memref<80x128xf32, #tpu.memory_space<vmem>> -> memref<64x128xf32, #tpu.memory_space<vmem>>
      tpu.enqueue_dma source(%dma_start3A_199 : memref<64x128xf32, #tpu.memory_space<vmem>>) target(%dma_start3A_196 : memref<64x128xf32, #tpu.memory_space<vmem_shared>>) target_semaphore(%run_scoped3A : memref<!tpu.dma_semaphore, #tpu.memory_space<semaphore_mem>>)
      %dma_wait3A_200 = arith.constant 0 : i32
      %dma_wait3A_201 = arith.constant 0 : i32
      %dma_wait3A_202 = tpu.memref_slice %arg11[%dma_wait3A_200, %dma_wait3A_201] : memref<80x128xf32, #tpu.memory_space<vmem>> -> memref<64x128xf32, #tpu.memory_space<vmem>>
      %dma_wait3A_203 = arith.constant 0 : i32
      %dma_wait3A_204 = tpu.memref_slice %arg15[%sub3A_22, %dma_wait3A_203] : memref<10000x128xf32, #tpu.memory_space<vmem_shared>> -> memref<64x128xf32, #tpu.memory_space<vmem_shared>>
      %dma_wait3A_205 = arith.constant 0 : i32
      %dma_wait3A_206 = tpu.memref_slice %arg15[%sub3A_22, %dma_wait3A_205] : memref<10000x128xf32, #tpu.memory_space<vmem_shared>> -> memref<64x128xf32, #tpu.memory_space<vmem_shared>>
      %dma_wait3A_207 = arith.constant 0 : i32
      %dma_wait3A_208 = arith.constant 0 : i32
      %dma_wait3A_209 = tpu.memref_slice %arg11[%dma_wait3A_207, %dma_wait3A_208] : memref<80x128xf32, #tpu.memory_space<vmem>> -> memref<64x128xf32, #tpu.memory_space<vmem>>
      tpu.wait_dma2 semaphore(%run_scoped3A : memref<!tpu.dma_semaphore, #tpu.memory_space<semaphore_mem>>) src(%dma_wait3A_209 : memref<64x128xf32, #tpu.memory_space<vmem>>) dst(%dma_wait3A_206 : memref<64x128xf32, #tpu.memory_space<vmem_shared>>)
      tpu.yield
    }) : () -> ()
    %eq3A = arith.constant 15 : i32
    %eq3A_23 = arith.cmpi eq, %arg1, %eq3A : i32
    %convert_element_type3A = arith.extui %eq3A_23 : i1 to i32
    %cond3A = arith.constant 0 : i32
    %cond3A_24 = arith.cmpi ne, %convert_element_type3A, %cond3A : i32
    scf.if %cond3A_24 {
      "tpu.region"() ({
        %run_scoped3A = tpu.sem_alloc : memref<!tpu.dma_semaphore, #tpu.memory_space<semaphore_mem>>
        %dma_start3A_190 = arith.constant 0 : i32
        %dma_start3A_191 = arith.constant 0 : i32
        %dma_start3A_192 = tpu.memref_slice %arg11[%dma_start3A_190, %dma_start3A_191] : memref<80x128xf32, #tpu.memory_space<vmem>> -> memref<16x128xf32, #tpu.memory_space<vmem>>
        %dma_start3A_193 = arith.constant 9984 : i32
        %dma_start3A_194 = arith.constant 0 : i32
        %dma_start3A_195 = tpu.memref_slice %arg15[%dma_start3A_193, %dma_start3A_194] : memref<10000x128xf32, #tpu.memory_space<vmem_shared>> -> memref<16x128xf32, #tpu.memory_space<vmem_shared>>
        %dma_start3A_196 = arith.constant 9984 : i32
        %dma_start3A_197 = arith.constant 0 : i32
        %dma_start3A_198 = tpu.memref_slice %arg15[%dma_start3A_196, %dma_start3A_197] : memref<10000x128xf32, #tpu.memory_space<vmem_shared>> -> memref<16x128xf32, #tpu.memory_space<vmem_shared>>
        %dma_start3A_199 = arith.constant 0 : i32
        %dma_start3A_200 = arith.constant 0 : i32
        %dma_start3A_201 = tpu.memref_slice %arg11[%dma_start3A_199, %dma_start3A_200] : memref<80x128xf32, #tpu.memory_space<vmem>> -> memref<16x128xf32, #tpu.memory_space<vmem>>
        tpu.enqueue_dma source(%dma_start3A_201 : memref<16x128xf32, #tpu.memory_space<vmem>>) target(%dma_start3A_198 : memref<16x128xf32, #tpu.memory_space<vmem_shared>>) target_semaphore(%run_scoped3A : memref<!tpu.dma_semaphore, #tpu.memory_space<semaphore_mem>>)
        %dma_wait3A_202 = arith.constant 0 : i32
        %dma_wait3A_203 = arith.constant 0 : i32
        %dma_wait3A_204 = tpu.memref_slice %arg11[%dma_wait3A_202, %dma_wait3A_203] : memref<80x128xf32, #tpu.memory_space<vmem>> -> memref<16x128xf32, #tpu.memory_space<vmem>>
        %dma_wait3A_205 = arith.constant 9984 : i32
        %dma_wait3A_206 = arith.constant 0 : i32
        %dma_wait3A_207 = tpu.memref_slice %arg15[%dma_wait3A_205, %dma_wait3A_206] : memref<10000x128xf32, #tpu.memory_space<vmem_shared>> -> memref<16x128xf32, #tpu.memory_space<vmem_shared>>
        %dma_wait3A_208 = arith.constant 9984 : i32
        %dma_wait3A_209 = arith.constant 0 : i32
        %dma_wait3A_210 = tpu.memref_slice %arg15[%dma_wait3A_208, %dma_wait3A_209] : memref<10000x128xf32, #tpu.memory_space<vmem_shared>> -> memref<16x128xf32, #tpu.memory_space<vmem_shared>>
        %dma_wait3A_211 = arith.constant 0 : i32
        %dma_wait3A_212 = arith.constant 0 : i32
        %dma_wait3A_213 = tpu.memref_slice %arg11[%dma_wait3A_211, %dma_wait3A_212] : memref<80x128xf32, #tpu.memory_space<vmem>> -> memref<16x128xf32, #tpu.memory_space<vmem>>
        tpu.wait_dma2 semaphore(%run_scoped3A : memref<!tpu.dma_semaphore, #tpu.memory_space<semaphore_mem>>) src(%dma_wait3A_213 : memref<16x128xf32, #tpu.memory_space<vmem>>) dst(%dma_wait3A_210 : memref<16x128xf32, #tpu.memory_space<vmem_shared>>)
        tpu.yield
      }) : () -> ()
    } else {
    }
    %barrier3A = arith.constant 0 : index
    tpu.barrier barrier_id(%barrier3A)
    %add3A_25 = arith.constant 0 : i32
    %add3A_26 = arith.addi %arg1, %add3A_25 : i32
    %mul3A_27 = arith.constant 80 : i32
    %mul3A_28 = arith.muli %add3A_26, %mul3A_27 : i32
    %mul3A_29 = arith.constant 160000 : i32
    %mul3A_30 = arith.muli %arg0, %mul3A_29 : i32
    %add3A_31 = arith.addi %mul3A_30, %mul3A_28 : i32
    %dma_start3A = tpu.memref_slice %arg2[%add3A_31] : memref<320000xi32, #tpu.memory_space<hbm>> -> memref<80xi32, #tpu.memory_space<hbm>>
    %dma_start3A_32 = tpu.memref_slice %arg2[%add3A_31] : memref<320000xi32, #tpu.memory_space<hbm>> -> memref<80xi32, #tpu.memory_space<hbm>>
    tpu.enqueue_dma source(%dma_start3A_32 : memref<80xi32, #tpu.memory_space<hbm>>) target(%arg7 : memref<80xi32, #tpu.memory_space<vmem>>) target_semaphore(%arg22 : memref<!tpu.dma_semaphore, #tpu.memory_space<semaphore_mem>>)
    %dma_start3A_33 = tpu.memref_slice %arg3[%mul3A_28] : memref<160000xi32, #tpu.memory_space<hbm>> -> memref<80xi32, #tpu.memory_space<hbm>>
    %dma_start3A_34 = tpu.memref_slice %arg3[%mul3A_28] : memref<160000xi32, #tpu.memory_space<hbm>> -> memref<80xi32, #tpu.memory_space<hbm>>
    tpu.enqueue_dma source(%dma_start3A_34 : memref<80xi32, #tpu.memory_space<hbm>>) target(%arg9 : memref<80xi32, #tpu.memory_space<vmem>>) target_semaphore(%arg22 : memref<!tpu.dma_semaphore, #tpu.memory_space<semaphore_mem>>)
    %mul3A_35 = arith.constant 160000 : i32
    %mul3A_36 = arith.muli %arg0, %mul3A_35 : i32
    %dma_wait3A = tpu.memref_slice %arg2[%mul3A_36] : memref<320000xi32, #tpu.memory_space<hbm>> -> memref<80xi32, #tpu.memory_space<hbm>>
    %dma_wait3A_37 = tpu.memref_slice %arg2[%mul3A_36] : memref<320000xi32, #tpu.memory_space<hbm>> -> memref<80xi32, #tpu.memory_space<hbm>>
    tpu.wait_dma2 semaphore(%arg22 : memref<!tpu.dma_semaphore, #tpu.memory_space<semaphore_mem>>) src(%dma_wait3A_37 : memref<80xi32, #tpu.memory_space<hbm>>) dst(%arg7 : memref<80xi32, #tpu.memory_space<vmem>>)
    %dma_wait3A_38 = arith.constant 0 : i32
    %dma_wait3A_39 = tpu.memref_slice %arg3[%dma_wait3A_38] : memref<160000xi32, #tpu.memory_space<hbm>> -> memref<80xi32, #tpu.memory_space<hbm>>
    %dma_wait3A_40 = arith.constant 0 : i32
    %dma_wait3A_41 = tpu.memref_slice %arg3[%dma_wait3A_40] : memref<160000xi32, #tpu.memory_space<hbm>> -> memref<80xi32, #tpu.memory_space<hbm>>
    tpu.wait_dma2 semaphore(%arg22 : memref<!tpu.dma_semaphore, #tpu.memory_space<semaphore_mem>>) src(%dma_wait3A_41 : memref<80xi32, #tpu.memory_space<hbm>>) dst(%arg9 : memref<80xi32, #tpu.memory_space<vmem>>)
    %add3A_42 = arith.constant 0 : i32
    %add3A_43 = arith.addi %arg1, %add3A_42 : i32
    %mul3A_44 = arith.constant 80 : i32
    %mul3A_45 = arith.muli %add3A_43, %mul3A_44 : i32
    %dma_start3A_46 = arith.constant 0 : i32
    %dma_start3A_47 = arith.constant 0 : i32
    %dma_start3A_48 = tpu.memref_slice %arg4[%dma_start3A_46, %dma_start3A_47] : memref<20000x128xf32, #tpu.memory_space<hbm>> -> memref<20000x128xf32, #tpu.memory_space<hbm>>
    tpu.enqueue_indirect_dma source(%dma_start3A_48 : memref<20000x128xf32, #tpu.memory_space<hbm>>) target(%arg11 : memref<80x128xf32, #tpu.memory_space<vmem>>) offsets(%arg7 : memref<80xi32, #tpu.memory_space<vmem>>) semaphore(%arg16 : memref<!tpu.dma_semaphore, #tpu.memory_space<semaphore_mem>>)
    %mul3A_49 = arith.constant 160000 : i32
    %mul3A_50 = arith.muli %arg0, %mul3A_49 : i32
    %add3A_51 = arith.addi %mul3A_50, %mul3A_45 : i32
    %dma_start3A_52 = arith.constant 0 : i32
    %dma_start3A_53 = tpu.memref_slice %arg5[%add3A_51, %dma_start3A_52] : memref<320000x128xf32, #tpu.memory_space<hbm>> -> memref<80x128xf32, #tpu.memory_space<hbm>>
    %dma_start3A_54 = arith.constant 0 : i32
    %dma_start3A_55 = tpu.memref_slice %arg5[%add3A_51, %dma_start3A_54] : memref<320000x128xf32, #tpu.memory_space<hbm>> -> memref<80x128xf32, #tpu.memory_space<hbm>>
    tpu.enqueue_dma source(%dma_start3A_55 : memref<80x128xf32, #tpu.memory_space<hbm>>) target(%arg13 : memref<80x128xf32, #tpu.memory_space<vmem>>) target_semaphore(%arg18 : memref<!tpu.dma_semaphore, #tpu.memory_space<semaphore_mem>>)
    %add3A_56 = arith.constant 16 : i32
    %add3A_57 = arith.addi %arg1, %add3A_56 : i32
    %mul3A_58 = arith.constant 80 : i32
    %mul3A_59 = arith.muli %add3A_57, %mul3A_58 : i32
    %mul3A_60 = arith.constant 160000 : i32
    %mul3A_61 = arith.muli %arg0, %mul3A_60 : i32
    %add3A_62 = arith.addi %mul3A_61, %mul3A_59 : i32
    %dma_start3A_63 = tpu.memref_slice %arg2[%add3A_62] : memref<320000xi32, #tpu.memory_space<hbm>> -> memref<80xi32, #tpu.memory_space<hbm>>
    %dma_start3A_64 = tpu.memref_slice %arg2[%add3A_62] : memref<320000xi32, #tpu.memory_space<hbm>> -> memref<80xi32, #tpu.memory_space<hbm>>
    tpu.enqueue_dma source(%dma_start3A_64 : memref<80xi32, #tpu.memory_space<hbm>>) target(%arg8 : memref<80xi32, #tpu.memory_space<vmem>>) target_semaphore(%arg23 : memref<!tpu.dma_semaphore, #tpu.memory_space<semaphore_mem>>)
    %dma_start3A_65 = tpu.memref_slice %arg3[%mul3A_59] : memref<160000xi32, #tpu.memory_space<hbm>> -> memref<80xi32, #tpu.memory_space<hbm>>
    %dma_start3A_66 = tpu.memref_slice %arg3[%mul3A_59] : memref<160000xi32, #tpu.memory_space<hbm>> -> memref<80xi32, #tpu.memory_space<hbm>>
    tpu.enqueue_dma source(%dma_start3A_66 : memref<80xi32, #tpu.memory_space<hbm>>) target(%arg10 : memref<80xi32, #tpu.memory_space<vmem>>) target_semaphore(%arg23 : memref<!tpu.dma_semaphore, #tpu.memory_space<semaphore_mem>>)
    %mul3A_67 = arith.constant 160000 : i32
    %mul3A_68 = arith.muli %arg0, %mul3A_67 : i32
    %dma_wait3A_69 = tpu.memref_slice %arg2[%mul3A_68] : memref<320000xi32, #tpu.memory_space<hbm>> -> memref<80xi32, #tpu.memory_space<hbm>>
    %dma_wait3A_70 = tpu.memref_slice %arg2[%mul3A_68] : memref<320000xi32, #tpu.memory_space<hbm>> -> memref<80xi32, #tpu.memory_space<hbm>>
    tpu.wait_dma2 semaphore(%arg23 : memref<!tpu.dma_semaphore, #tpu.memory_space<semaphore_mem>>) src(%dma_wait3A_70 : memref<80xi32, #tpu.memory_space<hbm>>) dst(%arg8 : memref<80xi32, #tpu.memory_space<vmem>>)
    %dma_wait3A_71 = arith.constant 0 : i32
    %dma_wait3A_72 = tpu.memref_slice %arg3[%dma_wait3A_71] : memref<160000xi32, #tpu.memory_space<hbm>> -> memref<80xi32, #tpu.memory_space<hbm>>
    %dma_wait3A_73 = arith.constant 0 : i32
    %dma_wait3A_74 = tpu.memref_slice %arg3[%dma_wait3A_73] : memref<160000xi32, #tpu.memory_space<hbm>> -> memref<80xi32, #tpu.memory_space<hbm>>
    tpu.wait_dma2 semaphore(%arg23 : memref<!tpu.dma_semaphore, #tpu.memory_space<semaphore_mem>>) src(%dma_wait3A_74 : memref<80xi32, #tpu.memory_space<hbm>>) dst(%arg10 : memref<80xi32, #tpu.memory_space<vmem>>)
    %add3A_75 = arith.constant 16 : i32
    %add3A_76 = arith.addi %arg1, %add3A_75 : i32
    %mul3A_77 = arith.constant 80 : i32
    %mul3A_78 = arith.muli %add3A_76, %mul3A_77 : i32
    %dma_start3A_79 = arith.constant 0 : i32
    %dma_start3A_80 = arith.constant 0 : i32
    %dma_start3A_81 = tpu.memref_slice %arg4[%dma_start3A_79, %dma_start3A_80] : memref<20000x128xf32, #tpu.memory_space<hbm>> -> memref<20000x128xf32, #tpu.memory_space<hbm>>
    tpu.enqueue_indirect_dma source(%dma_start3A_81 : memref<20000x128xf32, #tpu.memory_space<hbm>>) target(%arg12 : memref<80x128xf32, #tpu.memory_space<vmem>>) offsets(%arg8 : memref<80xi32, #tpu.memory_space<vmem>>) semaphore(%arg17 : memref<!tpu.dma_semaphore, #tpu.memory_space<semaphore_mem>>)
    %mul3A_82 = arith.constant 160000 : i32
    %mul3A_83 = arith.muli %arg0, %mul3A_82 : i32
    %add3A_84 = arith.addi %mul3A_83, %mul3A_78 : i32
    %dma_start3A_85 = arith.constant 0 : i32
    %dma_start3A_86 = tpu.memref_slice %arg5[%add3A_84, %dma_start3A_85] : memref<320000x128xf32, #tpu.memory_space<hbm>> -> memref<80x128xf32, #tpu.memory_space<hbm>>
    %dma_start3A_87 = arith.constant 0 : i32
    %dma_start3A_88 = tpu.memref_slice %arg5[%add3A_84, %dma_start3A_87] : memref<320000x128xf32, #tpu.memory_space<hbm>> -> memref<80x128xf32, #tpu.memory_space<hbm>>
    tpu.enqueue_dma source(%dma_start3A_88 : memref<80x128xf32, #tpu.memory_space<hbm>>) target(%arg14 : memref<80x128xf32, #tpu.memory_space<vmem>>) target_semaphore(%arg19 : memref<!tpu.dma_semaphore, #tpu.memory_space<semaphore_mem>>)
    %dma_wait3A_89 = arith.constant 0 : i32
    %dma_wait3A_90 = arith.constant 0 : i32
    %dma_wait3A_91 = tpu.memref_slice %arg4[%dma_wait3A_89, %dma_wait3A_90] : memref<20000x128xf32, #tpu.memory_space<hbm>> -> memref<20000x128xf32, #tpu.memory_space<hbm>>
    tpu.wait_indirect_dma semaphore(%arg16 : memref<!tpu.dma_semaphore, #tpu.memory_space<semaphore_mem>>) src(%dma_wait3A_91 : memref<20000x128xf32, #tpu.memory_space<hbm>>) dst(%arg11 : memref<80x128xf32, #tpu.memory_space<vmem>>)
    %mul3A_92 = arith.constant 160000 : i32
    %mul3A_93 = arith.muli %arg0, %mul3A_92 : i32
    %dma_wait3A_94 = arith.constant 0 : i32
    %dma_wait3A_95 = tpu.memref_slice %arg5[%mul3A_93, %dma_wait3A_94] : memref<320000x128xf32, #tpu.memory_space<hbm>> -> memref<80x128xf32, #tpu.memory_space<hbm>>
    %dma_wait3A_96 = arith.constant 0 : i32
    %dma_wait3A_97 = tpu.memref_slice %arg5[%mul3A_93, %dma_wait3A_96] : memref<320000x128xf32, #tpu.memory_space<hbm>> -> memref<80x128xf32, #tpu.memory_space<hbm>>
    tpu.wait_dma2 semaphore(%arg18 : memref<!tpu.dma_semaphore, #tpu.memory_space<semaphore_mem>>) src(%dma_wait3A_97 : memref<80x128xf32, #tpu.memory_space<hbm>>) dst(%arg13 : memref<80x128xf32, #tpu.memory_space<vmem>>)
    %parallel_loop3A = arith.constant 0 : i32
    %parallel_loop3A_98 = arith.constant 80 : i32
    %parallel_loop3A_99 = arith.constant 1 : i32
    scf.for %parallel_loop3A_190 = %parallel_loop3A to %parallel_loop3A_98 step %parallel_loop3A_99  : i32 {
      %parallel_loop3A_191 = arith.index_cast %parallel_loop3A_190 : i32 to index
      %parallel_loop3A_192 = arith.constant 0 : index
      %parallel_loop3A_193 = tpu.vector_load %arg11[%parallel_loop3A_191, %parallel_loop3A_192] {strides = array<i32>} : memref<80x128xf32, #tpu.memory_space<vmem>>, vector<1x16xf32>,
      %parallel_loop3A_194 = vector.shape_cast %parallel_loop3A_193 : vector<1x16xf32> to vector<16xf32>
      %parallel_loop3A_195 = arith.index_cast %parallel_loop3A_190 : i32 to index
      %parallel_loop3A_196 = arith.constant 0 : index
      %parallel_loop3A_197 = tpu.vector_load %arg13[%parallel_loop3A_195, %parallel_loop3A_196] {strides = array<i32>} : memref<80x128xf32, #tpu.memory_space<vmem>>, vector<1x16xf32>,
      %parallel_loop3A_198 = vector.shape_cast %parallel_loop3A_197 : vector<1x16xf32> to vector<16xf32>
      %parallel_loop3A_199 = arith.addf %parallel_loop3A_194, %parallel_loop3A_198 : vector<16xf32>
      %parallel_loop3A_200 = arith.constant 0.000000e+00 : f32
      %parallel_loop3A_201 = vector.broadcast %parallel_loop3A_200 : f32 to vector<16xf32>
      %parallel_loop3A_202 = arith.maximumf %parallel_loop3A_199, %parallel_loop3A_201 : vector<16xf32>
      %parallel_loop3A_203 = arith.index_cast %parallel_loop3A_190 : i32 to index
      %parallel_loop3A_204 = arith.constant 0 : index
      %parallel_loop3A_205 = tpu.vector_load %arg13[%parallel_loop3A_203, %parallel_loop3A_204] {strides = array<i32>} : memref<80x128xf32, #tpu.memory_space<vmem>>, vector<1x16xf32>,
      %parallel_loop3A_206 = vector.shape_cast %parallel_loop3A_205 : vector<1x16xf32> to vector<16xf32>
      %parallel_loop3A_207 = vector.shape_cast %parallel_loop3A_202 : vector<16xf32> to vector<1x16xf32>
      tpu.vector_store %arg13[%parallel_loop3A_203, %parallel_loop3A_204], %parallel_loop3A_207 {strides = array<i32>} : memref<80x128xf32, #tpu.memory_space<vmem>>, vector<1x16xf32>,
      %parallel_loop3A_208 = arith.index_cast %parallel_loop3A_190 : i32 to index
      %parallel_loop3A_209 = arith.constant 16 : index
      %parallel_loop3A_210 = tpu.vector_load %arg11[%parallel_loop3A_208, %parallel_loop3A_209] {strides = array<i32>} : memref<80x128xf32, #tpu.memory_space<vmem>>, vector<1x16xf32>,
      %parallel_loop3A_211 = vector.shape_cast %parallel_loop3A_210 : vector<1x16xf32> to vector<16xf32>
      %parallel_loop3A_212 = arith.index_cast %parallel_loop3A_190 : i32 to index
      %parallel_loop3A_213 = arith.constant 16 : index
      %parallel_loop3A_214 = tpu.vector_load %arg13[%parallel_loop3A_212, %parallel_loop3A_213] {strides = array<i32>} : memref<80x128xf32, #tpu.memory_space<vmem>>, vector<1x16xf32>,
      %parallel_loop3A_215 = vector.shape_cast %parallel_loop3A_214 : vector<1x16xf32> to vector<16xf32>
      %parallel_loop3A_216 = arith.addf %parallel_loop3A_211, %parallel_loop3A_215 : vector<16xf32>
      %parallel_loop3A_217 = arith.constant 0.000000e+00 : f32
      %parallel_loop3A_218 = vector.broadcast %parallel_loop3A_217 : f32 to vector<16xf32>
      %parallel_loop3A_219 = arith.maximumf %parallel_loop3A_216, %parallel_loop3A_218 : vector<16xf32>
      %parallel_loop3A_220 = arith.index_cast %parallel_loop3A_190 : i32 to index
      %parallel_loop3A_221 = arith.constant 16 : index
      %parallel_loop3A_222 = tpu.vector_load %arg13[%parallel_loop3A_220, %parallel_loop3A_221] {strides = array<i32>} : memref<80x128xf32, #tpu.memory_space<vmem>>, vector<1x16xf32>,
      %parallel_loop3A_223 = vector.shape_cast %parallel_loop3A_222 : vector<1x16xf32> to vector<16xf32>
      %parallel_loop3A_224 = vector.shape_cast %parallel_loop3A_219 : vector<16xf32> to vector<1x16xf32>
      tpu.vector_store %arg13[%parallel_loop3A_220, %parallel_loop3A_221], %parallel_loop3A_224 {strides = array<i32>} : memref<80x128xf32, #tpu.memory_space<vmem>>, vector<1x16xf32>,
      %parallel_loop3A_225 = arith.index_cast %parallel_loop3A_190 : i32 to index
      %parallel_loop3A_226 = arith.constant 32 : index
      %parallel_loop3A_227 = tpu.vector_load %arg11[%parallel_loop3A_225, %parallel_loop3A_226] {strides = array<i32>} : memref<80x128xf32, #tpu.memory_space<vmem>>, vector<1x16xf32>,
      %parallel_loop3A_228 = vector.shape_cast %parallel_loop3A_227 : vector<1x16xf32> to vector<16xf32>
      %parallel_loop3A_229 = arith.index_cast %parallel_loop3A_190 : i32 to index
      %parallel_loop3A_230 = arith.constant 32 : index
      %parallel_loop3A_231 = tpu.vector_load %arg13[%parallel_loop3A_229, %parallel_loop3A_230] {strides = array<i32>} : memref<80x128xf32, #tpu.memory_space<vmem>>, vector<1x16xf32>,
      %parallel_loop3A_232 = vector.shape_cast %parallel_loop3A_231 : vector<1x16xf32> to vector<16xf32>
      %parallel_loop3A_233 = arith.addf %parallel_loop3A_228, %parallel_loop3A_232 : vector<16xf32>
      %parallel_loop3A_234 = arith.constant 0.000000e+00 : f32
      %parallel_loop3A_235 = vector.broadcast %parallel_loop3A_234 : f32 to vector<16xf32>
      %parallel_loop3A_236 = arith.maximumf %parallel_loop3A_233, %parallel_loop3A_235 : vector<16xf32>
      %parallel_loop3A_237 = arith.index_cast %parallel_loop3A_190 : i32 to index
      %parallel_loop3A_238 = arith.constant 32 : index
      %parallel_loop3A_239 = tpu.vector_load %arg13[%parallel_loop3A_237, %parallel_loop3A_238] {strides = array<i32>} : memref<80x128xf32, #tpu.memory_space<vmem>>, vector<1x16xf32>,
      %parallel_loop3A_240 = vector.shape_cast %parallel_loop3A_239 : vector<1x16xf32> to vector<16xf32>
      %parallel_loop3A_241 = vector.shape_cast %parallel_loop3A_236 : vector<16xf32> to vector<1x16xf32>
      tpu.vector_store %arg13[%parallel_loop3A_237, %parallel_loop3A_238], %parallel_loop3A_241 {strides = array<i32>} : memref<80x128xf32, #tpu.memory_space<vmem>>, vector<1x16xf32>,
      %parallel_loop3A_242 = arith.index_cast %parallel_loop3A_190 : i32 to index
      %parallel_loop3A_243 = arith.constant 48 : index
      %parallel_loop3A_244 = tpu.vector_load %arg11[%parallel_loop3A_242, %parallel_loop3A_243] {strides = array<i32>} : memref<80x128xf32, #tpu.memory_space<vmem>>, vector<1x16xf32>,
      %parallel_loop3A_245 = vector.shape_cast %parallel_loop3A_244 : vector<1x16xf32> to vector<16xf32>
      %parallel_loop3A_246 = arith.index_cast %parallel_loop3A_190 : i32 to index
      %parallel_loop3A_247 = arith.constant 48 : index
      %parallel_loop3A_248 = tpu.vector_load %arg13[%parallel_loop3A_246, %parallel_loop3A_247] {strides = array<i32>} : memref<80x128xf32, #tpu.memory_space<vmem>>, vector<1x16xf32>,
      %parallel_loop3A_249 = vector.shape_cast %parallel_loop3A_248 : vector<1x16xf32> to vector<16xf32>
      %parallel_loop3A_250 = arith.addf %parallel_loop3A_245, %parallel_loop3A_249 : vector<16xf32>
      %parallel_loop3A_251 = arith.constant 0.000000e+00 : f32
      %parallel_loop3A_252 = vector.broadcast %parallel_loop3A_251 : f32 to vector<16xf32>
      %parallel_loop3A_253 = arith.maximumf %parallel_loop3A_250, %parallel_loop3A_252 : vector<16xf32>
      %parallel_loop3A_254 = arith.index_cast %parallel_loop3A_190 : i32 to index
      %parallel_loop3A_255 = arith.constant 48 : index
      %parallel_loop3A_256 = tpu.vector_load %arg13[%parallel_loop3A_254, %parallel_loop3A_255] {strides = array<i32>} : memref<80x128xf32, #tpu.memory_space<vmem>>, vector<1x16xf32>,
      %parallel_loop3A_257 = vector.shape_cast %parallel_loop3A_256 : vector<1x16xf32> to vector<16xf32>
      %parallel_loop3A_258 = vector.shape_cast %parallel_loop3A_253 : vector<16xf32> to vector<1x16xf32>
      tpu.vector_store %arg13[%parallel_loop3A_254, %parallel_loop3A_255], %parallel_loop3A_258 {strides = array<i32>} : memref<80x128xf32, #tpu.memory_space<vmem>>, vector<1x16xf32>,
      %parallel_loop3A_259 = arith.index_cast %parallel_loop3A_190 : i32 to index
      %parallel_loop3A_260 = arith.constant 64 : index
      %parallel_loop3A_261 = tpu.vector_load %arg11[%parallel_loop3A_259, %parallel_loop3A_260] {strides = array<i32>} : memref<80x128xf32, #tpu.memory_space<vmem>>, vector<1x16xf32>,
      %parallel_loop3A_262 = vector.shape_cast %parallel_loop3A_261 : vector<1x16xf32> to vector<16xf32>
      %parallel_loop3A_263 = arith.index_cast %parallel_loop3A_190 : i32 to index
      %parallel_loop3A_264 = arith.constant 64 : index
      %parallel_loop3A_265 = tpu.vector_load %arg13[%parallel_loop3A_263, %parallel_loop3A_264] {strides = array<i32>} : memref<80x128xf32, #tpu.memory_space<vmem>>, vector<1x16xf32>,
      %parallel_loop3A_266 = vector.shape_cast %parallel_loop3A_265 : vector<1x16xf32> to vector<16xf32>
      %parallel_loop3A_267 = arith.addf %parallel_loop3A_262, %parallel_loop3A_266 : vector<16xf32>
      %parallel_loop3A_268 = arith.constant 0.000000e+00 : f32
      %parallel_loop3A_269 = vector.broadcast %parallel_loop3A_268 : f32 to vector<16xf32>
      %parallel_loop3A_270 = arith.maximumf %parallel_loop3A_267, %parallel_loop3A_269 : vector<16xf32>
      %parallel_loop3A_271 = arith.index_cast %parallel_loop3A_190 : i32 to index
      %parallel_loop3A_272 = arith.constant 64 : index
      %parallel_loop3A_273 = tpu.vector_load %arg13[%parallel_loop3A_271, %parallel_loop3A_272] {strides = array<i32>} : memref<80x128xf32, #tpu.memory_space<vmem>>, vector<1x16xf32>,
      %parallel_loop3A_274 = vector.shape_cast %parallel_loop3A_273 : vector<1x16xf32> to vector<16xf32>
      %parallel_loop3A_275 = vector.shape_cast %parallel_loop3A_270 : vector<16xf32> to vector<1x16xf32>
      tpu.vector_store %arg13[%parallel_loop3A_271, %parallel_loop3A_272], %parallel_loop3A_275 {strides = array<i32>} : memref<80x128xf32, #tpu.memory_space<vmem>>, vector<1x16xf32>,
      %parallel_loop3A_276 = arith.index_cast %parallel_loop3A_190 : i32 to index
      %parallel_loop3A_277 = arith.constant 80 : index
      %parallel_loop3A_278 = tpu.vector_load %arg11[%parallel_loop3A_276, %parallel_loop3A_277] {strides = array<i32>} : memref<80x128xf32, #tpu.memory_space<vmem>>, vector<1x16xf32>,
      %parallel_loop3A_279 = vector.shape_cast %parallel_loop3A_278 : vector<1x16xf32> to vector<16xf32>
      %parallel_loop3A_280 = arith.index_cast %parallel_loop3A_190 : i32 to index
      %parallel_loop3A_281 = arith.constant 80 : index
      %parallel_loop3A_282 = tpu.vector_load %arg13[%parallel_loop3A_280, %parallel_loop3A_281] {strides = array<i32>} : memref<80x128xf32, #tpu.memory_space<vmem>>, vector<1x16xf32>,
      %parallel_loop3A_283 = vector.shape_cast %parallel_loop3A_282 : vector<1x16xf32> to vector<16xf32>
      %parallel_loop3A_284 = arith.addf %parallel_loop3A_279, %parallel_loop3A_283 : vector<16xf32>
      %parallel_loop3A_285 = arith.constant 0.000000e+00 : f32
      %parallel_loop3A_286 = vector.broadcast %parallel_loop3A_285 : f32 to vector<16xf32>
      %parallel_loop3A_287 = arith.maximumf %parallel_loop3A_284, %parallel_loop3A_286 : vector<16xf32>
      %parallel_loop3A_288 = arith.index_cast %parallel_loop3A_190 : i32 to index
      %parallel_loop3A_289 = arith.constant 80 : index
      %parallel_loop3A_290 = tpu.vector_load %arg13[%parallel_loop3A_288, %parallel_loop3A_289] {strides = array<i32>} : memref<80x128xf32, #tpu.memory_space<vmem>>, vector<1x16xf32>,
      %parallel_loop3A_291 = vector.shape_cast %parallel_loop3A_290 : vector<1x16xf32> to vector<16xf32>
      %parallel_loop3A_292 = vector.shape_cast %parallel_loop3A_287 : vector<16xf32> to vector<1x16xf32>
      tpu.vector_store %arg13[%parallel_loop3A_288, %parallel_loop3A_289], %parallel_loop3A_292 {strides = array<i32>} : memref<80x128xf32, #tpu.memory_space<vmem>>, vector<1x16xf32>,
      %parallel_loop3A_293 = arith.index_cast %parallel_loop3A_190 : i32 to index
      %parallel_loop3A_294 = arith.constant 96 : index
      %parallel_loop3A_295 = tpu.vector_load %arg11[%parallel_loop3A_293, %parallel_loop3A_294] {strides = array<i32>} : memref<80x128xf32, #tpu.memory_space<vmem>>, vector<1x16xf32>,
      %parallel_loop3A_296 = vector.shape_cast %parallel_loop3A_295 : vector<1x16xf32> to vector<16xf32>
      %parallel_loop3A_297 = arith.index_cast %parallel_loop3A_190 : i32 to index
      %parallel_loop3A_298 = arith.constant 96 : index
      %parallel_loop3A_299 = tpu.vector_load %arg13[%parallel_loop3A_297, %parallel_loop3A_298] {strides = array<i32>} : memref<80x128xf32, #tpu.memory_space<vmem>>, vector<1x16xf32>,
      %parallel_loop3A_300 = vector.shape_cast %parallel_loop3A_299 : vector<1x16xf32> to vector<16xf32>
      %parallel_loop3A_301 = arith.addf %parallel_loop3A_296, %parallel_loop3A_300 : vector<16xf32>
      %parallel_loop3A_302 = arith.constant 0.000000e+00 : f32
      %parallel_loop3A_303 = vector.broadcast %parallel_loop3A_302 : f32 to vector<16xf32>
      %parallel_loop3A_304 = arith.maximumf %parallel_loop3A_301, %parallel_loop3A_303 : vector<16xf32>
      %parallel_loop3A_305 = arith.index_cast %parallel_loop3A_190 : i32 to index
      %parallel_loop3A_306 = arith.constant 96 : index
      %parallel_loop3A_307 = tpu.vector_load %arg13[%parallel_loop3A_305, %parallel_loop3A_306] {strides = array<i32>} : memref<80x128xf32, #tpu.memory_space<vmem>>, vector<1x16xf32>,
      %parallel_loop3A_308 = vector.shape_cast %parallel_loop3A_307 : vector<1x16xf32> to vector<16xf32>
      %parallel_loop3A_309 = vector.shape_cast %parallel_loop3A_304 : vector<16xf32> to vector<1x16xf32>
      tpu.vector_store %arg13[%parallel_loop3A_305, %parallel_loop3A_306], %parallel_loop3A_309 {strides = array<i32>} : memref<80x128xf32, #tpu.memory_space<vmem>>, vector<1x16xf32>,
      %parallel_loop3A_310 = arith.index_cast %parallel_loop3A_190 : i32 to index
      %parallel_loop3A_311 = arith.constant 112 : index
      %parallel_loop3A_312 = tpu.vector_load %arg11[%parallel_loop3A_310, %parallel_loop3A_311] {strides = array<i32>} : memref<80x128xf32, #tpu.memory_space<vmem>>, vector<1x16xf32>,
      %parallel_loop3A_313 = vector.shape_cast %parallel_loop3A_312 : vector<1x16xf32> to vector<16xf32>
      %parallel_loop3A_314 = arith.index_cast %parallel_loop3A_190 : i32 to index
      %parallel_loop3A_315 = arith.constant 112 : index
      %parallel_loop3A_316 = tpu.vector_load %arg13[%parallel_loop3A_314, %parallel_loop3A_315] {strides = array<i32>} : memref<80x128xf32, #tpu.memory_space<vmem>>, vector<1x16xf32>,
      %parallel_loop3A_317 = vector.shape_cast %parallel_loop3A_316 : vector<1x16xf32> to vector<16xf32>
      %parallel_loop3A_318 = arith.addf %parallel_loop3A_313, %parallel_loop3A_317 : vector<16xf32>
      %parallel_loop3A_319 = arith.constant 0.000000e+00 : f32
      %parallel_loop3A_320 = vector.broadcast %parallel_loop3A_319 : f32 to vector<16xf32>
      %parallel_loop3A_321 = arith.maximumf %parallel_loop3A_318, %parallel_loop3A_320 : vector<16xf32>
      %parallel_loop3A_322 = arith.index_cast %parallel_loop3A_190 : i32 to index
      %parallel_loop3A_323 = arith.constant 112 : index
      %parallel_loop3A_324 = tpu.vector_load %arg13[%parallel_loop3A_322, %parallel_loop3A_323] {strides = array<i32>} : memref<80x128xf32, #tpu.memory_space<vmem>>, vector<1x16xf32>,
      %parallel_loop3A_325 = vector.shape_cast %parallel_loop3A_324 : vector<1x16xf32> to vector<16xf32>
      %parallel_loop3A_326 = vector.shape_cast %parallel_loop3A_321 : vector<16xf32> to vector<1x16xf32>
      tpu.vector_store %arg13[%parallel_loop3A_322, %parallel_loop3A_323], %parallel_loop3A_326 {strides = array<i32>} : memref<80x128xf32, #tpu.memory_space<vmem>>, vector<1x16xf32>,
    } {sc.loop_unroll_factor = 4 : i64, sc.parallel_access}
    %dma_start3A_100 = arith.constant 0 : i32
    %dma_start3A_101 = arith.constant 0 : i32
    %dma_start3A_102 = tpu.memref_slice %arg15[%dma_start3A_100, %dma_start3A_101] : memref<10000x128xf32, #tpu.memory_space<vmem_shared>> -> memref<10000x128xf32, #tpu.memory_space<vmem_shared>>
    tpu.enqueue_indirect_dma source(%arg13 : memref<80x128xf32, #tpu.memory_space<vmem>>) target(%dma_start3A_102 : memref<10000x128xf32, #tpu.memory_space<vmem_shared>>) offsets(%arg9 : memref<80xi32, #tpu.memory_space<vmem>>) semaphore(%arg20 : memref<!tpu.dma_semaphore, #tpu.memory_space<semaphore_mem>>) {add = true}
    %dma_wait3A_103 = arith.constant 0 : i32
    %dma_wait3A_104 = arith.constant 0 : i32
    %dma_wait3A_105 = tpu.memref_slice %arg4[%dma_wait3A_103, %dma_wait3A_104] : memref<20000x128xf32, #tpu.memory_space<hbm>> -> memref<20000x128xf32, #tpu.memory_space<hbm>>
    tpu.wait_indirect_dma semaphore(%arg17 : memref<!tpu.dma_semaphore, #tpu.memory_space<semaphore_mem>>) src(%dma_wait3A_105 : memref<20000x128xf32, #tpu.memory_space<hbm>>) dst(%arg12 : memref<80x128xf32, #tpu.memory_space<vmem>>)
    %mul3A_106 = arith.constant 160000 : i32
    %mul3A_107 = arith.muli %arg0, %mul3A_106 : i32
    %dma_wait3A_108 = arith.constant 0 : i32
    %dma_wait3A_109 = tpu.memref_slice %arg5[%mul3A_107, %dma_wait3A_108] : memref<320000x128xf32, #tpu.memory_space<hbm>> -> memref<80x128xf32, #tpu.memory_space<hbm>>
    %dma_wait3A_110 = arith.constant 0 : i32
    %dma_wait3A_111 = tpu.memref_slice %arg5[%mul3A_107, %dma_wait3A_110] : memref<320000x128xf32, #tpu.memory_space<hbm>> -> memref<80x128xf32, #tpu.memory_space<hbm>>
    tpu.wait_dma2 semaphore(%arg19 : memref<!tpu.dma_semaphore, #tpu.memory_space<semaphore_mem>>) src(%dma_wait3A_111 : memref<80x128xf32, #tpu.memory_space<hbm>>) dst(%arg14 : memref<80x128xf32, #tpu.memory_space<vmem>>)
    %dma_wait3A_112 = arith.constant 0 : i32
    %dma_wait3A_113 = arith.constant 0 : i32
    %dma_wait3A_114 = tpu.memref_slice %arg15[%dma_wait3A_112, %dma_wait3A_113] : memref<10000x128xf32, #tpu.memory_space<vmem_shared>> -> memref<10000x128xf32, #tpu.memory_space<vmem_shared>>
    tpu.wait_indirect_dma semaphore(%arg20 : memref<!tpu.dma_semaphore, #tpu.memory_space<semaphore_mem>>) src(%arg13 : memref<80x128xf32, #tpu.memory_space<vmem>>) dst(%dma_wait3A_114 : memref<10000x128xf32, #tpu.memory_space<vmem_shared>>)
    %add3A_115 = arith.constant 32 : i32
    %add3A_116 = arith.addi %arg1, %add3A_115 : i32
    %mul3A_117 = arith.constant 80 : i32
    %mul3A_118 = arith.muli %add3A_116, %mul3A_117 : i32
    %mul3A_119 = arith.constant 160000 : i32
    %mul3A_120 = arith.muli %arg0, %mul3A_119 : i32
    %add3A_121 = arith.addi %mul3A_120, %mul3A_118 : i32
    %dma_start3A_122 = tpu.memref_slice %arg2[%add3A_121] : memref<320000xi32, #tpu.memory_space<hbm>> -> memref<80xi32, #tpu.memory_space<hbm>>
    %dma_start3A_123 = tpu.memref_slice %arg2[%add3A_121] : memref<320000xi32, #tpu.memory_space<hbm>> -> memref<80xi32, #tpu.memory_space<hbm>>
    tpu.enqueue_dma source(%dma_start3A_123 : memref<80xi32, #tpu.memory_space<hbm>>) target(%arg7 : memref<80xi32, #tpu.memory_space<vmem>>) target_semaphore(%arg22 : memref<!tpu.dma_semaphore, #tpu.memory_space<semaphore_mem>>)
    %dma_start3A_124 = tpu.memref_slice %arg3[%mul3A_118] : memref<160000xi32, #tpu.memory_space<hbm>> -> memref<80xi32, #tpu.memory_space<hbm>>
    %dma_start3A_125 = tpu.memref_slice %arg3[%mul3A_118] : memref<160000xi32, #tpu.memory_space<hbm>> -> memref<80xi32, #tpu.memory_space<hbm>>
    tpu.enqueue_dma source(%dma_start3A_125 : memref<80xi32, #tpu.memory_space<hbm>>) target(%arg9 : memref<80xi32, #tpu.memory_space<vmem>>) target_semaphore(%arg22 : memref<!tpu.dma_semaphore, #tpu.memory_space<semaphore_mem>>)
    %mul3A_126 = arith.constant 160000 : i32
    %mul3A_127 = arith.muli %arg0, %mul3A_126 : i32
    %dma_wait3A_128 = tpu.memref_slice %arg2[%mul3A_127] : memref<320000xi32, #tpu.memory_space<hbm>> -> memref<80xi32, #tpu.memory_space<hbm>>
    %dma_wait3A_129 = tpu.memref_slice %arg2[%mul3A_127] : memref<320000xi32, #tpu.memory_space<hbm>> -> memref<80xi32, #tpu.memory_space<hbm>>
    tpu.wait_dma2 semaphore(%arg22 : memref<!tpu.dma_semaphore, #tpu.memory_space<semaphore_mem>>) src(%dma_wait3A_129 : memref<80xi32, #tpu.memory_space<hbm>>) dst(%arg7 : memref<80xi32, #tpu.memory_space<vmem>>)
    %dma_wait3A_130 = arith.constant 0 : i32
    %dma_wait3A_131 = tpu.memref_slice %arg3[%dma_wait3A_130] : memref<160000xi32, #tpu.memory_space<hbm>> -> memref<80xi32, #tpu.memory_space<hbm>>
    %dma_wait3A_132 = arith.constant 0 : i32
    %dma_wait3A_133 = tpu.memref_slice %arg3[%dma_wait3A_132] : memref<160000xi32, #tpu.memory_space<hbm>> -> memref<80xi32, #tpu.memory_space<hbm>>
    tpu.wait_dma2 semaphore(%arg22 : memref<!tpu.dma_semaphore, #tpu.memory_space<semaphore_mem>>) src(%dma_wait3A_133 : memref<80xi32, #tpu.memory_space<hbm>>) dst(%arg9 : memref<80xi32, #tpu.memory_space<vmem>>)
    %add3A_134 = arith.constant 32 : i32
    %add3A_135 = arith.addi %arg1, %add3A_134 : i32
    %mul3A_136 = arith.constant 80 : i32
    %mul3A_137 = arith.muli %add3A_135, %mul3A_136 : i32
    %dma_start3A_138 = arith.constant 0 : i32
    %dma_start3A_139 = arith.constant 0 : i32
    %dma_start3A_140 = tpu.memref_slice %arg4[%dma_start3A_138, %dma_start3A_139] : memref<20000x128xf32, #tpu.memory_space<hbm>> -> memref<20000x128xf32, #tpu.memory_space<hbm>>
    tpu.enqueue_indirect_dma source(%dma_start3A_140 : memref<20000x128xf32, #tpu.memory_space<hbm>>) target(%arg11 : memref<80x128xf32, #tpu.memory_space<vmem>>) offsets(%arg7 : memref<80xi32, #tpu.memory_space<vmem>>) semaphore(%arg16 : memref<!tpu.dma_semaphore, #tpu.memory_space<semaphore_mem>>)
    %mul3A_141 = arith.constant 160000 : i32
    %mul3A_142 = arith.muli %arg0, %mul3A_141 : i32
    %add3A_143 = arith.addi %mul3A_142, %mul3A_137 : i32
    %dma_start3A_144 = arith.constant 0 : i32
    %dma_start3A_145 = tpu.memref_slice %arg5[%add3A_143, %dma_start3A_144] : memref<320000x128xf32, #tpu.memory_space<hbm>> -> memref<80x128xf32, #tpu.memory_space<hbm>>
    %dma_start3A_146 = arith.constant 0 : i32
    %dma_start3A_147 = tpu.memref_slice %arg5[%add3A_143, %dma_start3A_146] : memref<320000x128xf32, #tpu.memory_space<hbm>> -> memref<80x128xf32, #tpu.memory_space<hbm>>
    tpu.enqueue_dma source(%dma_start3A_147 : memref<80x128xf32, #tpu.memory_space<hbm>>) target(%arg13 : memref<80x128xf32, #tpu.memory_space<vmem>>) target_semaphore(%arg18 : memref<!tpu.dma_semaphore, #tpu.memory_space<semaphore_mem>>)
    %parallel_loop3A_148 = arith.constant 0 : i32
    %parallel_loop3A_149 = arith.constant 80 : i32
    %parallel_loop3A_150 = arith.constant 1 : i32
    scf.for %parallel_loop3A_190 = %parallel_loop3A_148 to %parallel_loop3A_149 step %parallel_loop3A_150  : i32 {
      %parallel_loop3A_191 = arith.index_cast %parallel_loop3A_190 : i32 to index
      %parallel_loop3A_192 = arith.constant 0 : index
      %parallel_loop3A_193 = tpu.vector_load %arg12[%parallel_loop3A_191, %parallel_loop3A_192] {strides = array<i32>} : memref<80x128xf32, #tpu.memory_space<vmem>>, vector<1x16xf32>,
      %parallel_loop3A_194 = vector.shape_cast %parallel_loop3A_193 : vector<1x16xf32> to vector<16xf32>
      %parallel_loop3A_195 = arith.index_cast %parallel_loop3A_190 : i32 to index
      %parallel_loop3A_196 = arith.constant 0 : index
      %parallel_loop3A_197 = tpu.vector_load %arg14[%parallel_loop3A_195, %parallel_loop3A_196] {strides = array<i32>} : memref<80x128xf32, #tpu.memory_space<vmem>>, vector<1x16xf32>,
      %parallel_loop3A_198 = vector.shape_cast %parallel_loop3A_197 : vector<1x16xf32> to vector<16xf32>
      %parallel_loop3A_199 = arith.addf %parallel_loop3A_194, %parallel_loop3A_198 : vector<16xf32>
      %parallel_loop3A_200 = arith.constant 0.000000e+00 : f32
      %parallel_loop3A_201 = vector.broadcast %parallel_loop3A_200 : f32 to vector<16xf32>
      %parallel_loop3A_202 = arith.maximumf %parallel_loop3A_199, %parallel_loop3A_201 : vector<16xf32>
      %parallel_loop3A_203 = arith.index_cast %parallel_loop3A_190 : i32 to index
      %parallel_loop3A_204 = arith.constant 0 : index
      %parallel_loop3A_205 = tpu.vector_load %arg14[%parallel_loop3A_203, %parallel_loop3A_204] {strides = array<i32>} : memref<80x128xf32, #tpu.memory_space<vmem>>, vector<1x16xf32>,
      %parallel_loop3A_206 = vector.shape_cast %parallel_loop3A_205 : vector<1x16xf32> to vector<16xf32>
      %parallel_loop3A_207 = vector.shape_cast %parallel_loop3A_202 : vector<16xf32> to vector<1x16xf32>
      tpu.vector_store %arg14[%parallel_loop3A_203, %parallel_loop3A_204], %parallel_loop3A_207 {strides = array<i32>} : memref<80x128xf32, #tpu.memory_space<vmem>>, vector<1x16xf32>,
      %parallel_loop3A_208 = arith.index_cast %parallel_loop3A_190 : i32 to index
      %parallel_loop3A_209 = arith.constant 16 : index
      %parallel_loop3A_210 = tpu.vector_load %arg12[%parallel_loop3A_208, %parallel_loop3A_209] {strides = array<i32>} : memref<80x128xf32, #tpu.memory_space<vmem>>, vector<1x16xf32>,
      %parallel_loop3A_211 = vector.shape_cast %parallel_loop3A_210 : vector<1x16xf32> to vector<16xf32>
      %parallel_loop3A_212 = arith.index_cast %parallel_loop3A_190 : i32 to index
      %parallel_loop3A_213 = arith.constant 16 : index
      %parallel_loop3A_214 = tpu.vector_load %arg14[%parallel_loop3A_212, %parallel_loop3A_213] {strides = array<i32>} : memref<80x128xf32, #tpu.memory_space<vmem>>, vector<1x16xf32>,
      %parallel_loop3A_215 = vector.shape_cast %parallel_loop3A_214 : vector<1x16xf32> to vector<16xf32>
      %parallel_loop3A_216 = arith.addf %parallel_loop3A_211, %parallel_loop3A_215 : vector<16xf32>
      %parallel_loop3A_217 = arith.constant 0.000000e+00 : f32
      %parallel_loop3A_218 = vector.broadcast %parallel_loop3A_217 : f32 to vector<16xf32>
      %parallel_loop3A_219 = arith.maximumf %parallel_loop3A_216, %parallel_loop3A_218 : vector<16xf32>
      %parallel_loop3A_220 = arith.index_cast %parallel_loop3A_190 : i32 to index
      %parallel_loop3A_221 = arith.constant 16 : index
      %parallel_loop3A_222 = tpu.vector_load %arg14[%parallel_loop3A_220, %parallel_loop3A_221] {strides = array<i32>} : memref<80x128xf32, #tpu.memory_space<vmem>>, vector<1x16xf32>,
      %parallel_loop3A_223 = vector.shape_cast %parallel_loop3A_222 : vector<1x16xf32> to vector<16xf32>
      %parallel_loop3A_224 = vector.shape_cast %parallel_loop3A_219 : vector<16xf32> to vector<1x16xf32>
      tpu.vector_store %arg14[%parallel_loop3A_220, %parallel_loop3A_221], %parallel_loop3A_224 {strides = array<i32>} : memref<80x128xf32, #tpu.memory_space<vmem>>, vector<1x16xf32>,
      %parallel_loop3A_225 = arith.index_cast %parallel_loop3A_190 : i32 to index
      %parallel_loop3A_226 = arith.constant 32 : index
      %parallel_loop3A_227 = tpu.vector_load %arg12[%parallel_loop3A_225, %parallel_loop3A_226] {strides = array<i32>} : memref<80x128xf32, #tpu.memory_space<vmem>>, vector<1x16xf32>,
      %parallel_loop3A_228 = vector.shape_cast %parallel_loop3A_227 : vector<1x16xf32> to vector<16xf32>
      %parallel_loop3A_229 = arith.index_cast %parallel_loop3A_190 : i32 to index
      %parallel_loop3A_230 = arith.constant 32 : index
      %parallel_loop3A_231 = tpu.vector_load %arg14[%parallel_loop3A_229, %parallel_loop3A_230] {strides = array<i32>} : memref<80x128xf32, #tpu.memory_space<vmem>>, vector<1x16xf32>,
      %parallel_loop3A_232 = vector.shape_cast %parallel_loop3A_231 : vector<1x16xf32> to vector<16xf32>
      %parallel_loop3A_233 = arith.addf %parallel_loop3A_228, %parallel_loop3A_232 : vector<16xf32>
      %parallel_loop3A_234 = arith.constant 0.000000e+00 : f32
      %parallel_loop3A_235 = vector.broadcast %parallel_loop3A_234 : f32 to vector<16xf32>
      %parallel_loop3A_236 = arith.maximumf %parallel_loop3A_233, %parallel_loop3A_235 : vector<16xf32>
      %parallel_loop3A_237 = arith.index_cast %parallel_loop3A_190 : i32 to index
      %parallel_loop3A_238 = arith.constant 32 : index
      %parallel_loop3A_239 = tpu.vector_load %arg14[%parallel_loop3A_237, %parallel_loop3A_238] {strides = array<i32>} : memref<80x128xf32, #tpu.memory_space<vmem>>, vector<1x16xf32>,
      %parallel_loop3A_240 = vector.shape_cast %parallel_loop3A_239 : vector<1x16xf32> to vector<16xf32>
      %parallel_loop3A_241 = vector.shape_cast %parallel_loop3A_236 : vector<16xf32> to vector<1x16xf32>
      tpu.vector_store %arg14[%parallel_loop3A_237, %parallel_loop3A_238], %parallel_loop3A_241 {strides = array<i32>} : memref<80x128xf32, #tpu.memory_space<vmem>>, vector<1x16xf32>,
      %parallel_loop3A_242 = arith.index_cast %parallel_loop3A_190 : i32 to index
      %parallel_loop3A_243 = arith.constant 48 : index
      %parallel_loop3A_244 = tpu.vector_load %arg12[%parallel_loop3A_242, %parallel_loop3A_243] {strides = array<i32>} : memref<80x128xf32, #tpu.memory_space<vmem>>, vector<1x16xf32>,
      %parallel_loop3A_245 = vector.shape_cast %parallel_loop3A_244 : vector<1x16xf32> to vector<16xf32>
      %parallel_loop3A_246 = arith.index_cast %parallel_loop3A_190 : i32 to index
      %parallel_loop3A_247 = arith.constant 48 : index
      %parallel_loop3A_248 = tpu.vector_load %arg14[%parallel_loop3A_246, %parallel_loop3A_247] {strides = array<i32>} : memref<80x128xf32, #tpu.memory_space<vmem>>, vector<1x16xf32>,
      %parallel_loop3A_249 = vector.shape_cast %parallel_loop3A_248 : vector<1x16xf32> to vector<16xf32>
      %parallel_loop3A_250 = arith.addf %parallel_loop3A_245, %parallel_loop3A_249 : vector<16xf32>
      %parallel_loop3A_251 = arith.constant 0.000000e+00 : f32
      %parallel_loop3A_252 = vector.broadcast %parallel_loop3A_251 : f32 to vector<16xf32>
      %parallel_loop3A_253 = arith.maximumf %parallel_loop3A_250, %parallel_loop3A_252 : vector<16xf32>
      %parallel_loop3A_254 = arith.index_cast %parallel_loop3A_190 : i32 to index
      %parallel_loop3A_255 = arith.constant 48 : index
      %parallel_loop3A_256 = tpu.vector_load %arg14[%parallel_loop3A_254, %parallel_loop3A_255] {strides = array<i32>} : memref<80x128xf32, #tpu.memory_space<vmem>>, vector<1x16xf32>,
      %parallel_loop3A_257 = vector.shape_cast %parallel_loop3A_256 : vector<1x16xf32> to vector<16xf32>
      %parallel_loop3A_258 = vector.shape_cast %parallel_loop3A_253 : vector<16xf32> to vector<1x16xf32>
      tpu.vector_store %arg14[%parallel_loop3A_254, %parallel_loop3A_255], %parallel_loop3A_258 {strides = array<i32>} : memref<80x128xf32, #tpu.memory_space<vmem>>, vector<1x16xf32>,
      %parallel_loop3A_259 = arith.index_cast %parallel_loop3A_190 : i32 to index
      %parallel_loop3A_260 = arith.constant 64 : index
      %parallel_loop3A_261 = tpu.vector_load %arg12[%parallel_loop3A_259, %parallel_loop3A_260] {strides = array<i32>} : memref<80x128xf32, #tpu.memory_space<vmem>>, vector<1x16xf32>,
      %parallel_loop3A_262 = vector.shape_cast %parallel_loop3A_261 : vector<1x16xf32> to vector<16xf32>
      %parallel_loop3A_263 = arith.index_cast %parallel_loop3A_190 : i32 to index
      %parallel_loop3A_264 = arith.constant 64 : index
      %parallel_loop3A_265 = tpu.vector_load %arg14[%parallel_loop3A_263, %parallel_loop3A_264] {strides = array<i32>} : memref<80x128xf32, #tpu.memory_space<vmem>>, vector<1x16xf32>,
      %parallel_loop3A_266 = vector.shape_cast %parallel_loop3A_265 : vector<1x16xf32> to vector<16xf32>
      %parallel_loop3A_267 = arith.addf %parallel_loop3A_262, %parallel_loop3A_266 : vector<16xf32>
      %parallel_loop3A_268 = arith.constant 0.000000e+00 : f32
      %parallel_loop3A_269 = vector.broadcast %parallel_loop3A_268 : f32 to vector<16xf32>
      %parallel_loop3A_270 = arith.maximumf %parallel_loop3A_267, %parallel_loop3A_269 : vector<16xf32>
      %parallel_loop3A_271 = arith.index_cast %parallel_loop3A_190 : i32 to index
      %parallel_loop3A_272 = arith.constant 64 : index
      %parallel_loop3A_273 = tpu.vector_load %arg14[%parallel_loop3A_271, %parallel_loop3A_272] {strides = array<i32>} : memref<80x128xf32, #tpu.memory_space<vmem>>, vector<1x16xf32>,
      %parallel_loop3A_274 = vector.shape_cast %parallel_loop3A_273 : vector<1x16xf32> to vector<16xf32>
      %parallel_loop3A_275 = vector.shape_cast %parallel_loop3A_270 : vector<16xf32> to vector<1x16xf32>
      tpu.vector_store %arg14[%parallel_loop3A_271, %parallel_loop3A_272], %parallel_loop3A_275 {strides = array<i32>} : memref<80x128xf32, #tpu.memory_space<vmem>>, vector<1x16xf32>,
      %parallel_loop3A_276 = arith.index_cast %parallel_loop3A_190 : i32 to index
      %parallel_loop3A_277 = arith.constant 80 : index
      %parallel_loop3A_278 = tpu.vector_load %arg12[%parallel_loop3A_276, %parallel_loop3A_277] {strides = array<i32>} : memref<80x128xf32, #tpu.memory_space<vmem>>, vector<1x16xf32>,
      %parallel_loop3A_279 = vector.shape_cast %parallel_loop3A_278 : vector<1x16xf32> to vector<16xf32>
      %parallel_loop3A_280 = arith.index_cast %parallel_loop3A_190 : i32 to index
      %parallel_loop3A_281 = arith.constant 80 : index
      %parallel_loop3A_282 = tpu.vector_load %arg14[%parallel_loop3A_280, %parallel_loop3A_281] {strides = array<i32>} : memref<80x128xf32, #tpu.memory_space<vmem>>, vector<1x16xf32>,
      %parallel_loop3A_283 = vector.shape_cast %parallel_loop3A_282 : vector<1x16xf32> to vector<16xf32>
      %parallel_loop3A_284 = arith.addf %parallel_loop3A_279, %parallel_loop3A_283 : vector<16xf32>
      %parallel_loop3A_285 = arith.constant 0.000000e+00 : f32
      %parallel_loop3A_286 = vector.broadcast %parallel_loop3A_285 : f32 to vector<16xf32>
      %parallel_loop3A_287 = arith.maximumf %parallel_loop3A_284, %parallel_loop3A_286 : vector<16xf32>
      %parallel_loop3A_288 = arith.index_cast %parallel_loop3A_190 : i32 to index
      %parallel_loop3A_289 = arith.constant 80 : index
      %parallel_loop3A_290 = tpu.vector_load %arg14[%parallel_loop3A_288, %parallel_loop3A_289] {strides = array<i32>} : memref<80x128xf32, #tpu.memory_space<vmem>>, vector<1x16xf32>,
      %parallel_loop3A_291 = vector.shape_cast %parallel_loop3A_290 : vector<1x16xf32> to vector<16xf32>
      %parallel_loop3A_292 = vector.shape_cast %parallel_loop3A_287 : vector<16xf32> to vector<1x16xf32>
      tpu.vector_store %arg14[%parallel_loop3A_288, %parallel_loop3A_289], %parallel_loop3A_292 {strides = array<i32>} : memref<80x128xf32, #tpu.memory_space<vmem>>, vector<1x16xf32>,
      %parallel_loop3A_293 = arith.index_cast %parallel_loop3A_190 : i32 to index
      %parallel_loop3A_294 = arith.constant 96 : index
      %parallel_loop3A_295 = tpu.vector_load %arg12[%parallel_loop3A_293, %parallel_loop3A_294] {strides = array<i32>} : memref<80x128xf32, #tpu.memory_space<vmem>>, vector<1x16xf32>,
      %parallel_loop3A_296 = vector.shape_cast %parallel_loop3A_295 : vector<1x16xf32> to vector<16xf32>
      %parallel_loop3A_297 = arith.index_cast %parallel_loop3A_190 : i32 to index
      %parallel_loop3A_298 = arith.constant 96 : index
      %parallel_loop3A_299 = tpu.vector_load %arg14[%parallel_loop3A_297, %parallel_loop3A_298] {strides = array<i32>} : memref<80x128xf32, #tpu.memory_space<vmem>>, vector<1x16xf32>,
      %parallel_loop3A_300 = vector.shape_cast %parallel_loop3A_299 : vector<1x16xf32> to vector<16xf32>
      %parallel_loop3A_301 = arith.addf %parallel_loop3A_296, %parallel_loop3A_300 : vector<16xf32>
      %parallel_loop3A_302 = arith.constant 0.000000e+00 : f32
      %parallel_loop3A_303 = vector.broadcast %parallel_loop3A_302 : f32 to vector<16xf32>
      %parallel_loop3A_304 = arith.maximumf %parallel_loop3A_301, %parallel_loop3A_303 : vector<16xf32>
      %parallel_loop3A_305 = arith.index_cast %parallel_loop3A_190 : i32 to index
      %parallel_loop3A_306 = arith.constant 96 : index
      %parallel_loop3A_307 = tpu.vector_load %arg14[%parallel_loop3A_305, %parallel_loop3A_306] {strides = array<i32>} : memref<80x128xf32, #tpu.memory_space<vmem>>, vector<1x16xf32>,
      %parallel_loop3A_308 = vector.shape_cast %parallel_loop3A_307 : vector<1x16xf32> to vector<16xf32>
      %parallel_loop3A_309 = vector.shape_cast %parallel_loop3A_304 : vector<16xf32> to vector<1x16xf32>
      tpu.vector_store %arg14[%parallel_loop3A_305, %parallel_loop3A_306], %parallel_loop3A_309 {strides = array<i32>} : memref<80x128xf32, #tpu.memory_space<vmem>>, vector<1x16xf32>,
      %parallel_loop3A_310 = arith.index_cast %parallel_loop3A_190 : i32 to index
      %parallel_loop3A_311 = arith.constant 112 : index
      %parallel_loop3A_312 = tpu.vector_load %arg12[%parallel_loop3A_310, %parallel_loop3A_311] {strides = array<i32>} : memref<80x128xf32, #tpu.memory_space<vmem>>, vector<1x16xf32>,
      %parallel_loop3A_313 = vector.shape_cast %parallel_loop3A_312 : vector<1x16xf32> to vector<16xf32>
      %parallel_loop3A_314 = arith.index_cast %parallel_loop3A_190 : i32 to index
      %parallel_loop3A_315 = arith.constant 112 : index
      %parallel_loop3A_316 = tpu.vector_load %arg14[%parallel_loop3A_314, %parallel_loop3A_315] {strides = array<i32>} : memref<80x128xf32, #tpu.memory_space<vmem>>, vector<1x16xf32>,
      %parallel_loop3A_317 = vector.shape_cast %parallel_loop3A_316 : vector<1x16xf32> to vector<16xf32>
      %parallel_loop3A_318 = arith.addf %parallel_loop3A_313, %parallel_loop3A_317 : vector<16xf32>
      %parallel_loop3A_319 = arith.constant 0.000000e+00 : f32
      %parallel_loop3A_320 = vector.broadcast %parallel_loop3A_319 : f32 to vector<16xf32>
      %parallel_loop3A_321 = arith.maximumf %parallel_loop3A_318, %parallel_loop3A_320 : vector<16xf32>
      %parallel_loop3A_322 = arith.index_cast %parallel_loop3A_190 : i32 to index
      %parallel_loop3A_323 = arith.constant 112 : index
      %parallel_loop3A_324 = tpu.vector_load %arg14[%parallel_loop3A_322, %parallel_loop3A_323] {strides = array<i32>} : memref<80x128xf32, #tpu.memory_space<vmem>>, vector<1x16xf32>,
      %parallel_loop3A_325 = vector.shape_cast %parallel_loop3A_324 : vector<1x16xf32> to vector<16xf32>
      %parallel_loop3A_326 = vector.shape_cast %parallel_loop3A_321 : vector<16xf32> to vector<1x16xf32>
      tpu.vector_store %arg14[%parallel_loop3A_322, %parallel_loop3A_323], %parallel_loop3A_326 {strides = array<i32>} : memref<80x128xf32, #tpu.memory_space<vmem>>, vector<1x16xf32>,
    } {sc.loop_unroll_factor = 4 : i64, sc.parallel_access}
    %dma_start3A_151 = arith.constant 0 : i32
    %dma_start3A_152 = arith.constant 0 : i32
    %dma_start3A_153 = tpu.memref_slice %arg15[%dma_start3A_151, %dma_start3A_152] : memref<10000x128xf32, #tpu.memory_space<vmem_shared>> -> memref<10000x128xf32, #tpu.memory_space<vmem_shared>>
    tpu.enqueue_indirect_dma source(%arg14 : memref<80x128xf32, #tpu.memory_space<vmem>>) target(%dma_start3A_153 : memref<10000x128xf32, #tpu.memory_space<vmem_shared>>) offsets(%arg10 : memref<80xi32, #tpu.memory_space<vmem>>) semaphore(%arg21 : memref<!tpu.dma_semaphore, #tpu.memory_space<semaphore_mem>>) {add = true}
    %scan3A_154 = arith.constant 0 : i32
    %scan3A_155 = arith.constant 0 : i32
    %scan3A_156 = arith.constant 61 : i32
    %scan3A_157 = arith.addi %scan3A_155, %scan3A_156 : i32
    %scan3A_158 = arith.constant 1 : i32
    %scan3A_159 = scf.for %scan3A_190 = %scan3A_155 to %scan3A_157 step %scan3A_158 iter_args(%scan3A_191 = %scan3A_154) -> (i32)  : i32 {
      %mul3A_192 = arith.constant 2 : i32
      %mul3A_193 = arith.muli %mul3A_192, %scan3A_190 : i32
      %add3A_194 = arith.constant 2 : i32
      %add3A_195 = arith.addi %add3A_194, %mul3A_193 : i32
      %add3A_196 = arith.constant 0 : i32
      %add3A_197 = arith.addi %add3A_195, %add3A_196 : i32
      %dma_wait3A_198 = arith.constant 0 : i32
      %dma_wait3A_199 = arith.constant 0 : i32
      %dma_wait3A_200 = tpu.memref_slice %arg4[%dma_wait3A_198, %dma_wait3A_199] : memref<20000x128xf32, #tpu.memory_space<hbm>> -> memref<20000x128xf32, #tpu.memory_space<hbm>>
      tpu.wait_indirect_dma semaphore(%arg16 : memref<!tpu.dma_semaphore, #tpu.memory_space<semaphore_mem>>) src(%dma_wait3A_200 : memref<20000x128xf32, #tpu.memory_space<hbm>>) dst(%arg11 : memref<80x128xf32, #tpu.memory_space<vmem>>)
      %mul3A_201 = arith.constant 160000 : i32
      %mul3A_202 = arith.muli %arg0, %mul3A_201 : i32
      %dma_wait3A_203 = arith.constant 0 : i32
      %dma_wait3A_204 = tpu.memref_slice %arg5[%mul3A_202, %dma_wait3A_203] : memref<320000x128xf32, #tpu.memory_space<hbm>> -> memref<80x128xf32, #tpu.memory_space<hbm>>
      %dma_wait3A_205 = arith.constant 0 : i32
      %dma_wait3A_206 = tpu.memref_slice %arg5[%mul3A_202, %dma_wait3A_205] : memref<320000x128xf32, #tpu.memory_space<hbm>> -> memref<80x128xf32, #tpu.memory_space<hbm>>
      tpu.wait_dma2 semaphore(%arg18 : memref<!tpu.dma_semaphore, #tpu.memory_space<semaphore_mem>>) src(%dma_wait3A_206 : memref<80x128xf32, #tpu.memory_space<hbm>>) dst(%arg13 : memref<80x128xf32, #tpu.memory_space<vmem>>)
      %dma_wait3A_207 = arith.constant 0 : i32
      %dma_wait3A_208 = arith.constant 0 : i32
      %dma_wait3A_209 = tpu.memref_slice %arg15[%dma_wait3A_207, %dma_wait3A_208] : memref<10000x128xf32, #tpu.memory_space<vmem_shared>> -> memref<10000x128xf32, #tpu.memory_space<vmem_shared>>
      tpu.wait_indirect_dma semaphore(%arg21 : memref<!tpu.dma_semaphore, #tpu.memory_space<semaphore_mem>>) src(%arg14 : memref<80x128xf32, #tpu.memory_space<vmem>>) dst(%dma_wait3A_209 : memref<10000x128xf32, #tpu.memory_space<vmem_shared>>)
      %add3A_210 = arith.constant 1 : i32
      %add3A_211 = arith.addi %add3A_197, %add3A_210 : i32
      %lt3A = arith.constant 125 : i32
      %lt3A_212 = arith.cmpi slt, %add3A_211, %lt3A : i32
      %convert_element_type3A_213 = arith.extui %lt3A_212 : i1 to i32
      %cond3A_214 = arith.constant 0 : i32
      %cond3A_215 = arith.cmpi ne, %convert_element_type3A_213, %cond3A_214 : i32
      scf.if %cond3A_215 {
        %add3A_254 = arith.constant 1 : i32
        %add3A_255 = arith.addi %add3A_197, %add3A_254 : i32
        %mul3A_256 = arith.constant 16 : i32
        %mul3A_257 = arith.muli %add3A_255, %mul3A_256 : i32
        %add3A_258 = arith.addi %arg1, %mul3A_257 : i32
        %mul3A_259 = arith.constant 80 : i32
        %mul3A_260 = arith.muli %add3A_258, %mul3A_259 : i32
        %mul3A_261 = arith.constant 160000 : i32
        %mul3A_262 = arith.muli %arg0, %mul3A_261 : i32
        %add3A_263 = arith.addi %mul3A_262, %mul3A_260 : i32
        %dma_start3A_264 = tpu.memref_slice %arg2[%add3A_263] : memref<320000xi32, #tpu.memory_space<hbm>> -> memref<80xi32, #tpu.memory_space<hbm>>
        %dma_start3A_265 = tpu.memref_slice %arg2[%add3A_263] : memref<320000xi32, #tpu.memory_space<hbm>> -> memref<80xi32, #tpu.memory_space<hbm>>
        tpu.enqueue_dma source(%dma_start3A_265 : memref<80xi32, #tpu.memory_space<hbm>>) target(%arg8 : memref<80xi32, #tpu.memory_space<vmem>>) target_semaphore(%arg23 : memref<!tpu.dma_semaphore, #tpu.memory_space<semaphore_mem>>)
        %dma_start3A_266 = tpu.memref_slice %arg3[%mul3A_260] : memref<160000xi32, #tpu.memory_space<hbm>> -> memref<80xi32, #tpu.memory_space<hbm>>
        %dma_start3A_267 = tpu.memref_slice %arg3[%mul3A_260] : memref<160000xi32, #tpu.memory_space<hbm>> -> memref<80xi32, #tpu.memory_space<hbm>>
        tpu.enqueue_dma source(%dma_start3A_267 : memref<80xi32, #tpu.memory_space<hbm>>) target(%arg10 : memref<80xi32, #tpu.memory_space<vmem>>) target_semaphore(%arg23 : memref<!tpu.dma_semaphore, #tpu.memory_space<semaphore_mem>>)
        %mul3A_268 = arith.constant 160000 : i32
        %mul3A_269 = arith.muli %arg0, %mul3A_268 : i32
        %dma_wait3A_270 = tpu.memref_slice %arg2[%mul3A_269] : memref<320000xi32, #tpu.memory_space<hbm>> -> memref<80xi32, #tpu.memory_space<hbm>>
        %dma_wait3A_271 = tpu.memref_slice %arg2[%mul3A_269] : memref<320000xi32, #tpu.memory_space<hbm>> -> memref<80xi32, #tpu.memory_space<hbm>>
        tpu.wait_dma2 semaphore(%arg23 : memref<!tpu.dma_semaphore, #tpu.memory_space<semaphore_mem>>) src(%dma_wait3A_271 : memref<80xi32, #tpu.memory_space<hbm>>) dst(%arg8 : memref<80xi32, #tpu.memory_space<vmem>>)
        %dma_wait3A_272 = arith.constant 0 : i32
        %dma_wait3A_273 = tpu.memref_slice %arg3[%dma_wait3A_272] : memref<160000xi32, #tpu.memory_space<hbm>> -> memref<80xi32, #tpu.memory_space<hbm>>
        %dma_wait3A_274 = arith.constant 0 : i32
        %dma_wait3A_275 = tpu.memref_slice %arg3[%dma_wait3A_274] : memref<160000xi32, #tpu.memory_space<hbm>> -> memref<80xi32, #tpu.memory_space<hbm>>
        tpu.wait_dma2 semaphore(%arg23 : memref<!tpu.dma_semaphore, #tpu.memory_space<semaphore_mem>>) src(%dma_wait3A_275 : memref<80xi32, #tpu.memory_space<hbm>>) dst(%arg10 : memref<80xi32, #tpu.memory_space<vmem>>)
        %add3A_276 = arith.constant 1 : i32
        %add3A_277 = arith.addi %add3A_197, %add3A_276 : i32
        %mul3A_278 = arith.constant 16 : i32
        %mul3A_279 = arith.muli %add3A_277, %mul3A_278 : i32
        %add3A_280 = arith.addi %arg1, %mul3A_279 : i32
        %mul3A_281 = arith.constant 80 : i32
        %mul3A_282 = arith.muli %add3A_280, %mul3A_281 : i32
        %dma_start3A_283 = arith.constant 0 : i32
        %dma_start3A_284 = arith.constant 0 : i32
        %dma_start3A_285 = tpu.memref_slice %arg4[%dma_start3A_283, %dma_start3A_284] : memref<20000x128xf32, #tpu.memory_space<hbm>> -> memref<20000x128xf32, #tpu.memory_space<hbm>>
        tpu.enqueue_indirect_dma source(%dma_start3A_285 : memref<20000x128xf32, #tpu.memory_space<hbm>>) target(%arg12 : memref<80x128xf32, #tpu.memory_space<vmem>>) offsets(%arg8 : memref<80xi32, #tpu.memory_space<vmem>>) semaphore(%arg17 : memref<!tpu.dma_semaphore, #tpu.memory_space<semaphore_mem>>)
        %mul3A_286 = arith.constant 160000 : i32
        %mul3A_287 = arith.muli %arg0, %mul3A_286 : i32
        %add3A_288 = arith.addi %mul3A_287, %mul3A_282 : i32
        %dma_start3A_289 = arith.constant 0 : i32
        %dma_start3A_290 = tpu.memref_slice %arg5[%add3A_288, %dma_start3A_289] : memref<320000x128xf32, #tpu.memory_space<hbm>> -> memref<80x128xf32, #tpu.memory_space<hbm>>
        %dma_start3A_291 = arith.constant 0 : i32
        %dma_start3A_292 = tpu.memref_slice %arg5[%add3A_288, %dma_start3A_291] : memref<320000x128xf32, #tpu.memory_space<hbm>> -> memref<80x128xf32, #tpu.memory_space<hbm>>
        tpu.enqueue_dma source(%dma_start3A_292 : memref<80x128xf32, #tpu.memory_space<hbm>>) target(%arg14 : memref<80x128xf32, #tpu.memory_space<vmem>>) target_semaphore(%arg19 : memref<!tpu.dma_semaphore, #tpu.memory_space<semaphore_mem>>)
      } else {
      }
      %parallel_loop3A_216 = arith.constant 0 : i32
      %parallel_loop3A_217 = arith.constant 80 : i32
      %parallel_loop3A_218 = arith.constant 1 : i32
      scf.for %parallel_loop3A_254 = %parallel_loop3A_216 to %parallel_loop3A_217 step %parallel_loop3A_218  : i32 {
        %parallel_loop3A_255 = arith.index_cast %parallel_loop3A_254 : i32 to index
        %parallel_loop3A_256 = arith.constant 0 : index
        %parallel_loop3A_257 = tpu.vector_load %arg11[%parallel_loop3A_255, %parallel_loop3A_256] {strides = array<i32>} : memref<80x128xf32, #tpu.memory_space<vmem>>, vector<1x16xf32>,
        %parallel_loop3A_258 = vector.shape_cast %parallel_loop3A_257 : vector<1x16xf32> to vector<16xf32>
        %parallel_loop3A_259 = arith.index_cast %parallel_loop3A_254 : i32 to index
        %parallel_loop3A_260 = arith.constant 0 : index
        %parallel_loop3A_261 = tpu.vector_load %arg13[%parallel_loop3A_259, %parallel_loop3A_260] {strides = array<i32>} : memref<80x128xf32, #tpu.memory_space<vmem>>, vector<1x16xf32>,
        %parallel_loop3A_262 = vector.shape_cast %parallel_loop3A_261 : vector<1x16xf32> to vector<16xf32>
        %parallel_loop3A_263 = arith.addf %parallel_loop3A_258, %parallel_loop3A_262 : vector<16xf32>
        %parallel_loop3A_264 = arith.constant 0.000000e+00 : f32
        %parallel_loop3A_265 = vector.broadcast %parallel_loop3A_264 : f32 to vector<16xf32>
        %parallel_loop3A_266 = arith.maximumf %parallel_loop3A_263, %parallel_loop3A_265 : vector<16xf32>
        %parallel_loop3A_267 = arith.index_cast %parallel_loop3A_254 : i32 to index
        %parallel_loop3A_268 = arith.constant 0 : index
        %parallel_loop3A_269 = tpu.vector_load %arg13[%parallel_loop3A_267, %parallel_loop3A_268] {strides = array<i32>} : memref<80x128xf32, #tpu.memory_space<vmem>>, vector<1x16xf32>,
        %parallel_loop3A_270 = vector.shape_cast %parallel_loop3A_269 : vector<1x16xf32> to vector<16xf32>
        %parallel_loop3A_271 = vector.shape_cast %parallel_loop3A_266 : vector<16xf32> to vector<1x16xf32>
        tpu.vector_store %arg13[%parallel_loop3A_267, %parallel_loop3A_268], %parallel_loop3A_271 {strides = array<i32>} : memref<80x128xf32, #tpu.memory_space<vmem>>, vector<1x16xf32>,
        %parallel_loop3A_272 = arith.index_cast %parallel_loop3A_254 : i32 to index
        %parallel_loop3A_273 = arith.constant 16 : index
        %parallel_loop3A_274 = tpu.vector_load %arg11[%parallel_loop3A_272, %parallel_loop3A_273] {strides = array<i32>} : memref<80x128xf32, #tpu.memory_space<vmem>>, vector<1x16xf32>,
        %parallel_loop3A_275 = vector.shape_cast %parallel_loop3A_274 : vector<1x16xf32> to vector<16xf32>
        %parallel_loop3A_276 = arith.index_cast %parallel_loop3A_254 : i32 to index
        %parallel_loop3A_277 = arith.constant 16 : index
        %parallel_loop3A_278 = tpu.vector_load %arg13[%parallel_loop3A_276, %parallel_loop3A_277] {strides = array<i32>} : memref<80x128xf32, #tpu.memory_space<vmem>>, vector<1x16xf32>,
        %parallel_loop3A_279 = vector.shape_cast %parallel_loop3A_278 : vector<1x16xf32> to vector<16xf32>
        %parallel_loop3A_280 = arith.addf %parallel_loop3A_275, %parallel_loop3A_279 : vector<16xf32>
        %parallel_loop3A_281 = arith.constant 0.000000e+00 : f32
        %parallel_loop3A_282 = vector.broadcast %parallel_loop3A_281 : f32 to vector<16xf32>
        %parallel_loop3A_283 = arith.maximumf %parallel_loop3A_280, %parallel_loop3A_282 : vector<16xf32>
        %parallel_loop3A_284 = arith.index_cast %parallel_loop3A_254 : i32 to index
        %parallel_loop3A_285 = arith.constant 16 : index
        %parallel_loop3A_286 = tpu.vector_load %arg13[%parallel_loop3A_284, %parallel_loop3A_285] {strides = array<i32>} : memref<80x128xf32, #tpu.memory_space<vmem>>, vector<1x16xf32>,
        %parallel_loop3A_287 = vector.shape_cast %parallel_loop3A_286 : vector<1x16xf32> to vector<16xf32>
        %parallel_loop3A_288 = vector.shape_cast %parallel_loop3A_283 : vector<16xf32> to vector<1x16xf32>
        tpu.vector_store %arg13[%parallel_loop3A_284, %parallel_loop3A_285], %parallel_loop3A_288 {strides = array<i32>} : memref<80x128xf32, #tpu.memory_space<vmem>>, vector<1x16xf32>,
        %parallel_loop3A_289 = arith.index_cast %parallel_loop3A_254 : i32 to index
        %parallel_loop3A_290 = arith.constant 32 : index
        %parallel_loop3A_291 = tpu.vector_load %arg11[%parallel_loop3A_289, %parallel_loop3A_290] {strides = array<i32>} : memref<80x128xf32, #tpu.memory_space<vmem>>, vector<1x16xf32>,
        %parallel_loop3A_292 = vector.shape_cast %parallel_loop3A_291 : vector<1x16xf32> to vector<16xf32>
        %parallel_loop3A_293 = arith.index_cast %parallel_loop3A_254 : i32 to index
        %parallel_loop3A_294 = arith.constant 32 : index
        %parallel_loop3A_295 = tpu.vector_load %arg13[%parallel_loop3A_293, %parallel_loop3A_294] {strides = array<i32>} : memref<80x128xf32, #tpu.memory_space<vmem>>, vector<1x16xf32>,
        %parallel_loop3A_296 = vector.shape_cast %parallel_loop3A_295 : vector<1x16xf32> to vector<16xf32>
        %parallel_loop3A_297 = arith.addf %parallel_loop3A_292, %parallel_loop3A_296 : vector<16xf32>
        %parallel_loop3A_298 = arith.constant 0.000000e+00 : f32
        %parallel_loop3A_299 = vector.broadcast %parallel_loop3A_298 : f32 to vector<16xf32>
        %parallel_loop3A_300 = arith.maximumf %parallel_loop3A_297, %parallel_loop3A_299 : vector<16xf32>
        %parallel_loop3A_301 = arith.index_cast %parallel_loop3A_254 : i32 to index
        %parallel_loop3A_302 = arith.constant 32 : index
        %parallel_loop3A_303 = tpu.vector_load %arg13[%parallel_loop3A_301, %parallel_loop3A_302] {strides = array<i32>} : memref<80x128xf32, #tpu.memory_space<vmem>>, vector<1x16xf32>,
        %parallel_loop3A_304 = vector.shape_cast %parallel_loop3A_303 : vector<1x16xf32> to vector<16xf32>
        %parallel_loop3A_305 = vector.shape_cast %parallel_loop3A_300 : vector<16xf32> to vector<1x16xf32>
        tpu.vector_store %arg13[%parallel_loop3A_301, %parallel_loop3A_302], %parallel_loop3A_305 {strides = array<i32>} : memref<80x128xf32, #tpu.memory_space<vmem>>, vector<1x16xf32>,
        %parallel_loop3A_306 = arith.index_cast %parallel_loop3A_254 : i32 to index
        %parallel_loop3A_307 = arith.constant 48 : index
        %parallel_loop3A_308 = tpu.vector_load %arg11[%parallel_loop3A_306, %parallel_loop3A_307] {strides = array<i32>} : memref<80x128xf32, #tpu.memory_space<vmem>>, vector<1x16xf32>,
        %parallel_loop3A_309 = vector.shape_cast %parallel_loop3A_308 : vector<1x16xf32> to vector<16xf32>
        %parallel_loop3A_310 = arith.index_cast %parallel_loop3A_254 : i32 to index
        %parallel_loop3A_311 = arith.constant 48 : index
        %parallel_loop3A_312 = tpu.vector_load %arg13[%parallel_loop3A_310, %parallel_loop3A_311] {strides = array<i32>} : memref<80x128xf32, #tpu.memory_space<vmem>>, vector<1x16xf32>,
        %parallel_loop3A_313 = vector.shape_cast %parallel_loop3A_312 : vector<1x16xf32> to vector<16xf32>
        %parallel_loop3A_314 = arith.addf %parallel_loop3A_309, %parallel_loop3A_313 : vector<16xf32>
        %parallel_loop3A_315 = arith.constant 0.000000e+00 : f32
        %parallel_loop3A_316 = vector.broadcast %parallel_loop3A_315 : f32 to vector<16xf32>
        %parallel_loop3A_317 = arith.maximumf %parallel_loop3A_314, %parallel_loop3A_316 : vector<16xf32>
        %parallel_loop3A_318 = arith.index_cast %parallel_loop3A_254 : i32 to index
        %parallel_loop3A_319 = arith.constant 48 : index
        %parallel_loop3A_320 = tpu.vector_load %arg13[%parallel_loop3A_318, %parallel_loop3A_319] {strides = array<i32>} : memref<80x128xf32, #tpu.memory_space<vmem>>, vector<1x16xf32>,
        %parallel_loop3A_321 = vector.shape_cast %parallel_loop3A_320 : vector<1x16xf32> to vector<16xf32>
        %parallel_loop3A_322 = vector.shape_cast %parallel_loop3A_317 : vector<16xf32> to vector<1x16xf32>
        tpu.vector_store %arg13[%parallel_loop3A_318, %parallel_loop3A_319], %parallel_loop3A_322 {strides = array<i32>} : memref<80x128xf32, #tpu.memory_space<vmem>>, vector<1x16xf32>,
        %parallel_loop3A_323 = arith.index_cast %parallel_loop3A_254 : i32 to index
        %parallel_loop3A_324 = arith.constant 64 : index
        %parallel_loop3A_325 = tpu.vector_load %arg11[%parallel_loop3A_323, %parallel_loop3A_324] {strides = array<i32>} : memref<80x128xf32, #tpu.memory_space<vmem>>, vector<1x16xf32>,
        %parallel_loop3A_326 = vector.shape_cast %parallel_loop3A_325 : vector<1x16xf32> to vector<16xf32>
        %parallel_loop3A_327 = arith.index_cast %parallel_loop3A_254 : i32 to index
        %parallel_loop3A_328 = arith.constant 64 : index
        %parallel_loop3A_329 = tpu.vector_load %arg13[%parallel_loop3A_327, %parallel_loop3A_328] {strides = array<i32>} : memref<80x128xf32, #tpu.memory_space<vmem>>, vector<1x16xf32>,
        %parallel_loop3A_330 = vector.shape_cast %parallel_loop3A_329 : vector<1x16xf32> to vector<16xf32>
        %parallel_loop3A_331 = arith.addf %parallel_loop3A_326, %parallel_loop3A_330 : vector<16xf32>
        %parallel_loop3A_332 = arith.constant 0.000000e+00 : f32
        %parallel_loop3A_333 = vector.broadcast %parallel_loop3A_332 : f32 to vector<16xf32>
        %parallel_loop3A_334 = arith.maximumf %parallel_loop3A_331, %parallel_loop3A_333 : vector<16xf32>
        %parallel_loop3A_335 = arith.index_cast %parallel_loop3A_254 : i32 to index
        %parallel_loop3A_336 = arith.constant 64 : index
        %parallel_loop3A_337 = tpu.vector_load %arg13[%parallel_loop3A_335, %parallel_loop3A_336] {strides = array<i32>} : memref<80x128xf32, #tpu.memory_space<vmem>>, vector<1x16xf32>,
        %parallel_loop3A_338 = vector.shape_cast %parallel_loop3A_337 : vector<1x16xf32> to vector<16xf32>
        %parallel_loop3A_339 = vector.shape_cast %parallel_loop3A_334 : vector<16xf32> to vector<1x16xf32>
        tpu.vector_store %arg13[%parallel_loop3A_335, %parallel_loop3A_336], %parallel_loop3A_339 {strides = array<i32>} : memref<80x128xf32, #tpu.memory_space<vmem>>, vector<1x16xf32>,
        %parallel_loop3A_340 = arith.index_cast %parallel_loop3A_254 : i32 to index
        %parallel_loop3A_341 = arith.constant 80 : index
        %parallel_loop3A_342 = tpu.vector_load %arg11[%parallel_loop3A_340, %parallel_loop3A_341] {strides = array<i32>} : memref<80x128xf32, #tpu.memory_space<vmem>>, vector<1x16xf32>,
        %parallel_loop3A_343 = vector.shape_cast %parallel_loop3A_342 : vector<1x16xf32> to vector<16xf32>
        %parallel_loop3A_344 = arith.index_cast %parallel_loop3A_254 : i32 to index
        %parallel_loop3A_345 = arith.constant 80 : index
        %parallel_loop3A_346 = tpu.vector_load %arg13[%parallel_loop3A_344, %parallel_loop3A_345] {strides = array<i32>} : memref<80x128xf32, #tpu.memory_space<vmem>>, vector<1x16xf32>,
        %parallel_loop3A_347 = vector.shape_cast %parallel_loop3A_346 : vector<1x16xf32> to vector<16xf32>
        %parallel_loop3A_348 = arith.addf %parallel_loop3A_343, %parallel_loop3A_347 : vector<16xf32>
        %parallel_loop3A_349 = arith.constant 0.000000e+00 : f32
        %parallel_loop3A_350 = vector.broadcast %parallel_loop3A_349 : f32 to vector<16xf32>
        %parallel_loop3A_351 = arith.maximumf %parallel_loop3A_348, %parallel_loop3A_350 : vector<16xf32>
        %parallel_loop3A_352 = arith.index_cast %parallel_loop3A_254 : i32 to index
        %parallel_loop3A_353 = arith.constant 80 : index
        %parallel_loop3A_354 = tpu.vector_load %arg13[%parallel_loop3A_352, %parallel_loop3A_353] {strides = array<i32>} : memref<80x128xf32, #tpu.memory_space<vmem>>, vector<1x16xf32>,
        %parallel_loop3A_355 = vector.shape_cast %parallel_loop3A_354 : vector<1x16xf32> to vector<16xf32>
        %parallel_loop3A_356 = vector.shape_cast %parallel_loop3A_351 : vector<16xf32> to vector<1x16xf32>
        tpu.vector_store %arg13[%parallel_loop3A_352, %parallel_loop3A_353], %parallel_loop3A_356 {strides = array<i32>} : memref<80x128xf32, #tpu.memory_space<vmem>>, vector<1x16xf32>,
        %parallel_loop3A_357 = arith.index_cast %parallel_loop3A_254 : i32 to index
        %parallel_loop3A_358 = arith.constant 96 : index
        %parallel_loop3A_359 = tpu.vector_load %arg11[%parallel_loop3A_357, %parallel_loop3A_358] {strides = array<i32>} : memref<80x128xf32, #tpu.memory_space<vmem>>, vector<1x16xf32>,
        %parallel_loop3A_360 = vector.shape_cast %parallel_loop3A_359 : vector<1x16xf32> to vector<16xf32>
        %parallel_loop3A_361 = arith.index_cast %parallel_loop3A_254 : i32 to index
        %parallel_loop3A_362 = arith.constant 96 : index
        %parallel_loop3A_363 = tpu.vector_load %arg13[%parallel_loop3A_361, %parallel_loop3A_362] {strides = array<i32>} : memref<80x128xf32, #tpu.memory_space<vmem>>, vector<1x16xf32>,
        %parallel_loop3A_364 = vector.shape_cast %parallel_loop3A_363 : vector<1x16xf32> to vector<16xf32>
        %parallel_loop3A_365 = arith.addf %parallel_loop3A_360, %parallel_loop3A_364 : vector<16xf32>
        %parallel_loop3A_366 = arith.constant 0.000000e+00 : f32
        %parallel_loop3A_367 = vector.broadcast %parallel_loop3A_366 : f32 to vector<16xf32>
        %parallel_loop3A_368 = arith.maximumf %parallel_loop3A_365, %parallel_loop3A_367 : vector<16xf32>
        %parallel_loop3A_369 = arith.index_cast %parallel_loop3A_254 : i32 to index
        %parallel_loop3A_370 = arith.constant 96 : index
        %parallel_loop3A_371 = tpu.vector_load %arg13[%parallel_loop3A_369, %parallel_loop3A_370] {strides = array<i32>} : memref<80x128xf32, #tpu.memory_space<vmem>>, vector<1x16xf32>,
        %parallel_loop3A_372 = vector.shape_cast %parallel_loop3A_371 : vector<1x16xf32> to vector<16xf32>
        %parallel_loop3A_373 = vector.shape_cast %parallel_loop3A_368 : vector<16xf32> to vector<1x16xf32>
        tpu.vector_store %arg13[%parallel_loop3A_369, %parallel_loop3A_370], %parallel_loop3A_373 {strides = array<i32>} : memref<80x128xf32, #tpu.memory_space<vmem>>, vector<1x16xf32>,
        %parallel_loop3A_374 = arith.index_cast %parallel_loop3A_254 : i32 to index
        %parallel_loop3A_375 = arith.constant 112 : index
        %parallel_loop3A_376 = tpu.vector_load %arg11[%parallel_loop3A_374, %parallel_loop3A_375] {strides = array<i32>} : memref<80x128xf32, #tpu.memory_space<vmem>>, vector<1x16xf32>,
        %parallel_loop3A_377 = vector.shape_cast %parallel_loop3A_376 : vector<1x16xf32> to vector<16xf32>
        %parallel_loop3A_378 = arith.index_cast %parallel_loop3A_254 : i32 to index
        %parallel_loop3A_379 = arith.constant 112 : index
        %parallel_loop3A_380 = tpu.vector_load %arg13[%parallel_loop3A_378, %parallel_loop3A_379] {strides = array<i32>} : memref<80x128xf32, #tpu.memory_space<vmem>>, vector<1x16xf32>,
        %parallel_loop3A_381 = vector.shape_cast %parallel_loop3A_380 : vector<1x16xf32> to vector<16xf32>
        %parallel_loop3A_382 = arith.addf %parallel_loop3A_377, %parallel_loop3A_381 : vector<16xf32>
        %parallel_loop3A_383 = arith.constant 0.000000e+00 : f32
        %parallel_loop3A_384 = vector.broadcast %parallel_loop3A_383 : f32 to vector<16xf32>
        %parallel_loop3A_385 = arith.maximumf %parallel_loop3A_382, %parallel_loop3A_384 : vector<16xf32>
        %parallel_loop3A_386 = arith.index_cast %parallel_loop3A_254 : i32 to index
        %parallel_loop3A_387 = arith.constant 112 : index
        %parallel_loop3A_388 = tpu.vector_load %arg13[%parallel_loop3A_386, %parallel_loop3A_387] {strides = array<i32>} : memref<80x128xf32, #tpu.memory_space<vmem>>, vector<1x16xf32>,
        %parallel_loop3A_389 = vector.shape_cast %parallel_loop3A_388 : vector<1x16xf32> to vector<16xf32>
        %parallel_loop3A_390 = vector.shape_cast %parallel_loop3A_385 : vector<16xf32> to vector<1x16xf32>
        tpu.vector_store %arg13[%parallel_loop3A_386, %parallel_loop3A_387], %parallel_loop3A_390 {strides = array<i32>} : memref<80x128xf32, #tpu.memory_space<vmem>>, vector<1x16xf32>,
      } {sc.loop_unroll_factor = 4 : i64, sc.parallel_access}
      %dma_start3A_219 = arith.constant 0 : i32
      %dma_start3A_220 = arith.constant 0 : i32
      %dma_start3A_221 = tpu.memref_slice %arg15[%dma_start3A_219, %dma_start3A_220] : memref<10000x128xf32, #tpu.memory_space<vmem_shared>> -> memref<10000x128xf32, #tpu.memory_space<vmem_shared>>
      tpu.enqueue_indirect_dma source(%arg13 : memref<80x128xf32, #tpu.memory_space<vmem>>) target(%dma_start3A_221 : memref<10000x128xf32, #tpu.memory_space<vmem_shared>>) offsets(%arg9 : memref<80xi32, #tpu.memory_space<vmem>>) semaphore(%arg20 : memref<!tpu.dma_semaphore, #tpu.memory_space<semaphore_mem>>) {add = true}
      %mul3A_222 = arith.constant 2 : i32
      %mul3A_223 = arith.muli %mul3A_222, %scan3A_190 : i32
      %add3A_224 = arith.constant 2 : i32
      %add3A_225 = arith.addi %add3A_224, %mul3A_223 : i32
      %add3A_226 = arith.constant 1 : i32
      %add3A_227 = arith.addi %add3A_225, %add3A_226 : i32
      %dma_wait3A_228 = arith.constant 0 : i32
      %dma_wait3A_229 = arith.constant 0 : i32
      %dma_wait3A_230 = tpu.memref_slice %arg4[%dma_wait3A_228, %dma_wait3A_229] : memref<20000x128xf32, #tpu.memory_space<hbm>> -> memref<20000x128xf32, #tpu.memory_space<hbm>>
      tpu.wait_indirect_dma semaphore(%arg17 : memref<!tpu.dma_semaphore, #tpu.memory_space<semaphore_mem>>) src(%dma_wait3A_230 : memref<20000x128xf32, #tpu.memory_space<hbm>>) dst(%arg12 : memref<80x128xf32, #tpu.memory_space<vmem>>)
      %mul3A_231 = arith.constant 160000 : i32
      %mul3A_232 = arith.muli %arg0, %mul3A_231 : i32
      %dma_wait3A_233 = arith.constant 0 : i32
      %dma_wait3A_234 = tpu.memref_slice %arg5[%mul3A_232, %dma_wait3A_233] : memref<320000x128xf32, #tpu.memory_space<hbm>> -> memref<80x128xf32, #tpu.memory_space<hbm>>
      %dma_wait3A_235 = arith.constant 0 : i32
      %dma_wait3A_236 = tpu.memref_slice %arg5[%mul3A_232, %dma_wait3A_235] : memref<320000x128xf32, #tpu.memory_space<hbm>> -> memref<80x128xf32, #tpu.memory_space<hbm>>
      tpu.wait_dma2 semaphore(%arg19 : memref<!tpu.dma_semaphore, #tpu.memory_space<semaphore_mem>>) src(%dma_wait3A_236 : memref<80x128xf32, #tpu.memory_space<hbm>>) dst(%arg14 : memref<80x128xf32, #tpu.memory_space<vmem>>)
      %dma_wait3A_237 = arith.constant 0 : i32
      %dma_wait3A_238 = arith.constant 0 : i32
      %dma_wait3A_239 = tpu.memref_slice %arg15[%dma_wait3A_237, %dma_wait3A_238] : memref<10000x128xf32, #tpu.memory_space<vmem_shared>> -> memref<10000x128xf32, #tpu.memory_space<vmem_shared>>
      tpu.wait_indirect_dma semaphore(%arg20 : memref<!tpu.dma_semaphore, #tpu.memory_space<semaphore_mem>>) src(%arg13 : memref<80x128xf32, #tpu.memory_space<vmem>>) dst(%dma_wait3A_239 : memref<10000x128xf32, #tpu.memory_space<vmem_shared>>)
      %add3A_240 = arith.constant 1 : i32
      %add3A_241 = arith.addi %add3A_227, %add3A_240 : i32
      %lt3A_242 = arith.constant 125 : i32
      %lt3A_243 = arith.cmpi slt, %add3A_241, %lt3A_242 : i32
      %convert_element_type3A_244 = arith.extui %lt3A_243 : i1 to i32
      %cond3A_245 = arith.constant 0 : i32
      %cond3A_246 = arith.cmpi ne, %convert_element_type3A_244, %cond3A_245 : i32
      scf.if %cond3A_246 {
        %add3A_254 = arith.constant 1 : i32
        %add3A_255 = arith.addi %add3A_227, %add3A_254 : i32
        %mul3A_256 = arith.constant 16 : i32
        %mul3A_257 = arith.muli %add3A_255, %mul3A_256 : i32
        %add3A_258 = arith.addi %arg1, %mul3A_257 : i32
        %mul3A_259 = arith.constant 80 : i32
        %mul3A_260 = arith.muli %add3A_258, %mul3A_259 : i32
        %mul3A_261 = arith.constant 160000 : i32
        %mul3A_262 = arith.muli %arg0, %mul3A_261 : i32
        %add3A_263 = arith.addi %mul3A_262, %mul3A_260 : i32
        %dma_start3A_264 = tpu.memref_slice %arg2[%add3A_263] : memref<320000xi32, #tpu.memory_space<hbm>> -> memref<80xi32, #tpu.memory_space<hbm>>
        %dma_start3A_265 = tpu.memref_slice %arg2[%add3A_263] : memref<320000xi32, #tpu.memory_space<hbm>> -> memref<80xi32, #tpu.memory_space<hbm>>
        tpu.enqueue_dma source(%dma_start3A_265 : memref<80xi32, #tpu.memory_space<hbm>>) target(%arg7 : memref<80xi32, #tpu.memory_space<vmem>>) target_semaphore(%arg22 : memref<!tpu.dma_semaphore, #tpu.memory_space<semaphore_mem>>)
        %dma_start3A_266 = tpu.memref_slice %arg3[%mul3A_260] : memref<160000xi32, #tpu.memory_space<hbm>> -> memref<80xi32, #tpu.memory_space<hbm>>
        %dma_start3A_267 = tpu.memref_slice %arg3[%mul3A_260] : memref<160000xi32, #tpu.memory_space<hbm>> -> memref<80xi32, #tpu.memory_space<hbm>>
        tpu.enqueue_dma source(%dma_start3A_267 : memref<80xi32, #tpu.memory_space<hbm>>) target(%arg9 : memref<80xi32, #tpu.memory_space<vmem>>) target_semaphore(%arg22 : memref<!tpu.dma_semaphore, #tpu.memory_space<semaphore_mem>>)
        %mul3A_268 = arith.constant 160000 : i32
        %mul3A_269 = arith.muli %arg0, %mul3A_268 : i32
        %dma_wait3A_270 = tpu.memref_slice %arg2[%mul3A_269] : memref<320000xi32, #tpu.memory_space<hbm>> -> memref<80xi32, #tpu.memory_space<hbm>>
        %dma_wait3A_271 = tpu.memref_slice %arg2[%mul3A_269] : memref<320000xi32, #tpu.memory_space<hbm>> -> memref<80xi32, #tpu.memory_space<hbm>>
        tpu.wait_dma2 semaphore(%arg22 : memref<!tpu.dma_semaphore, #tpu.memory_space<semaphore_mem>>) src(%dma_wait3A_271 : memref<80xi32, #tpu.memory_space<hbm>>) dst(%arg7 : memref<80xi32, #tpu.memory_space<vmem>>)
        %dma_wait3A_272 = arith.constant 0 : i32
        %dma_wait3A_273 = tpu.memref_slice %arg3[%dma_wait3A_272] : memref<160000xi32, #tpu.memory_space<hbm>> -> memref<80xi32, #tpu.memory_space<hbm>>
        %dma_wait3A_274 = arith.constant 0 : i32
        %dma_wait3A_275 = tpu.memref_slice %arg3[%dma_wait3A_274] : memref<160000xi32, #tpu.memory_space<hbm>> -> memref<80xi32, #tpu.memory_space<hbm>>
        tpu.wait_dma2 semaphore(%arg22 : memref<!tpu.dma_semaphore, #tpu.memory_space<semaphore_mem>>) src(%dma_wait3A_275 : memref<80xi32, #tpu.memory_space<hbm>>) dst(%arg9 : memref<80xi32, #tpu.memory_space<vmem>>)
        %add3A_276 = arith.constant 1 : i32
        %add3A_277 = arith.addi %add3A_227, %add3A_276 : i32
        %mul3A_278 = arith.constant 16 : i32
        %mul3A_279 = arith.muli %add3A_277, %mul3A_278 : i32
        %add3A_280 = arith.addi %arg1, %mul3A_279 : i32
        %mul3A_281 = arith.constant 80 : i32
        %mul3A_282 = arith.muli %add3A_280, %mul3A_281 : i32
        %dma_start3A_283 = arith.constant 0 : i32
        %dma_start3A_284 = arith.constant 0 : i32
        %dma_start3A_285 = tpu.memref_slice %arg4[%dma_start3A_283, %dma_start3A_284] : memref<20000x128xf32, #tpu.memory_space<hbm>> -> memref<20000x128xf32, #tpu.memory_space<hbm>>
        tpu.enqueue_indirect_dma source(%dma_start3A_285 : memref<20000x128xf32, #tpu.memory_space<hbm>>) target(%arg11 : memref<80x128xf32, #tpu.memory_space<vmem>>) offsets(%arg7 : memref<80xi32, #tpu.memory_space<vmem>>) semaphore(%arg16 : memref<!tpu.dma_semaphore, #tpu.memory_space<semaphore_mem>>)
        %mul3A_286 = arith.constant 160000 : i32
        %mul3A_287 = arith.muli %arg0, %mul3A_286 : i32
        %add3A_288 = arith.addi %mul3A_287, %mul3A_282 : i32
        %dma_start3A_289 = arith.constant 0 : i32
        %dma_start3A_290 = tpu.memref_slice %arg5[%add3A_288, %dma_start3A_289] : memref<320000x128xf32, #tpu.memory_space<hbm>> -> memref<80x128xf32, #tpu.memory_space<hbm>>
        %dma_start3A_291 = arith.constant 0 : i32
        %dma_start3A_292 = tpu.memref_slice %arg5[%add3A_288, %dma_start3A_291] : memref<320000x128xf32, #tpu.memory_space<hbm>> -> memref<80x128xf32, #tpu.memory_space<hbm>>
        tpu.enqueue_dma source(%dma_start3A_292 : memref<80x128xf32, #tpu.memory_space<hbm>>) target(%arg13 : memref<80x128xf32, #tpu.memory_space<vmem>>) target_semaphore(%arg18 : memref<!tpu.dma_semaphore, #tpu.memory_space<semaphore_mem>>)
      } else {
      }
      %parallel_loop3A_247 = arith.constant 0 : i32
      %parallel_loop3A_248 = arith.constant 80 : i32
      %parallel_loop3A_249 = arith.constant 1 : i32
      scf.for %parallel_loop3A_254 = %parallel_loop3A_247 to %parallel_loop3A_248 step %parallel_loop3A_249  : i32 {
        %parallel_loop3A_255 = arith.index_cast %parallel_loop3A_254 : i32 to index
        %parallel_loop3A_256 = arith.constant 0 : index
        %parallel_loop3A_257 = tpu.vector_load %arg12[%parallel_loop3A_255, %parallel_loop3A_256] {strides = array<i32>} : memref<80x128xf32, #tpu.memory_space<vmem>>, vector<1x16xf32>,
        %parallel_loop3A_258 = vector.shape_cast %parallel_loop3A_257 : vector<1x16xf32> to vector<16xf32>
        %parallel_loop3A_259 = arith.index_cast %parallel_loop3A_254 : i32 to index
        %parallel_loop3A_260 = arith.constant 0 : index
        %parallel_loop3A_261 = tpu.vector_load %arg14[%parallel_loop3A_259, %parallel_loop3A_260] {strides = array<i32>} : memref<80x128xf32, #tpu.memory_space<vmem>>, vector<1x16xf32>,
        %parallel_loop3A_262 = vector.shape_cast %parallel_loop3A_261 : vector<1x16xf32> to vector<16xf32>
        %parallel_loop3A_263 = arith.addf %parallel_loop3A_258, %parallel_loop3A_262 : vector<16xf32>
        %parallel_loop3A_264 = arith.constant 0.000000e+00 : f32
        %parallel_loop3A_265 = vector.broadcast %parallel_loop3A_264 : f32 to vector<16xf32>
        %parallel_loop3A_266 = arith.maximumf %parallel_loop3A_263, %parallel_loop3A_265 : vector<16xf32>
        %parallel_loop3A_267 = arith.index_cast %parallel_loop3A_254 : i32 to index
        %parallel_loop3A_268 = arith.constant 0 : index
        %parallel_loop3A_269 = tpu.vector_load %arg14[%parallel_loop3A_267, %parallel_loop3A_268] {strides = array<i32>} : memref<80x128xf32, #tpu.memory_space<vmem>>, vector<1x16xf32>,
        %parallel_loop3A_270 = vector.shape_cast %parallel_loop3A_269 : vector<1x16xf32> to vector<16xf32>
        %parallel_loop3A_271 = vector.shape_cast %parallel_loop3A_266 : vector<16xf32> to vector<1x16xf32>
        tpu.vector_store %arg14[%parallel_loop3A_267, %parallel_loop3A_268], %parallel_loop3A_271 {strides = array<i32>} : memref<80x128xf32, #tpu.memory_space<vmem>>, vector<1x16xf32>,
        %parallel_loop3A_272 = arith.index_cast %parallel_loop3A_254 : i32 to index
        %parallel_loop3A_273 = arith.constant 16 : index
        %parallel_loop3A_274 = tpu.vector_load %arg12[%parallel_loop3A_272, %parallel_loop3A_273] {strides = array<i32>} : memref<80x128xf32, #tpu.memory_space<vmem>>, vector<1x16xf32>,
        %parallel_loop3A_275 = vector.shape_cast %parallel_loop3A_274 : vector<1x16xf32> to vector<16xf32>
        %parallel_loop3A_276 = arith.index_cast %parallel_loop3A_254 : i32 to index
        %parallel_loop3A_277 = arith.constant 16 : index
        %parallel_loop3A_278 = tpu.vector_load %arg14[%parallel_loop3A_276, %parallel_loop3A_277] {strides = array<i32>} : memref<80x128xf32, #tpu.memory_space<vmem>>, vector<1x16xf32>,
        %parallel_loop3A_279 = vector.shape_cast %parallel_loop3A_278 : vector<1x16xf32> to vector<16xf32>
        %parallel_loop3A_280 = arith.addf %parallel_loop3A_275, %parallel_loop3A_279 : vector<16xf32>
        %parallel_loop3A_281 = arith.constant 0.000000e+00 : f32
        %parallel_loop3A_282 = vector.broadcast %parallel_loop3A_281 : f32 to vector<16xf32>
        %parallel_loop3A_283 = arith.maximumf %parallel_loop3A_280, %parallel_loop3A_282 : vector<16xf32>
        %parallel_loop3A_284 = arith.index_cast %parallel_loop3A_254 : i32 to index
        %parallel_loop3A_285 = arith.constant 16 : index
        %parallel_loop3A_286 = tpu.vector_load %arg14[%parallel_loop3A_284, %parallel_loop3A_285] {strides = array<i32>} : memref<80x128xf32, #tpu.memory_space<vmem>>, vector<1x16xf32>,
        %parallel_loop3A_287 = vector.shape_cast %parallel_loop3A_286 : vector<1x16xf32> to vector<16xf32>
        %parallel_loop3A_288 = vector.shape_cast %parallel_loop3A_283 : vector<16xf32> to vector<1x16xf32>
        tpu.vector_store %arg14[%parallel_loop3A_284, %parallel_loop3A_285], %parallel_loop3A_288 {strides = array<i32>} : memref<80x128xf32, #tpu.memory_space<vmem>>, vector<1x16xf32>,
        %parallel_loop3A_289 = arith.index_cast %parallel_loop3A_254 : i32 to index
        %parallel_loop3A_290 = arith.constant 32 : index
        %parallel_loop3A_291 = tpu.vector_load %arg12[%parallel_loop3A_289, %parallel_loop3A_290] {strides = array<i32>} : memref<80x128xf32, #tpu.memory_space<vmem>>, vector<1x16xf32>,
        %parallel_loop3A_292 = vector.shape_cast %parallel_loop3A_291 : vector<1x16xf32> to vector<16xf32>
        %parallel_loop3A_293 = arith.index_cast %parallel_loop3A_254 : i32 to index
        %parallel_loop3A_294 = arith.constant 32 : index
        %parallel_loop3A_295 = tpu.vector_load %arg14[%parallel_loop3A_293, %parallel_loop3A_294] {strides = array<i32>} : memref<80x128xf32, #tpu.memory_space<vmem>>, vector<1x16xf32>,
        %parallel_loop3A_296 = vector.shape_cast %parallel_loop3A_295 : vector<1x16xf32> to vector<16xf32>
        %parallel_loop3A_297 = arith.addf %parallel_loop3A_292, %parallel_loop3A_296 : vector<16xf32>
        %parallel_loop3A_298 = arith.constant 0.000000e+00 : f32
        %parallel_loop3A_299 = vector.broadcast %parallel_loop3A_298 : f32 to vector<16xf32>
        %parallel_loop3A_300 = arith.maximumf %parallel_loop3A_297, %parallel_loop3A_299 : vector<16xf32>
        %parallel_loop3A_301 = arith.index_cast %parallel_loop3A_254 : i32 to index
        %parallel_loop3A_302 = arith.constant 32 : index
        %parallel_loop3A_303 = tpu.vector_load %arg14[%parallel_loop3A_301, %parallel_loop3A_302] {strides = array<i32>} : memref<80x128xf32, #tpu.memory_space<vmem>>, vector<1x16xf32>,
        %parallel_loop3A_304 = vector.shape_cast %parallel_loop3A_303 : vector<1x16xf32> to vector<16xf32>
        %parallel_loop3A_305 = vector.shape_cast %parallel_loop3A_300 : vector<16xf32> to vector<1x16xf32>
        tpu.vector_store %arg14[%parallel_loop3A_301, %parallel_loop3A_302], %parallel_loop3A_305 {strides = array<i32>} : memref<80x128xf32, #tpu.memory_space<vmem>>, vector<1x16xf32>,
        %parallel_loop3A_306 = arith.index_cast %parallel_loop3A_254 : i32 to index
        %parallel_loop3A_307 = arith.constant 48 : index
        %parallel_loop3A_308 = tpu.vector_load %arg12[%parallel_loop3A_306, %parallel_loop3A_307] {strides = array<i32>} : memref<80x128xf32, #tpu.memory_space<vmem>>, vector<1x16xf32>,
        %parallel_loop3A_309 = vector.shape_cast %parallel_loop3A_308 : vector<1x16xf32> to vector<16xf32>
        %parallel_loop3A_310 = arith.index_cast %parallel_loop3A_254 : i32 to index
        %parallel_loop3A_311 = arith.constant 48 : index
        %parallel_loop3A_312 = tpu.vector_load %arg14[%parallel_loop3A_310, %parallel_loop3A_311] {strides = array<i32>} : memref<80x128xf32, #tpu.memory_space<vmem>>, vector<1x16xf32>,
        %parallel_loop3A_313 = vector.shape_cast %parallel_loop3A_312 : vector<1x16xf32> to vector<16xf32>
        %parallel_loop3A_314 = arith.addf %parallel_loop3A_309, %parallel_loop3A_313 : vector<16xf32>
        %parallel_loop3A_315 = arith.constant 0.000000e+00 : f32
        %parallel_loop3A_316 = vector.broadcast %parallel_loop3A_315 : f32 to vector<16xf32>
        %parallel_loop3A_317 = arith.maximumf %parallel_loop3A_314, %parallel_loop3A_316 : vector<16xf32>
        %parallel_loop3A_318 = arith.index_cast %parallel_loop3A_254 : i32 to index
        %parallel_loop3A_319 = arith.constant 48 : index
        %parallel_loop3A_320 = tpu.vector_load %arg14[%parallel_loop3A_318, %parallel_loop3A_319] {strides = array<i32>} : memref<80x128xf32, #tpu.memory_space<vmem>>, vector<1x16xf32>,
        %parallel_loop3A_321 = vector.shape_cast %parallel_loop3A_320 : vector<1x16xf32> to vector<16xf32>
        %parallel_loop3A_322 = vector.shape_cast %parallel_loop3A_317 : vector<16xf32> to vector<1x16xf32>
        tpu.vector_store %arg14[%parallel_loop3A_318, %parallel_loop3A_319], %parallel_loop3A_322 {strides = array<i32>} : memref<80x128xf32, #tpu.memory_space<vmem>>, vector<1x16xf32>,
        %parallel_loop3A_323 = arith.index_cast %parallel_loop3A_254 : i32 to index
        %parallel_loop3A_324 = arith.constant 64 : index
        %parallel_loop3A_325 = tpu.vector_load %arg12[%parallel_loop3A_323, %parallel_loop3A_324] {strides = array<i32>} : memref<80x128xf32, #tpu.memory_space<vmem>>, vector<1x16xf32>,
        %parallel_loop3A_326 = vector.shape_cast %parallel_loop3A_325 : vector<1x16xf32> to vector<16xf32>
        %parallel_loop3A_327 = arith.index_cast %parallel_loop3A_254 : i32 to index
        %parallel_loop3A_328 = arith.constant 64 : index
        %parallel_loop3A_329 = tpu.vector_load %arg14[%parallel_loop3A_327, %parallel_loop3A_328] {strides = array<i32>} : memref<80x128xf32, #tpu.memory_space<vmem>>, vector<1x16xf32>,
        %parallel_loop3A_330 = vector.shape_cast %parallel_loop3A_329 : vector<1x16xf32> to vector<16xf32>
        %parallel_loop3A_331 = arith.addf %parallel_loop3A_326, %parallel_loop3A_330 : vector<16xf32>
        %parallel_loop3A_332 = arith.constant 0.000000e+00 : f32
        %parallel_loop3A_333 = vector.broadcast %parallel_loop3A_332 : f32 to vector<16xf32>
        %parallel_loop3A_334 = arith.maximumf %parallel_loop3A_331, %parallel_loop3A_333 : vector<16xf32>
        %parallel_loop3A_335 = arith.index_cast %parallel_loop3A_254 : i32 to index
        %parallel_loop3A_336 = arith.constant 64 : index
        %parallel_loop3A_337 = tpu.vector_load %arg14[%parallel_loop3A_335, %parallel_loop3A_336] {strides = array<i32>} : memref<80x128xf32, #tpu.memory_space<vmem>>, vector<1x16xf32>,
        %parallel_loop3A_338 = vector.shape_cast %parallel_loop3A_337 : vector<1x16xf32> to vector<16xf32>
        %parallel_loop3A_339 = vector.shape_cast %parallel_loop3A_334 : vector<16xf32> to vector<1x16xf32>
        tpu.vector_store %arg14[%parallel_loop3A_335, %parallel_loop3A_336], %parallel_loop3A_339 {strides = array<i32>} : memref<80x128xf32, #tpu.memory_space<vmem>>, vector<1x16xf32>,
        %parallel_loop3A_340 = arith.index_cast %parallel_loop3A_254 : i32 to index
        %parallel_loop3A_341 = arith.constant 80 : index
        %parallel_loop3A_342 = tpu.vector_load %arg12[%parallel_loop3A_340, %parallel_loop3A_341] {strides = array<i32>} : memref<80x128xf32, #tpu.memory_space<vmem>>, vector<1x16xf32>,
        %parallel_loop3A_343 = vector.shape_cast %parallel_loop3A_342 : vector<1x16xf32> to vector<16xf32>
        %parallel_loop3A_344 = arith.index_cast %parallel_loop3A_254 : i32 to index
        %parallel_loop3A_345 = arith.constant 80 : index
        %parallel_loop3A_346 = tpu.vector_load %arg14[%parallel_loop3A_344, %parallel_loop3A_345] {strides = array<i32>} : memref<80x128xf32, #tpu.memory_space<vmem>>, vector<1x16xf32>,
        %parallel_loop3A_347 = vector.shape_cast %parallel_loop3A_346 : vector<1x16xf32> to vector<16xf32>
        %parallel_loop3A_348 = arith.addf %parallel_loop3A_343, %parallel_loop3A_347 : vector<16xf32>
        %parallel_loop3A_349 = arith.constant 0.000000e+00 : f32
        %parallel_loop3A_350 = vector.broadcast %parallel_loop3A_349 : f32 to vector<16xf32>
        %parallel_loop3A_351 = arith.maximumf %parallel_loop3A_348, %parallel_loop3A_350 : vector<16xf32>
        %parallel_loop3A_352 = arith.index_cast %parallel_loop3A_254 : i32 to index
        %parallel_loop3A_353 = arith.constant 80 : index
        %parallel_loop3A_354 = tpu.vector_load %arg14[%parallel_loop3A_352, %parallel_loop3A_353] {strides = array<i32>} : memref<80x128xf32, #tpu.memory_space<vmem>>, vector<1x16xf32>,
        %parallel_loop3A_355 = vector.shape_cast %parallel_loop3A_354 : vector<1x16xf32> to vector<16xf32>
        %parallel_loop3A_356 = vector.shape_cast %parallel_loop3A_351 : vector<16xf32> to vector<1x16xf32>
        tpu.vector_store %arg14[%parallel_loop3A_352, %parallel_loop3A_353], %parallel_loop3A_356 {strides = array<i32>} : memref<80x128xf32, #tpu.memory_space<vmem>>, vector<1x16xf32>,
        %parallel_loop3A_357 = arith.index_cast %parallel_loop3A_254 : i32 to index
        %parallel_loop3A_358 = arith.constant 96 : index
        %parallel_loop3A_359 = tpu.vector_load %arg12[%parallel_loop3A_357, %parallel_loop3A_358] {strides = array<i32>} : memref<80x128xf32, #tpu.memory_space<vmem>>, vector<1x16xf32>,
        %parallel_loop3A_360 = vector.shape_cast %parallel_loop3A_359 : vector<1x16xf32> to vector<16xf32>
        %parallel_loop3A_361 = arith.index_cast %parallel_loop3A_254 : i32 to index
        %parallel_loop3A_362 = arith.constant 96 : index
        %parallel_loop3A_363 = tpu.vector_load %arg14[%parallel_loop3A_361, %parallel_loop3A_362] {strides = array<i32>} : memref<80x128xf32, #tpu.memory_space<vmem>>, vector<1x16xf32>,
        %parallel_loop3A_364 = vector.shape_cast %parallel_loop3A_363 : vector<1x16xf32> to vector<16xf32>
        %parallel_loop3A_365 = arith.addf %parallel_loop3A_360, %parallel_loop3A_364 : vector<16xf32>
        %parallel_loop3A_366 = arith.constant 0.000000e+00 : f32
        %parallel_loop3A_367 = vector.broadcast %parallel_loop3A_366 : f32 to vector<16xf32>
        %parallel_loop3A_368 = arith.maximumf %parallel_loop3A_365, %parallel_loop3A_367 : vector<16xf32>
        %parallel_loop3A_369 = arith.index_cast %parallel_loop3A_254 : i32 to index
        %parallel_loop3A_370 = arith.constant 96 : index
        %parallel_loop3A_371 = tpu.vector_load %arg14[%parallel_loop3A_369, %parallel_loop3A_370] {strides = array<i32>} : memref<80x128xf32, #tpu.memory_space<vmem>>, vector<1x16xf32>,
        %parallel_loop3A_372 = vector.shape_cast %parallel_loop3A_371 : vector<1x16xf32> to vector<16xf32>
        %parallel_loop3A_373 = vector.shape_cast %parallel_loop3A_368 : vector<16xf32> to vector<1x16xf32>
        tpu.vector_store %arg14[%parallel_loop3A_369, %parallel_loop3A_370], %parallel_loop3A_373 {strides = array<i32>} : memref<80x128xf32, #tpu.memory_space<vmem>>, vector<1x16xf32>,
        %parallel_loop3A_374 = arith.index_cast %parallel_loop3A_254 : i32 to index
        %parallel_loop3A_375 = arith.constant 112 : index
        %parallel_loop3A_376 = tpu.vector_load %arg12[%parallel_loop3A_374, %parallel_loop3A_375] {strides = array<i32>} : memref<80x128xf32, #tpu.memory_space<vmem>>, vector<1x16xf32>,
        %parallel_loop3A_377 = vector.shape_cast %parallel_loop3A_376 : vector<1x16xf32> to vector<16xf32>
        %parallel_loop3A_378 = arith.index_cast %parallel_loop3A_254 : i32 to index
        %parallel_loop3A_379 = arith.constant 112 : index
        %parallel_loop3A_380 = tpu.vector_load %arg14[%parallel_loop3A_378, %parallel_loop3A_379] {strides = array<i32>} : memref<80x128xf32, #tpu.memory_space<vmem>>, vector<1x16xf32>,
        %parallel_loop3A_381 = vector.shape_cast %parallel_loop3A_380 : vector<1x16xf32> to vector<16xf32>
        %parallel_loop3A_382 = arith.addf %parallel_loop3A_377, %parallel_loop3A_381 : vector<16xf32>
        %parallel_loop3A_383 = arith.constant 0.000000e+00 : f32
        %parallel_loop3A_384 = vector.broadcast %parallel_loop3A_383 : f32 to vector<16xf32>
        %parallel_loop3A_385 = arith.maximumf %parallel_loop3A_382, %parallel_loop3A_384 : vector<16xf32>
        %parallel_loop3A_386 = arith.index_cast %parallel_loop3A_254 : i32 to index
        %parallel_loop3A_387 = arith.constant 112 : index
        %parallel_loop3A_388 = tpu.vector_load %arg14[%parallel_loop3A_386, %parallel_loop3A_387] {strides = array<i32>} : memref<80x128xf32, #tpu.memory_space<vmem>>, vector<1x16xf32>,
        %parallel_loop3A_389 = vector.shape_cast %parallel_loop3A_388 : vector<1x16xf32> to vector<16xf32>
        %parallel_loop3A_390 = vector.shape_cast %parallel_loop3A_385 : vector<16xf32> to vector<1x16xf32>
        tpu.vector_store %arg14[%parallel_loop3A_386, %parallel_loop3A_387], %parallel_loop3A_390 {strides = array<i32>} : memref<80x128xf32, #tpu.memory_space<vmem>>, vector<1x16xf32>,
      } {sc.loop_unroll_factor = 4 : i64, sc.parallel_access}
      %dma_start3A_250 = arith.constant 0 : i32
      %dma_start3A_251 = arith.constant 0 : i32
      %dma_start3A_252 = tpu.memref_slice %arg15[%dma_start3A_250, %dma_start3A_251] : memref<10000x128xf32, #tpu.memory_space<vmem_shared>> -> memref<10000x128xf32, #tpu.memory_space<vmem_shared>>
      tpu.enqueue_indirect_dma source(%arg14 : memref<80x128xf32, #tpu.memory_space<vmem>>) target(%dma_start3A_252 : memref<10000x128xf32, #tpu.memory_space<vmem_shared>>) offsets(%arg10 : memref<80xi32, #tpu.memory_space<vmem>>) semaphore(%arg21 : memref<!tpu.dma_semaphore, #tpu.memory_space<semaphore_mem>>) {add = true}
      %scan3A_253 = arith.constant 0 : i32
      scf.yield %scan3A_253 : i32
    }
    %scan3A_160 = arith.constant 61 : i32
    %dma_wait3A_161 = arith.constant 0 : i32
    %dma_wait3A_162 = arith.constant 0 : i32
    %dma_wait3A_163 = tpu.memref_slice %arg4[%dma_wait3A_161, %dma_wait3A_162] : memref<20000x128xf32, #tpu.memory_space<hbm>> -> memref<20000x128xf32, #tpu.memory_space<hbm>>
    tpu.wait_indirect_dma semaphore(%arg16 : memref<!tpu.dma_semaphore, #tpu.memory_space<semaphore_mem>>) src(%dma_wait3A_163 : memref<20000x128xf32, #tpu.memory_space<hbm>>) dst(%arg11 : memref<80x128xf32, #tpu.memory_space<vmem>>)
    %mul3A_164 = arith.constant 160000 : i32
    %mul3A_165 = arith.muli %arg0, %mul3A_164 : i32
    %dma_wait3A_166 = arith.constant 0 : i32
    %dma_wait3A_167 = tpu.memref_slice %arg5[%mul3A_165, %dma_wait3A_166] : memref<320000x128xf32, #tpu.memory_space<hbm>> -> memref<80x128xf32, #tpu.memory_space<hbm>>
    %dma_wait3A_168 = arith.constant 0 : i32
    %dma_wait3A_169 = tpu.memref_slice %arg5[%mul3A_165, %dma_wait3A_168] : memref<320000x128xf32, #tpu.memory_space<hbm>> -> memref<80x128xf32, #tpu.memory_space<hbm>>
    tpu.wait_dma2 semaphore(%arg18 : memref<!tpu.dma_semaphore, #tpu.memory_space<semaphore_mem>>) src(%dma_wait3A_169 : memref<80x128xf32, #tpu.memory_space<hbm>>) dst(%arg13 : memref<80x128xf32, #tpu.memory_space<vmem>>)
    %dma_wait3A_170 = arith.constant 0 : i32
    %dma_wait3A_171 = arith.constant 0 : i32
    %dma_wait3A_172 = tpu.memref_slice %arg15[%dma_wait3A_170, %dma_wait3A_171] : memref<10000x128xf32, #tpu.memory_space<vmem_shared>> -> memref<10000x128xf32, #tpu.memory_space<vmem_shared>>
    tpu.wait_indirect_dma semaphore(%arg21 : memref<!tpu.dma_semaphore, #tpu.memory_space<semaphore_mem>>) src(%arg14 : memref<80x128xf32, #tpu.memory_space<vmem>>) dst(%dma_wait3A_172 : memref<10000x128xf32, #tpu.memory_space<vmem_shared>>)
    %parallel_loop3A_173 = arith.constant 0 : i32
    %parallel_loop3A_174 = arith.constant 80 : i32
    %parallel_loop3A_175 = arith.constant 1 : i32
    scf.for %parallel_loop3A_190 = %parallel_loop3A_173 to %parallel_loop3A_174 step %parallel_loop3A_175  : i32 {
      %parallel_loop3A_191 = arith.index_cast %parallel_loop3A_190 : i32 to index
      %parallel_loop3A_192 = arith.constant 0 : index
      %parallel_loop3A_193 = tpu.vector_load %arg11[%parallel_loop3A_191, %parallel_loop3A_192] {strides = array<i32>} : memref<80x128xf32, #tpu.memory_space<vmem>>, vector<1x16xf32>,
      %parallel_loop3A_194 = vector.shape_cast %parallel_loop3A_193 : vector<1x16xf32> to vector<16xf32>
      %parallel_loop3A_195 = arith.index_cast %parallel_loop3A_190 : i32 to index
      %parallel_loop3A_196 = arith.constant 0 : index
      %parallel_loop3A_197 = tpu.vector_load %arg13[%parallel_loop3A_195, %parallel_loop3A_196] {strides = array<i32>} : memref<80x128xf32, #tpu.memory_space<vmem>>, vector<1x16xf32>,
      %parallel_loop3A_198 = vector.shape_cast %parallel_loop3A_197 : vector<1x16xf32> to vector<16xf32>
      %parallel_loop3A_199 = arith.addf %parallel_loop3A_194, %parallel_loop3A_198 : vector<16xf32>
      %parallel_loop3A_200 = arith.constant 0.000000e+00 : f32
      %parallel_loop3A_201 = vector.broadcast %parallel_loop3A_200 : f32 to vector<16xf32>
      %parallel_loop3A_202 = arith.maximumf %parallel_loop3A_199, %parallel_loop3A_201 : vector<16xf32>
      %parallel_loop3A_203 = arith.index_cast %parallel_loop3A_190 : i32 to index
      %parallel_loop3A_204 = arith.constant 0 : index
      %parallel_loop3A_205 = tpu.vector_load %arg13[%parallel_loop3A_203, %parallel_loop3A_204] {strides = array<i32>} : memref<80x128xf32, #tpu.memory_space<vmem>>, vector<1x16xf32>,
      %parallel_loop3A_206 = vector.shape_cast %parallel_loop3A_205 : vector<1x16xf32> to vector<16xf32>
      %parallel_loop3A_207 = vector.shape_cast %parallel_loop3A_202 : vector<16xf32> to vector<1x16xf32>
      tpu.vector_store %arg13[%parallel_loop3A_203, %parallel_loop3A_204], %parallel_loop3A_207 {strides = array<i32>} : memref<80x128xf32, #tpu.memory_space<vmem>>, vector<1x16xf32>,
      %parallel_loop3A_208 = arith.index_cast %parallel_loop3A_190 : i32 to index
      %parallel_loop3A_209 = arith.constant 16 : index
      %parallel_loop3A_210 = tpu.vector_load %arg11[%parallel_loop3A_208, %parallel_loop3A_209] {strides = array<i32>} : memref<80x128xf32, #tpu.memory_space<vmem>>, vector<1x16xf32>,
      %parallel_loop3A_211 = vector.shape_cast %parallel_loop3A_210 : vector<1x16xf32> to vector<16xf32>
      %parallel_loop3A_212 = arith.index_cast %parallel_loop3A_190 : i32 to index
      %parallel_loop3A_213 = arith.constant 16 : index
      %parallel_loop3A_214 = tpu.vector_load %arg13[%parallel_loop3A_212, %parallel_loop3A_213] {strides = array<i32>} : memref<80x128xf32, #tpu.memory_space<vmem>>, vector<1x16xf32>,
      %parallel_loop3A_215 = vector.shape_cast %parallel_loop3A_214 : vector<1x16xf32> to vector<16xf32>
      %parallel_loop3A_216 = arith.addf %parallel_loop3A_211, %parallel_loop3A_215 : vector<16xf32>
      %parallel_loop3A_217 = arith.constant 0.000000e+00 : f32
      %parallel_loop3A_218 = vector.broadcast %parallel_loop3A_217 : f32 to vector<16xf32>
      %parallel_loop3A_219 = arith.maximumf %parallel_loop3A_216, %parallel_loop3A_218 : vector<16xf32>
      %parallel_loop3A_220 = arith.index_cast %parallel_loop3A_190 : i32 to index
      %parallel_loop3A_221 = arith.constant 16 : index
      %parallel_loop3A_222 = tpu.vector_load %arg13[%parallel_loop3A_220, %parallel_loop3A_221] {strides = array<i32>} : memref<80x128xf32, #tpu.memory_space<vmem>>, vector<1x16xf32>,
      %parallel_loop3A_223 = vector.shape_cast %parallel_loop3A_222 : vector<1x16xf32> to vector<16xf32>
      %parallel_loop3A_224 = vector.shape_cast %parallel_loop3A_219 : vector<16xf32> to vector<1x16xf32>
      tpu.vector_store %arg13[%parallel_loop3A_220, %parallel_loop3A_221], %parallel_loop3A_224 {strides = array<i32>} : memref<80x128xf32, #tpu.memory_space<vmem>>, vector<1x16xf32>,
      %parallel_loop3A_225 = arith.index_cast %parallel_loop3A_190 : i32 to index
      %parallel_loop3A_226 = arith.constant 32 : index
      %parallel_loop3A_227 = tpu.vector_load %arg11[%parallel_loop3A_225, %parallel_loop3A_226] {strides = array<i32>} : memref<80x128xf32, #tpu.memory_space<vmem>>, vector<1x16xf32>,
      %parallel_loop3A_228 = vector.shape_cast %parallel_loop3A_227 : vector<1x16xf32> to vector<16xf32>
      %parallel_loop3A_229 = arith.index_cast %parallel_loop3A_190 : i32 to index
      %parallel_loop3A_230 = arith.constant 32 : index
      %parallel_loop3A_231 = tpu.vector_load %arg13[%parallel_loop3A_229, %parallel_loop3A_230] {strides = array<i32>} : memref<80x128xf32, #tpu.memory_space<vmem>>, vector<1x16xf32>,
      %parallel_loop3A_232 = vector.shape_cast %parallel_loop3A_231 : vector<1x16xf32> to vector<16xf32>
      %parallel_loop3A_233 = arith.addf %parallel_loop3A_228, %parallel_loop3A_232 : vector<16xf32>
      %parallel_loop3A_234 = arith.constant 0.000000e+00 : f32
      %parallel_loop3A_235 = vector.broadcast %parallel_loop3A_234 : f32 to vector<16xf32>
      %parallel_loop3A_236 = arith.maximumf %parallel_loop3A_233, %parallel_loop3A_235 : vector<16xf32>
      %parallel_loop3A_237 = arith.index_cast %parallel_loop3A_190 : i32 to index
      %parallel_loop3A_238 = arith.constant 32 : index
      %parallel_loop3A_239 = tpu.vector_load %arg13[%parallel_loop3A_237, %parallel_loop3A_238] {strides = array<i32>} : memref<80x128xf32, #tpu.memory_space<vmem>>, vector<1x16xf32>,
      %parallel_loop3A_240 = vector.shape_cast %parallel_loop3A_239 : vector<1x16xf32> to vector<16xf32>
      %parallel_loop3A_241 = vector.shape_cast %parallel_loop3A_236 : vector<16xf32> to vector<1x16xf32>
      tpu.vector_store %arg13[%parallel_loop3A_237, %parallel_loop3A_238], %parallel_loop3A_241 {strides = array<i32>} : memref<80x128xf32, #tpu.memory_space<vmem>>, vector<1x16xf32>,
      %parallel_loop3A_242 = arith.index_cast %parallel_loop3A_190 : i32 to index
      %parallel_loop3A_243 = arith.constant 48 : index
      %parallel_loop3A_244 = tpu.vector_load %arg11[%parallel_loop3A_242, %parallel_loop3A_243] {strides = array<i32>} : memref<80x128xf32, #tpu.memory_space<vmem>>, vector<1x16xf32>,
      %parallel_loop3A_245 = vector.shape_cast %parallel_loop3A_244 : vector<1x16xf32> to vector<16xf32>
      %parallel_loop3A_246 = arith.index_cast %parallel_loop3A_190 : i32 to index
      %parallel_loop3A_247 = arith.constant 48 : index
      %parallel_loop3A_248 = tpu.vector_load %arg13[%parallel_loop3A_246, %parallel_loop3A_247] {strides = array<i32>} : memref<80x128xf32, #tpu.memory_space<vmem>>, vector<1x16xf32>,
      %parallel_loop3A_249 = vector.shape_cast %parallel_loop3A_248 : vector<1x16xf32> to vector<16xf32>
      %parallel_loop3A_250 = arith.addf %parallel_loop3A_245, %parallel_loop3A_249 : vector<16xf32>
      %parallel_loop3A_251 = arith.constant 0.000000e+00 : f32
      %parallel_loop3A_252 = vector.broadcast %parallel_loop3A_251 : f32 to vector<16xf32>
      %parallel_loop3A_253 = arith.maximumf %parallel_loop3A_250, %parallel_loop3A_252 : vector<16xf32>
      %parallel_loop3A_254 = arith.index_cast %parallel_loop3A_190 : i32 to index
      %parallel_loop3A_255 = arith.constant 48 : index
      %parallel_loop3A_256 = tpu.vector_load %arg13[%parallel_loop3A_254, %parallel_loop3A_255] {strides = array<i32>} : memref<80x128xf32, #tpu.memory_space<vmem>>, vector<1x16xf32>,
      %parallel_loop3A_257 = vector.shape_cast %parallel_loop3A_256 : vector<1x16xf32> to vector<16xf32>
      %parallel_loop3A_258 = vector.shape_cast %parallel_loop3A_253 : vector<16xf32> to vector<1x16xf32>
      tpu.vector_store %arg13[%parallel_loop3A_254, %parallel_loop3A_255], %parallel_loop3A_258 {strides = array<i32>} : memref<80x128xf32, #tpu.memory_space<vmem>>, vector<1x16xf32>,
      %parallel_loop3A_259 = arith.index_cast %parallel_loop3A_190 : i32 to index
      %parallel_loop3A_260 = arith.constant 64 : index
      %parallel_loop3A_261 = tpu.vector_load %arg11[%parallel_loop3A_259, %parallel_loop3A_260] {strides = array<i32>} : memref<80x128xf32, #tpu.memory_space<vmem>>, vector<1x16xf32>,
      %parallel_loop3A_262 = vector.shape_cast %parallel_loop3A_261 : vector<1x16xf32> to vector<16xf32>
      %parallel_loop3A_263 = arith.index_cast %parallel_loop3A_190 : i32 to index
      %parallel_loop3A_264 = arith.constant 64 : index
      %parallel_loop3A_265 = tpu.vector_load %arg13[%parallel_loop3A_263, %parallel_loop3A_264] {strides = array<i32>} : memref<80x128xf32, #tpu.memory_space<vmem>>, vector<1x16xf32>,
      %parallel_loop3A_266 = vector.shape_cast %parallel_loop3A_265 : vector<1x16xf32> to vector<16xf32>
      %parallel_loop3A_267 = arith.addf %parallel_loop3A_262, %parallel_loop3A_266 : vector<16xf32>
      %parallel_loop3A_268 = arith.constant 0.000000e+00 : f32
      %parallel_loop3A_269 = vector.broadcast %parallel_loop3A_268 : f32 to vector<16xf32>
      %parallel_loop3A_270 = arith.maximumf %parallel_loop3A_267, %parallel_loop3A_269 : vector<16xf32>
      %parallel_loop3A_271 = arith.index_cast %parallel_loop3A_190 : i32 to index
      %parallel_loop3A_272 = arith.constant 64 : index
      %parallel_loop3A_273 = tpu.vector_load %arg13[%parallel_loop3A_271, %parallel_loop3A_272] {strides = array<i32>} : memref<80x128xf32, #tpu.memory_space<vmem>>, vector<1x16xf32>,
      %parallel_loop3A_274 = vector.shape_cast %parallel_loop3A_273 : vector<1x16xf32> to vector<16xf32>
      %parallel_loop3A_275 = vector.shape_cast %parallel_loop3A_270 : vector<16xf32> to vector<1x16xf32>
      tpu.vector_store %arg13[%parallel_loop3A_271, %parallel_loop3A_272], %parallel_loop3A_275 {strides = array<i32>} : memref<80x128xf32, #tpu.memory_space<vmem>>, vector<1x16xf32>,
      %parallel_loop3A_276 = arith.index_cast %parallel_loop3A_190 : i32 to index
      %parallel_loop3A_277 = arith.constant 80 : index
      %parallel_loop3A_278 = tpu.vector_load %arg11[%parallel_loop3A_276, %parallel_loop3A_277] {strides = array<i32>} : memref<80x128xf32, #tpu.memory_space<vmem>>, vector<1x16xf32>,
      %parallel_loop3A_279 = vector.shape_cast %parallel_loop3A_278 : vector<1x16xf32> to vector<16xf32>
      %parallel_loop3A_280 = arith.index_cast %parallel_loop3A_190 : i32 to index
      %parallel_loop3A_281 = arith.constant 80 : index
      %parallel_loop3A_282 = tpu.vector_load %arg13[%parallel_loop3A_280, %parallel_loop3A_281] {strides = array<i32>} : memref<80x128xf32, #tpu.memory_space<vmem>>, vector<1x16xf32>,
      %parallel_loop3A_283 = vector.shape_cast %parallel_loop3A_282 : vector<1x16xf32> to vector<16xf32>
      %parallel_loop3A_284 = arith.addf %parallel_loop3A_279, %parallel_loop3A_283 : vector<16xf32>
      %parallel_loop3A_285 = arith.constant 0.000000e+00 : f32
      %parallel_loop3A_286 = vector.broadcast %parallel_loop3A_285 : f32 to vector<16xf32>
      %parallel_loop3A_287 = arith.maximumf %parallel_loop3A_284, %parallel_loop3A_286 : vector<16xf32>
      %parallel_loop3A_288 = arith.index_cast %parallel_loop3A_190 : i32 to index
      %parallel_loop3A_289 = arith.constant 80 : index
      %parallel_loop3A_290 = tpu.vector_load %arg13[%parallel_loop3A_288, %parallel_loop3A_289] {strides = array<i32>} : memref<80x128xf32, #tpu.memory_space<vmem>>, vector<1x16xf32>,
      %parallel_loop3A_291 = vector.shape_cast %parallel_loop3A_290 : vector<1x16xf32> to vector<16xf32>
      %parallel_loop3A_292 = vector.shape_cast %parallel_loop3A_287 : vector<16xf32> to vector<1x16xf32>
      tpu.vector_store %arg13[%parallel_loop3A_288, %parallel_loop3A_289], %parallel_loop3A_292 {strides = array<i32>} : memref<80x128xf32, #tpu.memory_space<vmem>>, vector<1x16xf32>,
      %parallel_loop3A_293 = arith.index_cast %parallel_loop3A_190 : i32 to index
      %parallel_loop3A_294 = arith.constant 96 : index
      %parallel_loop3A_295 = tpu.vector_load %arg11[%parallel_loop3A_293, %parallel_loop3A_294] {strides = array<i32>} : memref<80x128xf32, #tpu.memory_space<vmem>>, vector<1x16xf32>,
      %parallel_loop3A_296 = vector.shape_cast %parallel_loop3A_295 : vector<1x16xf32> to vector<16xf32>
      %parallel_loop3A_297 = arith.index_cast %parallel_loop3A_190 : i32 to index
      %parallel_loop3A_298 = arith.constant 96 : index
      %parallel_loop3A_299 = tpu.vector_load %arg13[%parallel_loop3A_297, %parallel_loop3A_298] {strides = array<i32>} : memref<80x128xf32, #tpu.memory_space<vmem>>, vector<1x16xf32>,
      %parallel_loop3A_300 = vector.shape_cast %parallel_loop3A_299 : vector<1x16xf32> to vector<16xf32>
      %parallel_loop3A_301 = arith.addf %parallel_loop3A_296, %parallel_loop3A_300 : vector<16xf32>
      %parallel_loop3A_302 = arith.constant 0.000000e+00 : f32
      %parallel_loop3A_303 = vector.broadcast %parallel_loop3A_302 : f32 to vector<16xf32>
      %parallel_loop3A_304 = arith.maximumf %parallel_loop3A_301, %parallel_loop3A_303 : vector<16xf32>
      %parallel_loop3A_305 = arith.index_cast %parallel_loop3A_190 : i32 to index
      %parallel_loop3A_306 = arith.constant 96 : index
      %parallel_loop3A_307 = tpu.vector_load %arg13[%parallel_loop3A_305, %parallel_loop3A_306] {strides = array<i32>} : memref<80x128xf32, #tpu.memory_space<vmem>>, vector<1x16xf32>,
      %parallel_loop3A_308 = vector.shape_cast %parallel_loop3A_307 : vector<1x16xf32> to vector<16xf32>
      %parallel_loop3A_309 = vector.shape_cast %parallel_loop3A_304 : vector<16xf32> to vector<1x16xf32>
      tpu.vector_store %arg13[%parallel_loop3A_305, %parallel_loop3A_306], %parallel_loop3A_309 {strides = array<i32>} : memref<80x128xf32, #tpu.memory_space<vmem>>, vector<1x16xf32>,
      %parallel_loop3A_310 = arith.index_cast %parallel_loop3A_190 : i32 to index
      %parallel_loop3A_311 = arith.constant 112 : index
      %parallel_loop3A_312 = tpu.vector_load %arg11[%parallel_loop3A_310, %parallel_loop3A_311] {strides = array<i32>} : memref<80x128xf32, #tpu.memory_space<vmem>>, vector<1x16xf32>,
      %parallel_loop3A_313 = vector.shape_cast %parallel_loop3A_312 : vector<1x16xf32> to vector<16xf32>
      %parallel_loop3A_314 = arith.index_cast %parallel_loop3A_190 : i32 to index
      %parallel_loop3A_315 = arith.constant 112 : index
      %parallel_loop3A_316 = tpu.vector_load %arg13[%parallel_loop3A_314, %parallel_loop3A_315] {strides = array<i32>} : memref<80x128xf32, #tpu.memory_space<vmem>>, vector<1x16xf32>,
      %parallel_loop3A_317 = vector.shape_cast %parallel_loop3A_316 : vector<1x16xf32> to vector<16xf32>
      %parallel_loop3A_318 = arith.addf %parallel_loop3A_313, %parallel_loop3A_317 : vector<16xf32>
      %parallel_loop3A_319 = arith.constant 0.000000e+00 : f32
      %parallel_loop3A_320 = vector.broadcast %parallel_loop3A_319 : f32 to vector<16xf32>
      %parallel_loop3A_321 = arith.maximumf %parallel_loop3A_318, %parallel_loop3A_320 : vector<16xf32>
      %parallel_loop3A_322 = arith.index_cast %parallel_loop3A_190 : i32 to index
      %parallel_loop3A_323 = arith.constant 112 : index
      %parallel_loop3A_324 = tpu.vector_load %arg13[%parallel_loop3A_322, %parallel_loop3A_323] {strides = array<i32>} : memref<80x128xf32, #tpu.memory_space<vmem>>, vector<1x16xf32>,
      %parallel_loop3A_325 = vector.shape_cast %parallel_loop3A_324 : vector<1x16xf32> to vector<16xf32>
      %parallel_loop3A_326 = vector.shape_cast %parallel_loop3A_321 : vector<16xf32> to vector<1x16xf32>
      tpu.vector_store %arg13[%parallel_loop3A_322, %parallel_loop3A_323], %parallel_loop3A_326 {strides = array<i32>} : memref<80x128xf32, #tpu.memory_space<vmem>>, vector<1x16xf32>,
    } {sc.loop_unroll_factor = 4 : i64, sc.parallel_access}
    %dma_start3A_176 = arith.constant 0 : i32
    %dma_start3A_177 = arith.constant 0 : i32
    %dma_start3A_178 = tpu.memref_slice %arg15[%dma_start3A_176, %dma_start3A_177] : memref<10000x128xf32, #tpu.memory_space<vmem_shared>> -> memref<10000x128xf32, #tpu.memory_space<vmem_shared>>
    tpu.enqueue_indirect_dma source(%arg13 : memref<80x128xf32, #tpu.memory_space<vmem>>) target(%dma_start3A_178 : memref<10000x128xf32, #tpu.memory_space<vmem_shared>>) offsets(%arg9 : memref<80xi32, #tpu.memory_space<vmem>>) semaphore(%arg20 : memref<!tpu.dma_semaphore, #tpu.memory_space<semaphore_mem>>) {add = true}
    %dma_wait3A_179 = arith.constant 0 : i32
    %dma_wait3A_180 = arith.constant 0 : i32
    %dma_wait3A_181 = tpu.memref_slice %arg15[%dma_wait3A_179, %dma_wait3A_180] : memref<10000x128xf32, #tpu.memory_space<vmem_shared>> -> memref<10000x128xf32, #tpu.memory_space<vmem_shared>>
    tpu.wait_indirect_dma semaphore(%arg20 : memref<!tpu.dma_semaphore, #tpu.memory_space<semaphore_mem>>) src(%arg13 : memref<80x128xf32, #tpu.memory_space<vmem>>) dst(%dma_wait3A_181 : memref<10000x128xf32, #tpu.memory_space<vmem_shared>>)
    %barrier3A_182 = arith.constant 0 : index
    tpu.barrier barrier_id(%barrier3A_182)
    %mul3A_183 = arith.constant 128 : i32
    %mul3A_184 = arith.muli %arg0, %mul3A_183 : i32
    "tpu.region"() ({
      %run_scoped3A = tpu.sem_alloc : memref<!tpu.dma_semaphore, #tpu.memory_space<semaphore_mem>>
      %dma_start3A_190 = tpu.memref_slice %arg6[%mul3A_6, %mul3A_184] : memref<10000x256xf32, #tpu.memory_space<hbm>> -> memref<624x128xf32, #tpu.memory_space<hbm>>
      %dma_start3A_191 = arith.constant 0 : i32
      %dma_start3A_192 = tpu.memref_slice %arg15[%mul3A_6, %dma_start3A_191] : memref<10000x128xf32, #tpu.memory_space<vmem_shared>> -> memref<624x128xf32, #tpu.memory_space<vmem_shared>>
      tpu.enqueue_dma source(%dma_start3A_192 : memref<624x128xf32, #tpu.memory_space<vmem_shared>>) target(%dma_start3A_190 : memref<624x128xf32, #tpu.memory_space<hbm>>) target_semaphore(%run_scoped3A : memref<!tpu.dma_semaphore, #tpu.memory_space<semaphore_mem>>)
      %dma_wait3A_193 = tpu.memref_slice %arg6[%mul3A_6, %mul3A_184] : memref<10000x256xf32, #tpu.memory_space<hbm>> -> memref<624x128xf32, #tpu.memory_space<hbm>>
      %dma_wait3A_194 = arith.constant 0 : i32
      %dma_wait3A_195 = tpu.memref_slice %arg15[%mul3A_6, %dma_wait3A_194] : memref<10000x128xf32, #tpu.memory_space<vmem_shared>> -> memref<624x128xf32, #tpu.memory_space<vmem_shared>>
      tpu.wait_dma2 semaphore(%run_scoped3A : memref<!tpu.dma_semaphore, #tpu.memory_space<semaphore_mem>>) src(%dma_wait3A_195 : memref<624x128xf32, #tpu.memory_space<vmem_shared>>) dst(%dma_wait3A_193 : memref<624x128xf32, #tpu.memory_space<hbm>>)
      tpu.yield
    }) : () -> ()
    %eq3A_185 = arith.constant 15 : i32
    %eq3A_186 = arith.cmpi eq, %arg1, %eq3A_185 : i32
    %convert_element_type3A_187 = arith.extui %eq3A_186 : i1 to i32
    %cond3A_188 = arith.constant 0 : i32
    %cond3A_189 = arith.cmpi ne, %convert_element_type3A_187, %cond3A_188 : i32
    scf.if %cond3A_189 {
      %mul3A_190 = arith.constant 128 : i32
      %mul3A_191 = arith.muli %arg0, %mul3A_190 : i32
      "tpu.region"() ({
        %run_scoped3A = tpu.sem_alloc : memref<!tpu.dma_semaphore, #tpu.memory_space<semaphore_mem>>
        %dma_start3A_192 = arith.constant 9984 : i32
        %dma_start3A_193 = tpu.memref_slice %arg6[%dma_start3A_192, %mul3A_191] : memref<10000x256xf32, #tpu.memory_space<hbm>> -> memref<16x128xf32, #tpu.memory_space<hbm>>
        %dma_start3A_194 = arith.constant 9984 : i32
        %dma_start3A_195 = arith.constant 0 : i32
        %dma_start3A_196 = tpu.memref_slice %arg15[%dma_start3A_194, %dma_start3A_195] : memref<10000x128xf32, #tpu.memory_space<vmem_shared>> -> memref<16x128xf32, #tpu.memory_space<vmem_shared>>
        tpu.enqueue_dma source(%dma_start3A_196 : memref<16x128xf32, #tpu.memory_space<vmem_shared>>) target(%dma_start3A_193 : memref<16x128xf32, #tpu.memory_space<hbm>>) target_semaphore(%run_scoped3A : memref<!tpu.dma_semaphore, #tpu.memory_space<semaphore_mem>>)
        %dma_wait3A_197 = arith.constant 9984 : i32
        %dma_wait3A_198 = tpu.memref_slice %arg6[%dma_wait3A_197, %mul3A_191] : memref<10000x256xf32, #tpu.memory_space<hbm>> -> memref<16x128xf32, #tpu.memory_space<hbm>>
        %dma_wait3A_199 = arith.constant 9984 : i32
        %dma_wait3A_200 = arith.constant 0 : i32
        %dma_wait3A_201 = tpu.memref_slice %arg15[%dma_wait3A_199, %dma_wait3A_200] : memref<10000x128xf32, #tpu.memory_space<vmem_shared>> -> memref<16x128xf32, #tpu.memory_space<vmem_shared>>
        tpu.wait_dma2 semaphore(%run_scoped3A : memref<!tpu.dma_semaphore, #tpu.memory_space<semaphore_mem>>) src(%dma_wait3A_201 : memref<16x128xf32, #tpu.memory_space<vmem_shared>>) dst(%dma_wait3A_198 : memref<16x128xf32, #tpu.memory_space<hbm>>)
        tpu.yield
      }) : () -> ()
    } else {
    }
    return
  }
}

module attributes {stable_mosaic.version = 14 : i64} {
  func.func @_mm_kernel(%arg0: i32, %arg1: i32, %arg2: memref<2000x256xf32, #tpu.memory_space<vmem>>, %arg3: memref<256x128xf32, #tpu.memory_space<vmem>>, %arg4: memref<2000x128xf32, #tpu.memory_space<vmem>>) attributes {dimension_semantics = [#tpu.dimension_semantics<arbitrary>, #tpu.dimension_semantics<arbitrary>], iteration_bounds = array<i64: 2, 5>, scalar_prefetch = 0 : i64, scratch_operands = 0 : i64, tpu.core_type = #tpu.core_type<tc>, window_params = [{transform_indices = @transform_0, window_bounds = array<i64: 2000, 256>}, {transform_indices = @transform_1, window_bounds = array<i64: 256, 128>}, {transform_indices = @transform_2, window_bounds = array<i64: 2000, 128>}]} {
    %get3A = arith.constant 0 : index
    %get3A_0 = arith.constant 0 : index
    %get3A_1 = vector.load %arg2[%get3A, %get3A_0] : memref<2000x256xf32, #tpu.memory_space<vmem>>, vector<2000x256xf32>
    %get3A_2 = arith.constant 0 : index
    %get3A_3 = arith.constant 0 : index
    %get3A_4 = vector.load %arg3[%get3A_2, %get3A_3] : memref<256x128xf32, #tpu.memory_space<vmem>>, vector<256x128xf32>
    %dot_general3A = arith.constant dense<0.000000e+00> : vector<2000x128xf32>
    %dot_general3A_5 = tpu.matmul %get3A_1, %get3A_4, %dot_general3A {dimension_numbers = #tpu.dot_dimension_numbers<[1], [0], [0], [1], [0, 0, 1, 1], [], []>, transpose_lhs_hint = false} : vector<2000x256xf32>, vector<256x128xf32>, vector<2000x128xf32> -> vector<2000x128xf32>
    %swap3A = arith.constant 0 : index
    %swap3A_6 = arith.constant 0 : index
    %swap3A_7 = vector.load %arg4[%swap3A, %swap3A_6] : memref<2000x128xf32, #tpu.memory_space<vmem>>, vector<2000x128xf32>
    tpu.vector_store %arg4[%swap3A, %swap3A_6], %dot_general3A_5 {strides = array<i32>} : memref<2000x128xf32, #tpu.memory_space<vmem>>, vector<2000x128xf32>,
    return
  }
  func.func @transform_0(%arg0: i32, %arg1: i32) -> (i32, i32) {
    %c0_i32 = arith.constant 0 : i32
    %c0_i32_0 = arith.constant 0 : i32
    return %arg1, %c0_i32 : i32, i32
  }
  func.func @transform_1(%arg0: i32, %arg1: i32) -> (i32, i32) {
    %c0_i32 = arith.constant 0 : i32
    %c0_i32_0 = arith.constant 0 : i32
    return %c0_i32, %arg0 : i32, i32
  }
  func.func @transform_2(%arg0: i32, %arg1: i32) -> (i32, i32) {
    %mul3A = arith.constant 5 : i32
    %mul3A_0 = arith.muli %arg0, %mul3A : i32
    %add3A = arith.addi %mul3A_0, %arg1 : i32
    %c0_i32 = arith.constant 0 : i32
    %c0_i32_1 = arith.constant 0 : i32
    return %add3A, %c0_i32 : i32, i32
  }
}

module attributes {stable_mosaic.version = 14 : i64} {
  func.func @_mm_bias_bf16in_kernel(%arg0: i32, %arg1: i32, %arg2: memref<4000x256xf32, #tpu.memory_space<vmem>>, %arg3: memref<256x128xf32, #tpu.memory_space<vmem>>, %arg4: memref<1x1x128xf32, #tpu.memory_space<vmem>>, %arg5: memref<4000x128xf32, #tpu.memory_space<vmem>>) attributes {dimension_semantics = [#tpu.dimension_semantics<arbitrary>, #tpu.dimension_semantics<arbitrary>], iteration_bounds = array<i64: 2, 40>, scalar_prefetch = 0 : i64, scratch_operands = 0 : i64, tpu.core_type = #tpu.core_type<tc>, window_params = [{transform_indices = @transform_0, window_bounds = array<i64: 4000, 256>}, {transform_indices = @transform_1, window_bounds = array<i64: 256, 128>}, {transform_indices = @transform_2, window_bounds = array<i64: 1, 1, 128>}, {transform_indices = @transform_3, window_bounds = array<i64: 4000, 128>}]} {
    %get3A = arith.constant 0 : index
    %get3A_0 = arith.constant 0 : index
    %get3A_1 = vector.load %arg2[%get3A, %get3A_0] : memref<4000x256xf32, #tpu.memory_space<vmem>>, vector<4000x256xf32>
    %convert_element_type3A = arith.truncf %get3A_1 : vector<4000x256xf32> to vector<4000x256xbf16>
    %get3A_2 = arith.constant 0 : index
    %get3A_3 = arith.constant 0 : index
    %get3A_4 = vector.load %arg3[%get3A_2, %get3A_3] : memref<256x128xf32, #tpu.memory_space<vmem>>, vector<256x128xf32>
    %convert_element_type3A_5 = arith.truncf %get3A_4 : vector<256x128xf32> to vector<256x128xbf16>
    %dot_general3A = arith.constant dense<0.000000e+00> : vector<4000x128xf32>
    %dot_general3A_6 = tpu.matmul %convert_element_type3A, %convert_element_type3A_5, %dot_general3A {dimension_numbers = #tpu.dot_dimension_numbers<[1], [0], [0], [1], [0, 0, 1, 1], [], []>, transpose_lhs_hint = false} : vector<4000x256xbf16>, vector<256x128xbf16>, vector<4000x128xf32> -> vector<4000x128xf32>
    %get3A_7 = arith.constant 0 : index
    %get3A_8 = arith.constant 0 : index
    %get3A_9 = arith.constant 0 : index
    %get3A_10 = vector.load %arg4[%get3A_7, %get3A_8, %get3A_9] : memref<1x1x128xf32, #tpu.memory_space<vmem>>, vector<1x1x128xf32>
    %get3A_11 = vector.shape_cast %get3A_10 : vector<1x1x128xf32> to vector<1x128xf32>
    %add3A = vector.broadcast %get3A_11 : vector<1x128xf32> to vector<4000x128xf32>
    %add3A_12 = arith.addf %dot_general3A_6, %add3A : vector<4000x128xf32>
    %swap3A = arith.constant 0 : index
    %swap3A_13 = arith.constant 0 : index
    %swap3A_14 = vector.load %arg5[%swap3A, %swap3A_13] : memref<4000x128xf32, #tpu.memory_space<vmem>>, vector<4000x128xf32>
    tpu.vector_store %arg5[%swap3A, %swap3A_13], %add3A_12 {strides = array<i32>} : memref<4000x128xf32, #tpu.memory_space<vmem>>, vector<4000x128xf32>,
    return
  }
  func.func @transform_0(%arg0: i32, %arg1: i32) -> (i32, i32) {
    %c0_i32 = arith.constant 0 : i32
    %c0_i32_0 = arith.constant 0 : i32
    return %arg1, %c0_i32 : i32, i32
  }
  func.func @transform_1(%arg0: i32, %arg1: i32) -> (i32, i32) {
    %c0_i32 = arith.constant 0 : i32
    %c0_i32_0 = arith.constant 0 : i32
    return %c0_i32, %arg0 : i32, i32
  }
  func.func @transform_2(%arg0: i32, %arg1: i32) -> (i32, i32, i32) {
    %c0_i32 = arith.constant 0 : i32
    %c0_i32_0 = arith.constant 0 : i32
    %c0_i32_1 = arith.constant 0 : i32
    return %arg0, %c0_i32, %c0_i32_0 : i32, i32, i32
  }
  func.func @transform_3(%arg0: i32, %arg1: i32) -> (i32, i32) {
    %mul3A = arith.constant 40 : i32
    %mul3A_0 = arith.muli %arg0, %mul3A : i32
    %add3A = arith.addi %mul3A_0, %arg1 : i32
    %c0_i32 = arith.constant 0 : i32
    %c0_i32_1 = arith.constant 0 : i32
    return %add3A, %c0_i32 : i32, i32
  }
}

module attributes {stable_mosaic.version = 14 : i64} {
  func.func @_post_kernel(%arg0: i32, %arg1: memref<2000x256xf32, #tpu.memory_space<vmem>>, %arg2: memref<2000x256xf32, #tpu.memory_space<vmem>>, %arg3: memref<256x256xf32, #tpu.memory_space<vmem>>, %arg4: memref<256x256xf32, #tpu.memory_space<vmem>>, %arg5: memref<1x256xf32, #tpu.memory_space<vmem>>, %arg6: memref<256x256xf32, #tpu.memory_space<vmem>>, %arg7: memref<1x256xf32, #tpu.memory_space<vmem>>, %arg8: memref<256x256xf32, #tpu.memory_space<vmem>>, %arg9: memref<1x256xf32, #tpu.memory_space<vmem>>, %arg10: memref<256x128xf32, #tpu.memory_space<vmem>>, %arg11: memref<1x128xf32, #tpu.memory_space<vmem>>, %arg12: memref<1x128xf32, #tpu.memory_space<vmem>>, %arg13: memref<8x256xf32, #tpu.memory_space<vmem>>) attributes {dimension_semantics = [#tpu.dimension_semantics<arbitrary>], iteration_bounds = array<i64: 5>, scalar_prefetch = 0 : i64, scratch_operands = 1 : i64, tpu.core_type = #tpu.core_type<tc>, window_params = [{transform_indices = @transform_0, window_bounds = array<i64: 2000, 256>}, {transform_indices = @transform_1, window_bounds = array<i64: 2000, 256>}, {pipeline_mode = #tpu.pipeline_mode<synchronous>, transform_indices = @transform_2, window_bounds = array<i64: 256, 256>}, {pipeline_mode = #tpu.pipeline_mode<synchronous>, transform_indices = @transform_3, window_bounds = array<i64: 256, 256>}, {pipeline_mode = #tpu.pipeline_mode<synchronous>, transform_indices = @transform_4, window_bounds = array<i64: 1, 256>}, {pipeline_mode = #tpu.pipeline_mode<synchronous>, transform_indices = @transform_5, window_bounds = array<i64: 256, 256>}, {pipeline_mode = #tpu.pipeline_mode<synchronous>, transform_indices = @transform_6, window_bounds = array<i64: 1, 256>}, {pipeline_mode = #tpu.pipeline_mode<synchronous>, transform_indices = @transform_7, window_bounds = array<i64: 256, 256>}, {pipeline_mode = #tpu.pipeline_mode<synchronous>, transform_indices = @transform_8, window_bounds = array<i64: 1, 256>}, {pipeline_mode = #tpu.pipeline_mode<synchronous>, transform_indices = @transform_9, window_bounds = array<i64: 256, 128>}, {pipeline_mode = #tpu.pipeline_mode<synchronous>, transform_indices = @transform_10, window_bounds = array<i64: 1, 128>}, {pipeline_mode = #tpu.pipeline_mode<synchronous>, transform_indices = @transform_11, window_bounds = array<i64: 1, 128>}]} {
    %get3A = arith.constant 0 : index
    %get3A_0 = arith.constant 0 : index
    %get3A_1 = vector.load %arg1[%get3A, %get3A_0] : memref<2000x256xf32, #tpu.memory_space<vmem>>, vector<2000x256xf32>
    %get3A_2 = arith.constant 0 : index
    %get3A_3 = arith.constant 0 : index
    %get3A_4 = vector.load %arg3[%get3A_2, %get3A_3] : memref<256x256xf32, #tpu.memory_space<vmem>>, vector<256x256xf32>
    %dot_general3A = arith.constant dense<0.000000e+00> : vector<2000x256xf32>
    %dot_general3A_5 = tpu.matmul %get3A_1, %get3A_4, %dot_general3A {dimension_numbers = #tpu.dot_dimension_numbers<[1], [0], [0], [1], [0, 0, 1, 1], [], []>, transpose_lhs_hint = false} : vector<2000x256xf32>, vector<256x256xf32>, vector<2000x256xf32> -> vector<2000x256xf32>
    %get3A_6 = arith.constant 0 : index
    %get3A_7 = arith.constant 0 : index
    %get3A_8 = vector.load %arg2[%get3A_6, %get3A_7] : memref<2000x256xf32, #tpu.memory_space<vmem>>, vector<2000x256xf32>
    %get3A_9 = arith.constant 0 : index
    %get3A_10 = arith.constant 0 : index
    %get3A_11 = vector.load %arg4[%get3A_9, %get3A_10] : memref<256x256xf32, #tpu.memory_space<vmem>>, vector<256x256xf32>
    %dot_general3A_12 = arith.constant dense<0.000000e+00> : vector<2000x256xf32>
    %dot_general3A_13 = tpu.matmul %get3A_8, %get3A_11, %dot_general3A_12 {dimension_numbers = #tpu.dot_dimension_numbers<[1], [0], [0], [1], [0, 0, 1, 1], [], []>, transpose_lhs_hint = false} : vector<2000x256xf32>, vector<256x256xf32>, vector<2000x256xf32> -> vector<2000x256xf32>
    %add3A = arith.addf %dot_general3A_5, %dot_general3A_13 : vector<2000x256xf32>
    %get3A_14 = arith.constant 0 : index
    %get3A_15 = arith.constant 0 : index
    %get3A_16 = vector.load %arg5[%get3A_14, %get3A_15] : memref<1x256xf32, #tpu.memory_space<vmem>>, vector<1x256xf32>
    %add3A_17 = vector.broadcast %get3A_16 : vector<1x256xf32> to vector<2000x256xf32>
    %add3A_18 = arith.addf %add3A, %add3A_17 : vector<2000x256xf32>
    %max3A = arith.constant 0.000000e+00 : f32
    %max3A_19 = vector.broadcast %max3A : f32 to vector<2000x256xf32>
    %max3A_20 = arith.maximumf %add3A_18, %max3A_19 : vector<2000x256xf32>
    %reduce_sum3A = arith.constant dense<0.000000e+00> : vector<256xf32>
    %reduce_sum3A_21 = vector.multi_reduction <add>, %max3A_20, %reduce_sum3A [0] : vector<2000x256xf32> to vector<256xf32>
    %broadcast_in_dim3A = vector.shape_cast %reduce_sum3A_21 : vector<256xf32> to vector<1x256xf32>
    %eq3A = arith.constant 0 : i32
    %eq3A_22 = arith.cmpi eq, %arg0, %eq3A : i32
    %convert_element_type3A = arith.extui %eq3A_22 : i1 to i32
    %cond3A = arith.constant 0 : i32
    %cond3A_23 = arith.cmpi ne, %convert_element_type3A, %cond3A : i32
    scf.if %cond3A_23 {
      %swap3A = arith.constant 0 : index
      %swap3A_33 = arith.constant 0 : index
      %swap3A_34 = vector.load %arg13[%swap3A, %swap3A_33] : memref<8x256xf32, #tpu.memory_space<vmem>>, vector<1x256xf32>
      tpu.vector_store %arg13[%swap3A, %swap3A_33], %broadcast_in_dim3A {strides = array<i32>} : memref<8x256xf32, #tpu.memory_space<vmem>>, vector<1x256xf32>,
    } else {
    }
    %gt3A = arith.constant 0 : i32
    %gt3A_24 = arith.cmpi sgt, %arg0, %gt3A : i32
    %convert_element_type3A_25 = arith.extui %gt3A_24 : i1 to i32
    %cond3A_26 = arith.constant 0 : i32
    %cond3A_27 = arith.cmpi ne, %convert_element_type3A_25, %cond3A_26 : i32
    scf.if %cond3A_27 {
      %get3A_33 = arith.constant 0 : index
      %get3A_34 = arith.constant 0 : index
      %get3A_35 = vector.load %arg13[%get3A_33, %get3A_34] : memref<8x256xf32, #tpu.memory_space<vmem>>, vector<1x256xf32>
      %add3A_36 = arith.addf %get3A_35, %broadcast_in_dim3A : vector<1x256xf32>
      %swap3A = arith.constant 0 : index
      %swap3A_37 = arith.constant 0 : index
      %swap3A_38 = vector.load %arg13[%swap3A, %swap3A_37] : memref<8x256xf32, #tpu.memory_space<vmem>>, vector<1x256xf32>
      tpu.vector_store %arg13[%swap3A, %swap3A_37], %add3A_36 {strides = array<i32>} : memref<8x256xf32, #tpu.memory_space<vmem>>, vector<1x256xf32>,
    } else {
    }
    %eq3A_28 = arith.constant 4 : i32
    %eq3A_29 = arith.cmpi eq, %arg0, %eq3A_28 : i32
    %convert_element_type3A_30 = arith.extui %eq3A_29 : i1 to i32
    %cond3A_31 = arith.constant 0 : i32
    %cond3A_32 = arith.cmpi ne, %convert_element_type3A_30, %cond3A_31 : i32
    scf.if %cond3A_32 {
      %get3A_33 = arith.constant 0 : index
      %get3A_34 = arith.constant 0 : index
      %get3A_35 = vector.load %arg13[%get3A_33, %get3A_34] : memref<8x256xf32, #tpu.memory_space<vmem>>, vector<1x256xf32>
      %mul3A = arith.constant 9.99999974E-5 : f32
      %mul3A_36 = vector.broadcast %mul3A : f32 to vector<1x256xf32>
      %mul3A_37 = arith.mulf %get3A_35, %mul3A_36 : vector<1x256xf32>
      %get3A_38 = arith.constant 0 : index
      %get3A_39 = arith.constant 0 : index
      %get3A_40 = vector.load %arg6[%get3A_38, %get3A_39] : memref<256x256xf32, #tpu.memory_space<vmem>>, vector<256x256xf32>
      %dot_general3A_41 = arith.constant dense<0.000000e+00> : vector<1x256xf32>
      %dot_general3A_42 = tpu.matmul %mul3A_37, %get3A_40, %dot_general3A_41 {dimension_numbers = #tpu.dot_dimension_numbers<[1], [0], [0], [1], [0, 0, 1, 1], [], []>, transpose_lhs_hint = false} : vector<1x256xf32>, vector<256x256xf32>, vector<1x256xf32> -> vector<1x256xf32>
      %get3A_43 = arith.constant 0 : index
      %get3A_44 = arith.constant 0 : index
      %get3A_45 = vector.load %arg7[%get3A_43, %get3A_44] : memref<1x256xf32, #tpu.memory_space<vmem>>, vector<1x256xf32>
      %add3A_46 = arith.addf %dot_general3A_42, %get3A_45 : vector<1x256xf32>
      %max3A_47 = arith.constant 0.000000e+00 : f32
      %max3A_48 = vector.broadcast %max3A_47 : f32 to vector<1x256xf32>
      %max3A_49 = arith.maximumf %add3A_46, %max3A_48 : vector<1x256xf32>
      %get3A_50 = arith.constant 0 : index
      %get3A_51 = arith.constant 0 : index
      %get3A_52 = vector.load %arg8[%get3A_50, %get3A_51] : memref<256x256xf32, #tpu.memory_space<vmem>>, vector<256x256xf32>
      %dot_general3A_53 = arith.constant dense<0.000000e+00> : vector<1x256xf32>
      %dot_general3A_54 = tpu.matmul %max3A_49, %get3A_52, %dot_general3A_53 {dimension_numbers = #tpu.dot_dimension_numbers<[1], [0], [0], [1], [0, 0, 1, 1], [], []>, transpose_lhs_hint = false} : vector<1x256xf32>, vector<256x256xf32>, vector<1x256xf32> -> vector<1x256xf32>
      %get3A_55 = arith.constant 0 : index
      %get3A_56 = arith.constant 0 : index
      %get3A_57 = vector.load %arg9[%get3A_55, %get3A_56] : memref<1x256xf32, #tpu.memory_space<vmem>>, vector<1x256xf32>
      %add3A_58 = arith.addf %dot_general3A_54, %get3A_57 : vector<1x256xf32>
      %max3A_59 = arith.constant 0.000000e+00 : f32
      %max3A_60 = vector.broadcast %max3A_59 : f32 to vector<1x256xf32>
      %max3A_61 = arith.maximumf %add3A_58, %max3A_60 : vector<1x256xf32>
      %get3A_62 = arith.constant 0 : index
      %get3A_63 = arith.constant 0 : index
      %get3A_64 = vector.load %arg10[%get3A_62, %get3A_63] : memref<256x128xf32, #tpu.memory_space<vmem>>, vector<256x128xf32>
      %dot_general3A_65 = arith.constant dense<0.000000e+00> : vector<1x128xf32>
      %dot_general3A_66 = tpu.matmul %max3A_61, %get3A_64, %dot_general3A_65 {dimension_numbers = #tpu.dot_dimension_numbers<[1], [0], [0], [1], [0, 0, 1, 1], [], []>, transpose_lhs_hint = false} : vector<1x256xf32>, vector<256x128xf32>, vector<1x128xf32> -> vector<1x128xf32>
      %get3A_67 = arith.constant 0 : index
      %get3A_68 = arith.constant 0 : index
      %get3A_69 = vector.load %arg11[%get3A_67, %get3A_68] : memref<1x128xf32, #tpu.memory_space<vmem>>, vector<1x128xf32>
      %add3A_70 = arith.addf %dot_general3A_66, %get3A_69 : vector<1x128xf32>
      %swap3A = arith.constant 0 : index
      %swap3A_71 = arith.constant 0 : index
      %swap3A_72 = vector.load %arg12[%swap3A, %swap3A_71] : memref<1x128xf32, #tpu.memory_space<vmem>>, vector<1x128xf32>
      tpu.vector_store %arg12[%swap3A, %swap3A_71], %add3A_70 {strides = array<i32>} : memref<1x128xf32, #tpu.memory_space<vmem>>, vector<1x128xf32>,
    } else {
    }
    return
  }
  func.func @transform_0(%arg0: i32) -> (i32, i32) {
    %c0_i32 = arith.constant 0 : i32
    %c0_i32_0 = arith.constant 0 : i32
    return %arg0, %c0_i32 : i32, i32
  }
  func.func @transform_1(%arg0: i32) -> (i32, i32) {
    %c0_i32 = arith.constant 0 : i32
    %c0_i32_0 = arith.constant 0 : i32
    return %arg0, %c0_i32 : i32, i32
  }
  func.func @transform_2(%arg0: i32) -> (i32, i32) {
    %c0_i32 = arith.constant 0 : i32
    %c0_i32_0 = arith.constant 0 : i32
    %c0_i32_1 = arith.constant 0 : i32
    return %c0_i32, %c0_i32_0 : i32, i32
  }
  func.func @transform_3(%arg0: i32) -> (i32, i32) {
    %c0_i32 = arith.constant 0 : i32
    %c0_i32_0 = arith.constant 0 : i32
    %c0_i32_1 = arith.constant 0 : i32
    return %c0_i32, %c0_i32_0 : i32, i32
  }
  func.func @transform_4(%arg0: i32) -> (i32, i32) {
    %c0_i32 = arith.constant 0 : i32
    %c0_i32_0 = arith.constant 0 : i32
    %c0_i32_1 = arith.constant 0 : i32
    return %c0_i32, %c0_i32_0 : i32, i32
  }
  func.func @transform_5(%arg0: i32) -> (i32, i32) {
    %c0_i32 = arith.constant 0 : i32
    %c0_i32_0 = arith.constant 0 : i32
    %c0_i32_1 = arith.constant 0 : i32
    return %c0_i32, %c0_i32_0 : i32, i32
  }
  func.func @transform_6(%arg0: i32) -> (i32, i32) {
    %c0_i32 = arith.constant 0 : i32
    %c0_i32_0 = arith.constant 0 : i32
    %c0_i32_1 = arith.constant 0 : i32
    return %c0_i32, %c0_i32_0 : i32, i32
  }
  func.func @transform_7(%arg0: i32) -> (i32, i32) {
    %c0_i32 = arith.constant 0 : i32
    %c0_i32_0 = arith.constant 0 : i32
    %c0_i32_1 = arith.constant 0 : i32
    return %c0_i32, %c0_i32_0 : i32, i32
  }
  func.func @transform_8(%arg0: i32) -> (i32, i32) {
    %c0_i32 = arith.constant 0 : i32
    %c0_i32_0 = arith.constant 0 : i32
    %c0_i32_1 = arith.constant 0 : i32
    return %c0_i32, %c0_i32_0 : i32, i32
  }
  func.func @transform_9(%arg0: i32) -> (i32, i32) {
    %c0_i32 = arith.constant 0 : i32
    %c0_i32_0 = arith.constant 0 : i32
    %c0_i32_1 = arith.constant 0 : i32
    return %c0_i32, %c0_i32_0 : i32, i32
  }
  func.func @transform_10(%arg0: i32) -> (i32, i32) {
    %c0_i32 = arith.constant 0 : i32
    %c0_i32_0 = arith.constant 0 : i32
    %c0_i32_1 = arith.constant 0 : i32
    return %c0_i32, %c0_i32_0 : i32, i32
  }
  func.func @transform_11(%arg0: i32) -> (i32, i32) {
    %c0_i32 = arith.constant 0 : i32
    %c0_i32_0 = arith.constant 0 : i32
    %c0_i32_1 = arith.constant 0 : i32
    return %c0_i32, %c0_i32_0 : i32, i32
  }
}

</mosaic_0001>

<sc_bundles>
// kernel: kernel.6.cloned.1.call-start
scs
__scs_entry_jumppad:
0x0: {  	(pc) =	sbr.rel $0x88, $3  }
0x1: {  	(tag) =	ssettag $0x0;
	lr =	simm.s32 $0x1  }
0x2: {  	[smem:$0x3F94] =	sst lr;
	_ =	strace $0xD0000000  }
0x3: {  	_ = 	snop  }
0x4: {  	_ = 	snop  }
0x5: {  	_ = 	snop  }
0x6: {  	_ = 	snop  }
0x7: {  	_ = 	snop  }
__scs_overlays_trampoline_lowered:
0x8: {  	[smem:$0x3FA3] =	sst s0  }
0x9: {  	[smem:$0x3FA4] =	sst s1  }
0xa: {  	[smem:$0x3FA5] =	sst s2  }
0xb: {  	[smem:$0x3FA6] =	sst s3  }
0xc: {  	[smem:$0x3FA7] =	sst s4  }
0xd: {  	[smem:$0x3FA8] =	sst s5  }
0xe: {  	[smem:$0x3FA9] =	sst s6  }
0xf: {  	[smem:$0x3FAA] =	sst s7  }
0x10: {  	[smem:$0x3FAB] =	sst s8  }
0x11: {  	[smem:$0x3FAC] =	sst s9;
	s0 =	simm.s32 @!p0 $0x0  }
0x12: {  	s1 =	sld [smem:$0x3F92];
	s0 =	simm.s32 @p0 $0x1  }
0x13: {  	[smem:$0x3FAD] =	sst s0;
	s0 =	simm.s32 @!p1 $0x0  }
0x14: {  	s2 =	sld [smem:$0x3F91];
	s0 =	simm.s32 @p1 $0x1  }
0x15: {  	[smem:$0x3FAE] =	sst s0;
	s0 =	simm.s32 @!p2 $0x0  }
0x16: {  	s3 =	sld [smem:$0x3FDB];
	s0 =	simm.s32 @p2 $0x1  }
0x17: {  	s4 =	simm.s32 $0x1BF5;
	[smem:$0x3FB0] =	sst s0  }
0x18: {  	s0 =	sld [smem:$0x3F93];
	_ =	swait.ge [sflag:s4], $0x0  }
0x19: {  	s7 =	sld [smem:$0x3F94]  }
0x1a: {  	s8 =	sadd.s32 $0xFFFFE003, lr  }
0x1b: {  	s9 =	sadd.s32 $0xFFFFFEF7, lr;
	s5 =	simm.s32 $0xFFFFFFFF;
	p2 =	slt.u32 s8, $0xFFFFF086  }
0x1c: {  	p1 =	slt.u32 s9, $0xF7A;
	s5 =	simm.s32 @!p2 $0x0  }
0x1d: {  	s5 =	simm.s32 @p1 $0x1;
	p0 =	seq.s32 s7, s2  }
0x1e: {  	s7 =	smul.u32 @!p0 $0xF7A, s2;
	p2 =	seq.s32 @!p0 s5, $0x0  }
0x1f: {  	s9 =	smul.u32 $0xF7A, s1;
	s8 =	simm.s32 @!p0 $0x1BF5;
	p2 =	por !p2, p0  }
0x20: {  	[sflag:s8] =	ssyncset.s32 @!p0 $0xFFFFF086;
	s6 =	sadd.s32 @!p0 s3, s7;
	s7 =	simm.s32 @!p0 $0x108  }
0x21: {  	s3 =	sadd.s32 s3, s9;
	s6 =	sadd.s32 @!p0 $0x88, s6;
	s7 =	simm.s32 @p2 $0x1082  }
0x22: {  	[simem:s7], [sflag:s8] =	dma.local @!p0 [hbm:s6], $0xF7A  }
0x23: {  	s9 =	sor.u32 $0xD0000000, s2;
	s6 =	simm.s32 $0x108;
	_ =	swait.ge @!p0 [sflag:s8], $0x0  }
0x24: {  	s3 =	sadd.s32 $0x88, s3;
	s6 =	simm.s32 @!p1 $0x1082;
	[sflag:s4] =	ssyncset.s32 $0xFFFFF086  }
0x25: {  	[simem:s6], [sflag:s4] =	dma.local [hbm:s3], $0xF7A  }
0x26: {  	[smem:$0x3F94] =	sst s1;
	(tag) =	ssettag s2;
	_ =	strace s9  }
0x27: {  	s1 =	sld [smem:$0x3FA4]  }
0x28: {  	s2 =	sld [smem:$0x3FA5]  }
0x29: {  	s4 =	sld [smem:$0x3FA7]  }
0x2a: {  	p0 =	seq.s32 s5, $0x0;
	s5 =	sld [smem:$0x3FA8]  }
0x2b: {  	s6 =	sld [smem:$0x3FA9]  }
0x2c: {  	s7 =	sld [smem:$0x3FAA]  }
0x2d: {  	s3 =	simm.s32 $0x108;
	s8 =	sld [smem:$0x3FAB]  }
0x2e: {  	s3 =	simm.s32 @!p0 $0x1082;
	s9 =	sld [smem:$0x3FAC]  }
0x2f: {  	lr =	sadd.s32 s0, s3;
	s0 =	sld [smem:$0x3FA3]  }
0x30: {  	s3 =	sld [smem:$0x3FA6]  }
0x31: {  	[smem:$0x3FAF] =	sst s10  }
0x32: {  	s10 =	sld [smem:$0x3FAD];
	_ =	sdelay $0x3  }
0x33: {  	p0 =	seq.s32 s10, $0x1;
	s10 =	sld [smem:$0x3FAF];
	_ =	sdelay $0x3  }
0x34: {  	[smem:$0x3FAF] =	sst s10  }
0x35: {  	s10 =	sld [smem:$0x3FAE];
	_ =	sdelay $0x3  }
0x36: {  	p1 =	seq.s32 s10, $0x1;
	s10 =	sld [smem:$0x3FAF];
	_ =	sdelay $0x3  }
0x37: {  	[smem:$0x3FAF] =	sst s10  }
0x38: {  	s10 =	sld [smem:$0x3FB0]  }
0x39: {  	_ = 	snop;
	(pc) =	sbr.ind lr, $3  }
0x3a: {  	_ = 	snop  }
0x3b: {  	_ = 	snop  }
0x3c: {  	p2 =	seq.s32 s10, $0x1;
	s10 =	sld [smem:$0x3FAF]  }
0x3d: {  	_ =	shalt  }
0x3e: {  	_ =	shalt  }
0x3f: {  	_ =	shalt  }
0x40: {  	_ =	shalt  }
0x41: {  	_ =	shalt  }
0x42: {  	_ =	shalt  }
0x43: {  	_ =	shalt  }
0x44: {  	_ =	shalt  }
0x45: {  	_ =	shalt  }
0x46: {  	_ =	shalt  }
0x47: {  	_ =	shalt  }
0x48: {  	_ =	shalt  }
0x49: {  	_ =	shalt  }
0x4a: {  	_ =	shalt  }
0x4b: {  	_ =	shalt  }
0x4c: {  	_ =	shalt  }
0x4d: {  	_ =	shalt  }
0x4e: {  	_ =	shalt  }
0x4f: {  	_ =	shalt  }
0x50: {  	_ =	shalt  }
0x51: {  	_ =	shalt  }
0x52: {  	_ =	shalt  }
0x53: {  	_ =	shalt  }
0x54: {  	_ =	shalt  }
0x55: {  	_ =	shalt  }
0x56: {  	_ =	shalt  }
0x57: {  	_ =	shalt  }
0x58: {  	_ =	shalt  }
0x59: {  	_ =	shalt  }
0x5a: {  	_ =	shalt  }
0x5b: {  	_ =	shalt  }
0x5c: {  	_ =	shalt  }
0x5d: {  	_ =	shalt  }
0x5e: {  	_ =	shalt  }
0x5f: {  	_ =	shalt  }
0x60: {  	_ =	shalt  }
0x61: {  	_ =	shalt  }
0x62: {  	_ =	shalt  }
0x63: {  	_ =	shalt  }
0x64: {  	_ =	shalt  }
0x65: {  	_ =	shalt  }
0x66: {  	_ =	shalt  }
0x67: {  	_ =	shalt  }
0x68: {  	_ =	shalt  }
0x69: {  	_ =	shalt  }
0x6a: {  	_ =	shalt  }
0x6b: {  	_ =	shalt  }
0x6c: {  	_ =	shalt  }
0x6d: {  	_ =	shalt  }
0x6e: {  	_ =	shalt  }
0x6f: {  	_ =	shalt  }
0x70: {  	_ =	shalt  }
0x71: {  	_ =	shalt  }
0x72: {  	_ =	shalt  }
0x73: {  	_ =	shalt  }
0x74: {  	_ =	shalt  }
0x75: {  	_ =	shalt  }
0x76: {  	_ =	shalt  }
0x77: {  	_ =	shalt  }
0x78: {  	_ =	shalt  }
0x79: {  	_ =	shalt  }
0x7a: {  	_ =	shalt  }
0x7b: {  	_ =	shalt  }
0x7c: {  	_ =	shalt  }
0x7d: {  	_ =	shalt  }
0x7e: {  	_ =	shalt  }
0x7f: {  	_ =	shalt  }
0x80: {  	_ =	shalt  }
0x81: {  	_ =	shalt  }
0x82: {  	_ =	shalt  }
0x83: {  	_ =	shalt  }
0x84: {  	_ =	shalt  }
0x85: {  	_ =	shalt  }
0x86: {  	_ =	shalt  }
0x87: {  	_ =	shalt  }
.Lfunc_end0:
.L_simem_size_0:
called_computation_lowered:
.L_overlay_start_0:
0x88: {  	s2 =	sld [smem:$0x3FD9]  }
0x89: {  	s3 =	sld [smem:$0x3FFE];
	_ =	sdelay $0x1  }
0x8a: {  	s1 =	srdreg.scid  }
0x8b: {  	s0 =	sand.u32 $0x1, s1  }
0x8c: {  	s16 =	sshll.u32 s0, $0xA;
	s2 =	sadd.s32 s3, s2  }
0x8d: {  	s2 =	sadd.s32 s2, s16  }
0x8e: {  	[smem:$0x3FBB] =	sst s2  }
0x8f: {  	_ = 	snop  }
0x90: {  	(tm) =	ssettm $0x1  }
0x91: {  	s17 =	sld [smem:$0x3FFB];
	_ =	sdelay $0x3  }
0x92: {  	_ =	strace s17  }
0x93: {  	s2 =	sld [smem:$0x3FFC];
	_ =	sdelay $0x3  }
0x94: {  	_ =	strace s2  }
0x95: {  	s2 =	sld [smem:$0x3FFD];
	_ =	sdelay $0x3  }
0x96: {  	_ =	strace s2  }
0x97: {  	_ =	strace $0x8FFFFFFF  }
0x98: {  	s18 =	sld [smem:$0x3FDB];
	_ =	sdelay $0x1  }
0x99: {  	s19 =	simm.s32 $_scs_section_size  }
0x9a: {  	s4 =	simm.s32 $_size__tile_overlayer_lowered;
	s5 =	simm.s32 $_tile_overlayer_lowered  }
0x9b: {  	s22 =	simm.s32 $0x1BFF;
	s21 =	sshll.u32 s5, $0x1;
	s2 =	sadd.s32 s19, s18  }
0x9c: {  	s6 =	simm.s32 $0x0;
	s20 =	sshll.u32 s4, $0x1;
	s4 =	sadd.s32 s21, s2  }
0x9d: {  	[timem:s6], [sflag:s22] =	dma.local [hbm:s4], s20  }
0x9e: {  	_ =	swait.ge [sflag:s22], s20  }
0x9f: {  	s3 =	ssub.s32 $0x0, s20;
	[sflag:s22] =	ssyncset.done $0x0  }
0xa0: {  	[sflag:s22] =	ssyncadd.s32 s3;
	_ =	sdelay $0x1  }
0xa1: {  	s23 =	simm.s32 $0x1B8B  }
0xa2: {  	_ =	swait.ge [sflag:s23], $0x1  }
0xa3: {  	[sflag:s23] =	ssyncset.done $0x0  }
0xa4: {  	s25 =	simm.s32 $0x1B8E;
	s24 =	sld [smem:$0x3FFE];
	[sflag:s23] =	ssyncadd.s32 $0xFFFFFFFF  }
0xa5: {  	s26 =	simm.s32 $execute0_lowered;
	[smem:$0x3FD2] =	sst s25  }
0xa6: {  	s4 =	sshll.u32 s26, $0x1;
	_ =	strace $0x80000046;
	[dreg:$0x1] =	wrdreg $0xFFFFFFFF  }
0xa7: {  	s28 =	simm.s32 $_size_execute0_lowered;
	s2 =	sadd.s32 s2, s4;
	[dreg:$0x0] =	wrdreg $0x0  }
0xa8: {  	s4 =	sshll.u32 s28, $0x1;
	[dreg:$0x2] =	wrdreg s2  }
0xa9: {  	[dreg:$0x3] =	wrdreg s4  }
0xaa: {  	[dreg:$0x4] =	wrdreg $0xC0  }
0xab: {  	_ =	task [dreg:s6], $0x5FFFF  }
0xac: {  	[dreg:$0x1] =	wrdreg $0xFFFFFFFF  }
0xad: {  	[dreg:$0x0] =	wrdreg $0x60  }
0xae: {  	[dreg:$0x2] =	wrdreg s24  }
0xaf: {  	[dreg:$0x3] =	wrdreg $0xA2000  }
0xb0: {  	[dreg:$0x4] =	wrdreg $0x9  }
0xb1: {  	_ =	task.clear_ibuf [dreg:s6], $0x5FFFF;
	_ =	strace $0x90000046  }
0xb2: {  	s29 =	simm.s32 $0x9;
	_ =	strace $0x80000048  }
0xb3: {  	_ =	swait.ge [sflag:s29], $0x1  }
0xb4: {  	[sflag:s29] =	ssyncadd.s32 $0xFFFFFFFF  }
0xb5: {  	_ =	strace $0x90000048  }
0xb6: {  	_ =	sfence  }
0xb7: {  	s30 =	sld [smem:$0x0];
	_ =	sdelay $0x2  }
0xb8: {  	s31 =	sshll.u32 s1, $0xD;
	s1 =	sshrl.u32 s1, $0x2  }
0xb9: {  	s3 =	sand.u32 $0x4000, s31;
	s1 =	sadd.s32 s1, s30  }
0xba: {  	s0 =	sor.u32 s3, s0;
	s1 =	sshll.u32 s1, $0x11  }
0xbb: {  	s0 =	sor.u32 s1, s0  }
0xbc: {  	s0 =	sadd.s32 $0x8F2B, s0  }
0xbd: {  	[sflag:s0] =	ssyncadd.remote.s32 $0x1  }
0xbe: {  	_ =	sfence.sel $0xFFFF  }
0xbf: {  	[dreg:$0x0] =	wrdreg $0xFFFFFFFF;
	(pc) =	sbr.abs _section_cstart, $3  }
0xc0: {  	[dreg:$0x1] =	wrdreg $0xFFFFFFFF  }
0xc1: {  	_ =	task.clear_ibuf [dreg:s6], $0x2FFFF;
	_ =	strace $0x9FFFFFFF  }
0xc2: {  	(tm) =	ssettm $0x7FFFFFFF  }
0xc3: {  	_ =	shalt  }
tec
execute0_lowered:
.L_overlay_start_1:
0x0: {  	(tag) =	ssettag $0x1  }
0x1: {  	s0 =	rddreg [dreg:$0x0]  }
0x2: {  	s1 =	rddreg [dreg:$0x1]  }
0x3: {  	s3 =	simm.s32 $0x0;
	s15 =	stileid.u32;
	s2 =	srdreg.scid  }
0x4: {  	[smem:$0x7FF] =	sst s3;
	s4 =	sadd.s32 $0x6C00, s0;
	s5 =	sadd.s32 $0x1C00, s0  }
0x5: {  	s8 =	smul.u32 $0x4E000, s15;
	s6 =	sadd.s32 $0x10A00, s0;
	s7 =	sadd.s32 $0x5EC00, s0  }
0x6: {  	s2 =	sand.u32 $0x1, s2;
	s11 =	smul.u32 $0x50, s15;
	s0 =	sadd.s32 $0x540C00, s0  }
0x7: {  	s30 =	smul.u32 $0x27000, s15;
	p0 =	sne.s32 s15, $0xF;
	s31 =	sor.u32 $0x30, s15  }
0x8: {  	_ =	strace $0x80000047;
	s10 =	ssub.s32 $0x2, s2;
	s9 =	smul.u32 $0x27100, s2  }
0x9: {  	s16 =	sshll.u32 s2, $0xA;
	s2 =	sshll.u32 s2, $0x7;
	s8 =	sshrl.u32 s8, $0x2  }
0xa: {  	s12 =	sshrl.u32 s10, $0x1;
	s13 =	sadd.s32 $0x500, s11;
	s25 =	sshrl.u32 s11, $0x3  }
0xb: {  	s29 =	sadd.s32 s8, s1;
	s8 =	ssub.s32 s10, s12;
	s22 =	sadd.s32 s11, s9  }
0xc: {  	s14 =	sadd.s32 s9, s13;
	s13 =	sshrl.u32 s13, $0x3;
	s11 =	sadd.s32 $0xA00, s11  }
0xd: {  	s19 =	sadd.s32 $0x2800, s29;
	s20 =	sadd.s32 $0x5000, s29;
	[dreg:$0x3] =	wrdreg s29  }
0xe: {  	s21 =	sadd.s32 $0x7800, s29;
	s23 =	sadd.s32 $0xA000, s29;
	[dreg:$0x4] =	wrdreg s19  }
0xf: {  	s24 =	sshrl.u32 s22, $0x3;
	s10 =	sshll.u32 s22, $0x4;
	[dreg:$0x5] =	wrdreg s20  }
0x10: {  	s26 =	sshrl.u32 s14, $0x3;
	s14 =	sshll.u32 s14, $0x4;
	[dreg:$0x6] =	wrdreg s21  }
0x11: {  	s18 =	sadd.s32 s9, s11;
	[dreg:$0x7] =	wrdreg s23;
	s12 =	sadd.s32 s4, s24  }
0x12: {  	s10 =	sadd.s32 s7, s10;
	s28 =	sadd.s32 s4, s26;
	s17 =	sadd.s32 s7, s14  }
0x13: {  	s19 =	sshrl.u32 s18, $0x3;
	s20 =	sshrl.u32 s11, $0x3;
	[dreg:$0x8] =	wrdreg s12  }
0x14: {  	s21 =	sshll.u32 s18, $0x4;
	s24 =	smax.u32 s8, $0x1;
	[dreg:$0xa] =	wrdreg s10  }
0x15: {  	s26 =	sadd.s32 $0xF000, s29;
	s11 =	simm.s32 $0x100;
	[dreg:$0xb] =	wrdreg s28  }
0x16: {  	s14 =	simm.s32 $0x5200;
	s18 =	simm.s32 $0x0;
	[dreg:$0xd] =	wrdreg s17  }
0x17: {  	s12 =	sadd.s32 s5, s25;
	s10 =	sor.u32 s16, s30;
	[dreg:$0x13] =	wrdreg s24  }
0x18: {  	s22 =	sadd.s32 s5, s20;
	s23 =	sadd.s32 s7, s21;
	[dreg:$0x15] =	wrdreg s26  }
0x19: {  	s25 =	sadd.s32 $0xC800, s29;
	s28 =	sadd.s32 $0x11800, s29;
	[dreg:$0x9] =	wrdreg s12  }
0x1a: {  	s30 =	sadd.s32 $0x138000, s1;
	s16 =	simm.s32 $0x180;
	[dreg:$0x10] =	wrdreg s22  }
0x1b: {  	s17 =	simm.s32 $0x8;
	s20 =	simm.s32 $0x1;
	[dreg:$0x11] =	wrdreg s23  }
0x1c: {  	s21 =	simm.s32 $0x3;
	s24 =	simm.s32 $0x5;
	[dreg:$0x14] =	wrdreg s25  }
0x1d: {  	s12 =	sadd.s32 s5, s13;
	s10 =	sshrl.u32 s10, $0x3;
	[dreg:$0x16] =	wrdreg s28  }
0x1e: {  	[dreg:$0x17] =	wrdreg s30;
	s13 =	simm.s32 $0x50;
	s22 =	simm.s32 $0x2  }
0x1f: {  	s23 =	simm.s32 $0x4;
	s25 =	simm.s32 $0x6;
	[dreg:$0xc] =	wrdreg s12  }
0x20: {  	s10 =	sadd.s32 s0, s10;
	s0 =	sadd.s32 s2, s0;
	s2 =	sadd.s32 s4, s19  }
0x21: {  	s12 =	simm.s32 $0x7;
	s19 =	simm.s32 $0x7A00;
	[dreg:$0xe] =	wrdreg s10  }
0x22: {  	[dreg:$0xf] =	wrdreg s2;
	s0 =	sadd.s32 $0x4E000, s0;
	s2 =	simm.s32 $0x200  }
0x23: {  	v0 =	vimm.f32 $0.0e+00;
	[dreg:$0x12] =	wrdreg s0;
	s0 =	sor.u32 $0x40, s15;
	s15 =	simm.s32 $0x80  }
.LBB2_1:
0x24: {  	s8 =	simm.s32 $0x0;
	s10 =	simm.s32 $0x200  }
.LBB2_2:
0x25: {  	p1 =	sne.s32 s10, $0x9E00;
	[tilespmem:s8+$0x270] =	vst v0  }
0x26: {  	[tilespmem:s8+$0x200] =	vst v0  }
0x27: {  	[tilespmem:s8+$0x210] =	vst v0  }
.Ltmp0:
0x28: {  	[tilespmem:s8+$0x220] =	vst v0;
	(pc) =	sbr.rel @p1 .LBB2_2-.Ltmp0, $4  }
0x29: {  	[tilespmem:s8+$0x230] =	vst v0  }
0x2a: {  	[tilespmem:s8+$0x240] =	vst v0  }
0x2b: {  	[tilespmem:s8+$0x250] =	vst v0  }
0x2c: {  	[tilespmem:s8+$0x260] =	vst v0;
	s8 =	sshra.s32 s10, $0x2;
	s10 =	sadd.s32 $0x200, s10  }
0x2d: {  	[tilespmem:s8+$0x270] =	vst v0  }
0x2e: {  	[tilespmem:s8+$0x200] =	vst v0  }
0x2f: {  	[tilespmem:s8+$0x210] =	vst v0  }
0x30: {  	[tilespmem:s8+$0x220] =	vst v0  }
0x31: {  	[tilespmem:s8+$0x230] =	vst v0  }
0x32: {  	[tilespmem:s8+$0x240] =	vst v0  }
0x33: {  	[tilespmem:s8+$0x250] =	vst v0  }
0x34: {  	[tilespmem:s8+$0x260] =	vst v0;
	s10 =	simm.s32 $0x9  }
0x35: {  	[spmem:s29] =	stream.linear.scatter [tilespmem:s2], [sflag:$0x9], $0x2800, $0x38;
	[tilespmem:$0x1DA80] =	vst v63  }
0x36: {  	_ =	swait.ge [sflag:s10], $0x2800  }
0x37: {  	[sflag:s10] =	ssyncset.done $0x0  }
0x38: {  	s26 =	rddreg [dreg:$0x4];
	[sflag:s10] =	ssyncadd.s32 $0xFFFFD800  }
0x39: {  	[spmem:s26] =	stream.linear.scatter [tilespmem:s2], [sflag:$0x9], $0x2800, $0x38;
	[tilespmem:$0x1DA80] =	vst v63  }
0x3a: {  	_ =	swait.ge [sflag:s10], $0x2800  }
0x3b: {  	[sflag:s10] =	ssyncset.done $0x0  }
0x3c: {  	s30 =	rddreg [dreg:$0x5];
	[sflag:s10] =	ssyncadd.s32 $0xFFFFD800  }
0x3d: {  	[spmem:s30] =	stream.linear.scatter [tilespmem:s2], [sflag:$0x9], $0x2800, $0x38;
	[tilespmem:$0x1DA80] =	vst v63  }
0x3e: {  	_ =	swait.ge [sflag:s10], $0x2800  }
0x3f: {  	[sflag:s10] =	ssyncset.done $0x0  }
0x40: {  	s26 =	rddreg [dreg:$0x6];
	[sflag:s10] =	ssyncadd.s32 $0xFFFFD800  }
0x41: {  	[spmem:s26] =	stream.linear.scatter [tilespmem:s2], [sflag:$0x9], $0x2800, $0x38;
	[tilespmem:$0x1DA80] =	vst v63  }
0x42: {  	_ =	swait.ge [sflag:s10], $0x2800  }
0x43: {  	[sflag:s10] =	ssyncset.done $0x0  }
0x44: {  	s30 =	rddreg [dreg:$0x7];
	[sflag:s10] =	ssyncadd.s32 $0xFFFFD800  }
0x45: {  	[spmem:s30] =	stream.linear.scatter [tilespmem:s2], [sflag:$0x9], $0x2800, $0x38;
	[tilespmem:$0x1DA80] =	vst v63  }
0x46: {  	_ =	swait.ge [sflag:s10], $0x2800  }
0x47: {  	[sflag:s10] =	ssyncset.done $0x0  }
0x48: {  	s26 =	rddreg [dreg:$0x14];
	[sflag:s10] =	ssyncadd.s32 $0xFFFFD800  }
0x49: {  	[spmem:s26] =	stream.linear.scatter [tilespmem:s2], [sflag:$0x9], $0x2800, $0x38;
	[tilespmem:$0x1DA80] =	vst v63  }
0x4a: {  	_ =	swait.ge [sflag:s10], $0x2800  }
0x4b: {  	[sflag:s10] =	ssyncset.done $0x0  }
0x4c: {  	s30 =	rddreg [dreg:$0x15];
	[sflag:s10] =	ssyncadd.s32 $0xFFFFD800  }
0x4d: {  	[spmem:s30] =	stream.linear.scatter [tilespmem:s2], [sflag:$0x9], $0x2800, $0x38;
	[tilespmem:$0x1DA80] =	vst v63  }
0x4e: {  	_ =	swait.ge [sflag:s10], $0x2800  }
0x4f: {  	[sflag:s10] =	ssyncset.done $0x0  }
0x50: {  	s26 =	rddreg [dreg:$0x16];
	[sflag:s10] =	ssyncadd.s32 $0xFFFFD800  }
0x51: {  	[spmem:s26] =	stream.linear.scatter [tilespmem:s2], [sflag:$0x9], $0x2000, $0x38;
	[tilespmem:$0x1DA80] =	vst v63  }
0x52: {  	_ =	swait.ge [sflag:s10], $0x2000  }
0x53: {  	[sflag:s10] =	ssyncset.done $0x0  }
0x54: {  	s8 =	simm.s32 @!p0 $0x200;
	[sflag:s10] =	ssyncadd.s32 $0xFFFFE000;
	s10 =	rddreg [dreg:$0x17]  }
0x55: {  	[spmem:s10] =	stream.linear.scatter @!p0 [tilespmem:s8], [sflag:$0x9], $0x800, $0x38;
	[tilespmem:$0x1DA80] =	vst v63  }
0x56: {  	s8 =	simm.s32 @!p0 $0x9  }
0x57: {  	_ =	swait.ge @!p0 [sflag:s8], $0x800  }
0x58: {  	[sflag:s8] =	ssyncset.done @!p0 $0x0  }
0x59: {  	[sflag:s8] =	ssyncadd.s32 @!p0 $0xFFFFF800  }
0x5a: {  	[bflag:$0x0] =	sbarrier.arrive $0xFFFF  }
0x5b: {  	s30 =	rddreg [dreg:$0x8]  }
0x5c: {  	[tilespmem:s3], [sflag:$0x7] =	stream.linear.gather [hbm4b:s30+s3], $0x50, $0x38;
	[tilespmem:$0x1DA80] =	vst v63  }
0x5d: {  	s10 =	rddreg [dreg:$0x9]  }
0x5e: {  	[tilespmem:s11], [sflag:$0x7] =	stream.linear.gather [hbm4b:s10+s3], $0x50, $0x38;
	[tilespmem:$0x1DA80] =	vst v63  }
0x5f: {  	_ =	swait.ge [sflag:s12], $0x50  }
0x60: {  	[sflag:s12] =	ssyncset.done $0x0  }
0x61: {  	[sflag:s12] =	ssyncadd.s32 $0xFFFFFFB0  }
0x62: {  	_ =	swait.ge [sflag:s12], $0x50  }
0x63: {  	[sflag:s12] =	ssyncset.done $0x0  }
0x64: {  	[sflag:s12] =	ssyncadd.s32 $0xFFFFFFB0  }
0x65: {  	[tilespmem:s2], [sflag:$0x1] =	stream.indirect.gather [hbm4b:s6+s13], $0x80, s3, s13, $0xb8;
	[tilespmem:$0x1DA80] =	vst v63  }
0x66: {  	s26 =	rddreg [dreg:$0xa]  }
0x67: {  	[tilespmem:s14], [sflag:$0x3] =	stream.linear.gather [hbm4b:s26+s3], $0x2800, $0x38;
	[tilespmem:$0x1DA80] =	vst v63  }
0x68: {  	s30 =	rddreg [dreg:$0xb]  }
0x69: {  	[tilespmem:s15], [sflag:$0x8] =	stream.linear.gather [hbm4b:s30+s3], $0x50, $0x38;
	[tilespmem:$0x1DA80] =	vst v63  }
0x6a: {  	s10 =	rddreg [dreg:$0xc]  }
0x6b: {  	[tilespmem:s16], [sflag:$0x8] =	stream.linear.gather [hbm4b:s10+s3], $0x50, $0x38;
	[tilespmem:$0x1DA80] =	vst v63  }
0x6c: {  	_ =	swait.ge [sflag:s17], $0x50  }
0x6d: {  	[sflag:s17] =	ssyncset.done $0x0  }
0x6e: {  	[sflag:s17] =	ssyncadd.s32 $0xFFFFFFB0  }
0x6f: {  	_ =	swait.ge [sflag:s17], $0x50  }
0x70: {  	[sflag:s17] =	ssyncset.done $0x0  }
0x71: {  	s26 =	simm.s32 $0x2A00;
	[sflag:s17] =	ssyncadd.s32 $0xFFFFFFB0  }
0x72: {  	[tilespmem:s26], [sflag:$0x2] =	stream.indirect.gather [hbm4b:s6+s13], $0x80, s15, s13, $0xb8;
	[tilespmem:$0x1DA80] =	vst v63  }
0x73: {  	s30 =	rddreg [dreg:$0xd]  }
0x74: {  	[tilespmem:s19], [sflag:$0x4] =	stream.linear.gather [hbm4b:s30+s3], $0x2800, $0x38;
	[tilespmem:$0x1DA80] =	vst v63  }
0x75: {  	_ =	swait.ge [sflag:s20], $0x2800  }
0x76: {  	[sflag:s20] =	ssyncset.done $0x0  }
0x77: {  	[sflag:s20] =	ssyncadd.s32 $0xFFFFD800  }
0x78: {  	_ =	swait.ge [sflag:s21], $0x2800  }
0x79: {  	[sflag:s21] =	ssyncset.done $0x0  }
0x7a: {  	s28 =	simm.s32 $0x300;
	[sflag:s21] =	ssyncadd.s32 $0xFFFFD800  }
0x7b: {  	s29 =	simm.s32 $0x5300;
	v1 =	vld [tilespmem:s28+$0x80]  }
0x7c: {  	v2 =	vld [tilespmem:s29+$0x80]  }
0x7d: {  	v3 =	vld [tilespmem:s29+$0xFFFFFF00]  }
0x7e: {  	v4 =	vld [tilespmem:s28+$0xFFFFFF80]  }
0x7f: {  	v5 =	vld [tilespmem:s29+$0xFFFFFF80]  }
0x80: {  	v6 =	vld [tilespmem:s29+$0x0]  }
0x81: {  	v1 =	vadd.f32 v2, v1;
	v2 =	vld [tilespmem:s28+$0x0]  }
0x82: {  	v7 =	vld [tilespmem:s28+$0xFFFFFF00]  }
0x83: {  	v1 =	vmax.f32 v1, $0.0e+00  }
0x84: {  	v4 =	vadd.f32 v5, v4;
	[tilespmem:s29+$0x80] =	vst v1;
	v1 =	vld [tilespmem:s29+$0x90]  }
0x85: {  	v8 =	vld [tilespmem:s28+$0x90]  }
0x86: {  	v9 =	vld [tilespmem:s29+$0xFFFFFF90];
	v4 =	vmax.f32 v4, $0.0e+00;
	v2 =	vadd.f32 v6, v2  }
0x87: {  	v5 =	vld [tilespmem:s29+$0xFFFFFF10];
	v3 =	vadd.f32 v3, v7;
	[tilespmem:s29+$0xFFFFFF80] =	vst v4  }
0x88: {  	v6 =	vld [tilespmem:s28+$0xFFFFFF90];
	v2 =	vmax.f32 v2, $0.0e+00  }
0x89: {  	v3 =	vmax.f32 v3, $0.0e+00;
	v4 =	vld [tilespmem:s29+$0x10];
	[tilespmem:s29+$0x0] =	vst v2  }
0x8a: {  	[tilespmem:s29+$0xFFFFFF00] =	vst v3;
	v1 =	vadd.f32 v1, v8;
	v2 =	vld [tilespmem:s28+$0x10]  }
0x8b: {  	v3 =	vld [tilespmem:s28+$0xFFFFFF10]  }
0x8c: {  	v1 =	vmax.f32 v1, $0.0e+00  }
0x8d: {  	v6 =	vadd.f32 v9, v6;
	[tilespmem:s29+$0x90] =	vst v1;
	v1 =	vld [tilespmem:s29+$0xA0]  }
0x8e: {  	v8 =	vld [tilespmem:s28+$0xA0]  }
0x8f: {  	v7 =	vld [tilespmem:s29+$0xFFFFFF20];
	v6 =	vmax.f32 v6, $0.0e+00;
	v2 =	vadd.f32 v4, v2  }
0x90: {  	v3 =	vadd.f32 v5, v3;
	v9 =	vld [tilespmem:s29+$0xFFFFFFA0];
	[tilespmem:s29+$0xFFFFFF90] =	vst v6  }
0x91: {  	v5 =	vld [tilespmem:s28+$0xFFFFFFA0];
	v2 =	vmax.f32 v2, $0.0e+00  }
0x92: {  	v3 =	vmax.f32 v3, $0.0e+00;
	v4 =	vld [tilespmem:s29+$0x20];
	[tilespmem:s29+$0x10] =	vst v2  }
0x93: {  	[tilespmem:s29+$0xFFFFFF10] =	vst v3;
	v1 =	vadd.f32 v1, v8;
	v2 =	vld [tilespmem:s28+$0x20]  }
0x94: {  	v3 =	vld [tilespmem:s28+$0xFFFFFF20]  }
0x95: {  	v1 =	vmax.f32 v1, $0.0e+00  }
0x96: {  	v5 =	vadd.f32 v9, v5;
	[tilespmem:s29+$0xA0] =	vst v1;
	v1 =	vld [tilespmem:s29+$0xB0]  }
0x97: {  	v8 =	vld [tilespmem:s28+$0xB0]  }
0x98: {  	v10 =	vld [tilespmem:s29+$0x30];
	v5 =	vmax.f32 v5, $0.0e+00;
	v2 =	vadd.f32 v4, v2  }
0x99: {  	v3 =	vadd.f32 v7, v3;
	v9 =	vld [tilespmem:s29+$0xFFFFFFB0];
	[tilespmem:s29+$0xFFFFFFA0] =	vst v5  }
0x9a: {  	v4 =	vld [tilespmem:s28+$0xFFFFFFB0];
	v2 =	vmax.f32 v2, $0.0e+00  }
0x9b: {  	v6 =	vld [tilespmem:s29+$0xFFFFFF30];
	[tilespmem:s29+$0x20] =	vst v2;
	v2 =	vmax.f32 v3, $0.0e+00  }
0x9c: {  	v1 =	vadd.f32 v1, v8;
	[tilespmem:s29+$0xFFFFFF20] =	vst v2;
	v2 =	vld [tilespmem:s28+$0x30]  }
0x9d: {  	v7 =	vld [tilespmem:s28+$0xFFFFFF30]  }
0x9e: {  	v11 =	vld [tilespmem:s29+$0xFFFFFF40];
	v1 =	vmax.f32 v1, $0.0e+00  }
0x9f: {  	v4 =	vadd.f32 v9, v4;
	[tilespmem:s29+$0xB0] =	vst v1;
	v1 =	vld [tilespmem:s29+$0xC0]  }
0xa0: {  	v8 =	vld [tilespmem:s28+$0xC0]  }
0xa1: {  	v12 =	vld [tilespmem:s29+$0xFFFFFFD0];
	v4 =	vmax.f32 v4, $0.0e+00;
	v2 =	vadd.f32 v10, v2  }
0xa2: {  	v5 =	vld [tilespmem:s29+$0xFFFFFFC0];
	[tilespmem:s29+$0xFFFFFFB0] =	vst v4;
	v6 =	vadd.f32 v6, v7  }
0xa3: {  	v7 =	vld [tilespmem:s28+$0xFFFFFFC0];
	v2 =	vmax.f32 v2, $0.0e+00  }
0xa4: {  	v3 =	vld [tilespmem:s29+$0x40];
	[tilespmem:s29+$0x30] =	vst v2;
	v2 =	vmax.f32 v6, $0.0e+00  }
0xa5: {  	v1 =	vadd.f32 v1, v8;
	v6 =	vld [tilespmem:s28+$0x40];
	[tilespmem:s29+$0xFFFFFF30] =	vst v2  }
0xa6: {  	v2 =	vld [tilespmem:s28+$0xFFFFFF40]  }
0xa7: {  	v9 =	vld [tilespmem:s29+$0xFFFFFF50];
	v1 =	vmax.f32 v1, $0.0e+00  }
0xa8: {  	[tilespmem:s29+$0xC0] =	vst v1;
	v1 =	vadd.f32 v5, v7;
	v7 =	vld [tilespmem:s29+$0xD0]  }
0xa9: {  	v8 =	vld [tilespmem:s28+$0xD0]  }
0xaa: {  	v4 =	vld [tilespmem:s29+$0xFFFFFF60];
	v1 =	vmax.f32 v1, $0.0e+00;
	v3 =	vadd.f32 v3, v6  }
0xab: {  	v10 =	vld [tilespmem:s29+$0x50];
	[tilespmem:s29+$0xFFFFFFC0] =	vst v1;
	v1 =	vadd.f32 v11, v2  }
0xac: {  	v2 =	vld [tilespmem:s28+$0xFFFFFFD0];
	v3 =	vmax.f32 v3, $0.0e+00  }
0xad: {  	v5 =	vld [tilespmem:s29+$0xFFFFFFE0];
	[tilespmem:s29+$0x40] =	vst v3;
	v1 =	vmax.f32 v1, $0.0e+00  }
0xae: {  	v3 =	vld [tilespmem:s28+$0x50];
	v7 =	vadd.f32 v7, v8;
	[tilespmem:s29+$0xFFFFFF40] =	vst v1  }
0xaf: {  	v1 =	vld [tilespmem:s28+$0xFFFFFF50]  }
0xb0: {  	v6 =	vld [tilespmem:s29+$0x60];
	v7 =	vmax.f32 v7, $0.0e+00  }
0xb1: {  	v2 =	vadd.f32 v12, v2;
	[tilespmem:s29+$0xD0] =	vst v7;
	v7 =	vld [tilespmem:s29+$0xE0]  }
0xb2: {  	v11 =	vld [tilespmem:s28+$0xE0]  }
0xb3: {  	v2 =	vmax.f32 v2, $0.0e+00;
	v8 =	vadd.f32 v10, v3;
	v3 =	vld [tilespmem:s29+$0xFFFFFF70]  }
0xb4: {  	[tilespmem:s29+$0xFFFFFFD0] =	vst v2;
	v1 =	vadd.f32 v9, v1;
	v2 =	vld [tilespmem:s29+$0xFFFFFFF0]  }
0xb5: {  	v9 =	vmax.f32 v8, $0.0e+00;
	v8 =	vld [tilespmem:s28+$0xFFFFFFE0]  }
0xb6: {  	[tilespmem:s29+$0x50] =	vst v9;
	v9 =	vmax.f32 v1, $0.0e+00;
	v1 =	vld [tilespmem:s29+$0x70]  }
0xb7: {  	[tilespmem:s29+$0xFFFFFF50] =	vst v9;
	v9 =	vld [tilespmem:s28+$0x60];
	v7 =	vadd.f32 v7, v11  }
0xb8: {  	v10 =	vld [tilespmem:s28+$0xFFFFFF60]  }
0xb9: {  	s8 =	simm.s32 $0x5300;
	s10 =	simm.s32 $0x500;
	s26 =	simm.s32 $0x0;
	v11 =	vmax.f32 v7, $0.0e+00;
	v7 =	vld [tilespmem:s29+$0xF0]  }
.LBB2_4:
0xba: {  	v12 =	vld [tilespmem:s10+$0x80];
	v5 =	vadd.f32 v5, v8;
	[tilespmem:s29+$0xE0] =	vst v11  }
0xbb: {  	s29 =	sadd.s32 $0x200, s29;
	v8 =	vld [tilespmem:s28+$0xF0]  }
0xbc: {  	s26 =	sadd.s32 $0x4, s26;
	v11 =	vld [tilespmem:s29+$0x80];
	v5 =	vmax.f32 v5, $0.0e+00;
	v6 =	vadd.f32 v6, v9  }
0xbd: {  	p1 =	slt.u32 s26, $0x4C;
	v9 =	vld [tilespmem:s29+$0xFFFFFF00];
	v4 =	vadd.f32 v4, v10;
	[tilespmem:s8+$0xFFFFFFE0] =	vst v5  }
0xbe: {  	v5 =	vld [tilespmem:s10+$0xFFFFFF80];
	v6 =	vmax.f32 v6, $0.0e+00  }
0xbf: {  	v10 =	vld [tilespmem:s29+$0xFFFFFF80];
	v4 =	vmax.f32 v4, $0.0e+00;
	[tilespmem:s8+$0x60] =	vst v6  }
0xc0: {  	v6 =	vld [tilespmem:s10+$0x0];
	[tilespmem:s8+$0xFFFFFF60] =	vst v4;
	v4 =	vadd.f32 v7, v8  }
0xc1: {  	v7 =	vld [tilespmem:s29+$0x0];
	v8 =	vadd.f32 v11, v12  }
0xc2: {  	v11 =	vld [tilespmem:s10+$0xFFFFFF00];
	v4 =	vmax.f32 v4, $0.0e+00  }
0xc3: {  	v12 =	vld [tilespmem:s29+$0xFFFFFF10];
	v8 =	vmax.f32 v8, $0.0e+00;
	[tilespmem:s8+$0xF0] =	vst v4  }
0xc4: {  	v4 =	vadd.f32 v10, v5;
	[tilespmem:s29+$0x80] =	vst v8;
	v5 =	vld [tilespmem:s29+$0x90]  }
0xc5: {  	v8 =	vld [tilespmem:s10+$0x90]  }
0xc6: {  	v4 =	vmax.f32 v4, $0.0e+00;
	v10 =	vld [tilespmem:s29+$0xFFFFFF90];
	v6 =	vadd.f32 v7, v6  }
0xc7: {  	v7 =	vadd.f32 v9, v11;
	[tilespmem:s29+$0xFFFFFF80] =	vst v4;
	v4 =	vld [tilespmem:s29+$0x10]  }
0xc8: {  	v9 =	vld [tilespmem:s10+$0xFFFFFF90];
	v6 =	vmax.f32 v6, $0.0e+00  }
0xc9: {  	v7 =	vmax.f32 v7, $0.0e+00;
	v11 =	vld [tilespmem:s29+$0xFFFFFF20];
	[tilespmem:s29+$0x0] =	vst v6  }
0xca: {  	[tilespmem:s29+$0xFFFFFF00] =	vst v7;
	v6 =	vld [tilespmem:s10+$0x10];
	v5 =	vadd.f32 v5, v8  }
0xcb: {  	v7 =	vld [tilespmem:s10+$0xFFFFFF10]  }
0xcc: {  	v8 =	vld [tilespmem:s29+$0xFFFFFFA0];
	v5 =	vmax.f32 v5, $0.0e+00  }
0xcd: {  	v9 =	vadd.f32 v10, v9;
	[tilespmem:s29+$0x90] =	vst v5;
	v5 =	vld [tilespmem:s29+$0xA0]  }
0xce: {  	v10 =	vld [tilespmem:s10+$0xA0]  }
0xcf: {  	v9 =	vmax.f32 v9, $0.0e+00;
	v4 =	vadd.f32 v4, v6;
	v6 =	vld [tilespmem:s29+$0x20]  }
0xd0: {  	v7 =	vadd.f32 v12, v7;
	v12 =	vld [tilespmem:s29+$0xFFFFFF30];
	[tilespmem:s29+$0xFFFFFF90] =	vst v9  }
0xd1: {  	v9 =	vld [tilespmem:s10+$0xFFFFFFA0];
	v4 =	vmax.f32 v4, $0.0e+00  }
0xd2: {  	v7 =	vmax.f32 v7, $0.0e+00;
	v13 =	vld [tilespmem:s29+$0xFFFFFFB0];
	[tilespmem:s29+$0x10] =	vst v4  }
0xd3: {  	[tilespmem:s29+$0xFFFFFF10] =	vst v7;
	v4 =	vld [tilespmem:s10+$0x20];
	v5 =	vadd.f32 v5, v10  }
0xd4: {  	v7 =	vld [tilespmem:s10+$0xFFFFFF20]  }
0xd5: {  	v10 =	vld [tilespmem:s29+$0x30];
	v5 =	vmax.f32 v5, $0.0e+00  }
0xd6: {  	v8 =	vadd.f32 v8, v9;
	[tilespmem:s29+$0xA0] =	vst v5;
	v5 =	vld [tilespmem:s29+$0xB0]  }
0xd7: {  	v9 =	vld [tilespmem:s10+$0xB0]  }
0xd8: {  	v14 =	vld [tilespmem:s29+$0xFFFFFF40];
	v8 =	vmax.f32 v8, $0.0e+00;
	v4 =	vadd.f32 v6, v4  }
0xd9: {  	v6 =	vadd.f32 v11, v7;
	[tilespmem:s29+$0xFFFFFFA0] =	vst v8;
	v7 =	vld [tilespmem:s29+$0xFFFFFFC0]  }
0xda: {  	v8 =	vld [tilespmem:s10+$0xFFFFFFB0];
	v4 =	vmax.f32 v4, $0.0e+00  }
0xdb: {  	v6 =	vmax.f32 v6, $0.0e+00;
	[tilespmem:s29+$0x20] =	vst v4;
	v11 =	vld [tilespmem:s29+$0x40]  }
0xdc: {  	[tilespmem:s29+$0xFFFFFF20] =	vst v6;
	v4 =	vld [tilespmem:s10+$0x30];
	v5 =	vadd.f32 v5, v9  }
0xdd: {  	v6 =	vld [tilespmem:s10+$0xFFFFFF30]  }
0xde: {  	v9 =	vld [tilespmem:s29+$0xFFFFFF50];
	v5 =	vmax.f32 v5, $0.0e+00  }
0xdf: {  	v8 =	vadd.f32 v13, v8;
	[tilespmem:s29+$0xB0] =	vst v5;
	v5 =	vld [tilespmem:s29+$0xC0]  }
0xe0: {  	v13 =	vld [tilespmem:s10+$0xC0]  }
0xe1: {  	v8 =	vmax.f32 v8, $0.0e+00;
	v15 =	vld [tilespmem:s29+$0xFFFFFFD0];
	v4 =	vadd.f32 v10, v4  }
0xe2: {  	v6 =	vadd.f32 v12, v6;
	[tilespmem:s29+$0xFFFFFFB0] =	vst v8;
	v8 =	vld [tilespmem:s29+$0x50]  }
0xe3: {  	v10 =	vld [tilespmem:s10+$0xFFFFFFC0];
	v12 =	vmax.f32 v4, $0.0e+00  }
0xe4: {  	v6 =	vmax.f32 v6, $0.0e+00;
	v4 =	vld [tilespmem:s29+$0xFFFFFF60];
	[tilespmem:s29+$0x30] =	vst v12  }
0xe5: {  	[tilespmem:s29+$0xFFFFFF30] =	vst v6;
	v6 =	vld [tilespmem:s10+$0x40];
	v12 =	vadd.f32 v5, v13  }
0xe6: {  	v13 =	vld [tilespmem:s10+$0xFFFFFF40]  }
0xe7: {  	v5 =	vld [tilespmem:s29+$0xFFFFFFE0];
	v12 =	vmax.f32 v12, $0.0e+00  }
0xe8: {  	v7 =	vadd.f32 v7, v10;
	[tilespmem:s29+$0xC0] =	vst v12;
	v10 =	vld [tilespmem:s29+$0xD0]  }
0xe9: {  	v12 =	vld [tilespmem:s10+$0xD0]  }
0xea: {  	v7 =	vmax.f32 v7, $0.0e+00;
	v11 =	vadd.f32 v11, v6;
	v6 =	vld [tilespmem:s29+$0x60]  }
0xeb: {  	v13 =	vadd.f32 v14, v13;
	[tilespmem:s29+$0xFFFFFFC0] =	vst v7;
	v7 =	vld [tilespmem:s28+$0xFFFFFF70]  }
0xec: {  	v14 =	vld [tilespmem:s10+$0xFFFFFFD0];
	v11 =	vmax.f32 v11, $0.0e+00  }
0xed: {  	v13 =	vmax.f32 v13, $0.0e+00;
	[tilespmem:s29+$0x40] =	vst v11;
	v11 =	vld [tilespmem:s28+$0xFFFFFFF0]  }
0xee: {  	[tilespmem:s29+$0xFFFFFF40] =	vst v13;
	v13 =	vld [tilespmem:s10+$0x50];
	v10 =	vadd.f32 v10, v12  }
0xef: {  	v12 =	vld [tilespmem:s10+$0xFFFFFF50]  }
0xf0: {  	v10 =	vmax.f32 v10, $0.0e+00;
	v3 =	vadd.f32 v3, v7;
	v7 =	vld [tilespmem:s28+$0x70];
	s28 =	smov.u32 s10  }
0xf1: {  	v14 =	vadd.f32 v15, v14;
	[tilespmem:s29+$0xD0] =	vst v10;
	v10 =	vld [tilespmem:s29+$0xE0]  }
0xf2: {  	v15 =	vld [tilespmem:s10+$0xE0];
	v16 =	vmax.f32 v3, $0.0e+00;
	v11 =	vadd.f32 v2, v11  }
0xf3: {  	v3 =	vld [tilespmem:s29+$0xFFFFFF70];
	v2 =	vmax.f32 v14, $0.0e+00;
	v13 =	vadd.f32 v8, v13;
	[tilespmem:s8+$0xFFFFFF70] =	vst v16  }
0xf4: {  	v9 =	vadd.f32 v9, v12;
	[tilespmem:s29+$0xFFFFFFD0] =	vst v2;
	v2 =	vld [tilespmem:s29+$0xFFFFFFF0];
	v11 =	vmax.f32 v11, $0.0e+00  }
.Ltmp1:
0xf5: {  	v8 =	vld [tilespmem:s10+$0xFFFFFFE0];
	v12 =	vmax.f32 v13, $0.0e+00;
	[tilespmem:s8+$0xFFFFFFF0] =	vst v11;
	v7 =	vadd.f32 v1, v7;
	(pc) =	sbr.rel @p1 .LBB2_4-.Ltmp1, $4  }
0xf6: {  	v9 =	vmax.f32 v9, $0.0e+00;
	[tilespmem:s29+$0x50] =	vst v12;
	v1 =	vld [tilespmem:s29+$0x70]  }
0xf7: {  	[tilespmem:s29+$0xFFFFFF50] =	vst v9;
	v9 =	vld [tilespmem:s10+$0x60];
	v11 =	vadd.f32 v10, v15;
	v7 =	vmax.f32 v7, $0.0e+00  }
0xf8: {  	v10 =	vld [tilespmem:s10+$0xFFFFFF60];
	[tilespmem:s8+$0x70] =	vst v7;
	s8 =	smov.u32 s29  }
0xf9: {  	s10 =	sadd.s32 $0x200, s10;
	v11 =	vmax.f32 v11, $0.0e+00;
	v7 =	vld [tilespmem:s29+$0xF0]  }
0xfa: {  	_ =	sdelay $0x2  }
0xfb: {  	v4 =	vadd.f32 v4, v10  }
0xfc: {  	v5 =	vadd.f32 v5, v8  }
0xfd: {  	[tilespmem:s29+$0xE0] =	vst v11;
	v6 =	vadd.f32 v6, v9;
	v4 =	vmax.f32 v4, $0.0e+00  }
0xfe: {  	v8 =	vld [tilespmem:s28+$0xF0];
	v5 =	vmax.f32 v5, $0.0e+00;
	[tilespmem:s8+$0xFFFFFF60] =	vst v4  }
0xff: {  	[tilespmem:s8+$0xFFFFFFE0] =	vst v5;
	v4 =	vmax.f32 v6, $0.0e+00;
	v5 =	vld [tilespmem:s28+$0xFFFFFF70]  }
0x100: {  	[tilespmem:s8+$0x60] =	vst v4;
	v4 =	vld [tilespmem:s28+$0xFFFFFFF0]  }
0x101: {  	v6 =	vld [tilespmem:s28+$0x70];
	_ =	sdelay $0x1  }
0x102: {  	v7 =	vadd.f32 v7, v8  }
0x103: {  	v3 =	vadd.f32 v3, v5  }
0x104: {  	v5 =	vmax.f32 v7, $0.0e+00;
	v2 =	vadd.f32 v2, v4  }
0x105: {  	[tilespmem:s8+$0xF0] =	vst v5;
	v1 =	vadd.f32 v1, v6;
	v3 =	vmax.f32 v3, $0.0e+00  }
0x106: {  	v2 =	vmax.f32 v2, $0.0e+00;
	[tilespmem:s8+$0xFFFFFF70] =	vst v3  }
0x107: {  	[tilespmem:s8+$0xFFFFFFF0] =	vst v2;
	v1 =	vmax.f32 v1, $0.0e+00  }
0x108: {  	[tilespmem:s8+$0x70] =	vst v1  }
0x109: {  	[spmem:s1] =	stream.indirect.scatter.add.f32 [tilespmem:s14], [sflag:$0x5], $0x80, s11, s13, $0xb8;
	[tilespmem:$0x1DA80] =	vst v63  }
0x10a: {  	_ =	swait.ge [sflag:s22], $0x2800  }
0x10b: {  	[sflag:s22] =	ssyncset.done $0x0  }
0x10c: {  	[sflag:s22] =	ssyncadd.s32 $0xFFFFD800  }
0x10d: {  	_ =	swait.ge [sflag:s23], $0x2800  }
0x10e: {  	[sflag:s23] =	ssyncset.done $0x0  }
0x10f: {  	[sflag:s23] =	ssyncadd.s32 $0xFFFFD800  }
0x110: {  	_ =	swait.ge [sflag:s24], $0x2800  }
0x111: {  	[sflag:s24] =	ssyncset.done $0x0  }
0x112: {  	s10 =	rddreg [dreg:$0xf];
	[sflag:s24] =	ssyncadd.s32 $0xFFFFD800  }
0x113: {  	[tilespmem:s3], [sflag:$0x7] =	stream.linear.gather [hbm4b:s10+s3], $0x50, $0x38;
	[tilespmem:$0x1DA80] =	vst v63  }
0x114: {  	s26 =	rddreg [dreg:$0x10]  }
0x115: {  	[tilespmem:s11], [sflag:$0x7] =	stream.linear.gather [hbm4b:s26+s3], $0x50, $0x38;
	[tilespmem:$0x1DA80] =	vst v63  }
0x116: {  	_ =	swait.ge [sflag:s12], $0x50  }
0x117: {  	[sflag:s12] =	ssyncset.done $0x0  }
0x118: {  	[sflag:s12] =	ssyncadd.s32 $0xFFFFFFB0  }
0x119: {  	_ =	swait.ge [sflag:s12], $0x50  }
0x11a: {  	[sflag:s12] =	ssyncset.done $0x0  }
0x11b: {  	[sflag:s12] =	ssyncadd.s32 $0xFFFFFFB0  }
0x11c: {  	[tilespmem:s2], [sflag:$0x1] =	stream.indirect.gather [hbm4b:s6+s13], $0x80, s3, s13, $0xb8;
	[tilespmem:$0x1DA80] =	vst v63  }
0x11d: {  	s28 =	simm.s32 $0x2B00;
	s30 =	rddreg [dreg:$0x11]  }
0x11e: {  	[tilespmem:s14], [sflag:$0x3] =	stream.linear.gather [hbm4b:s30+s3], $0x2800, $0x38;
	[tilespmem:$0x1DA80] =	vst v63  }
0x11f: {  	s29 =	simm.s32 $0x7B00;
	v1 =	vld [tilespmem:s28+$0x80]  }
0x120: {  	v2 =	vld [tilespmem:s29+$0x80]  }
0x121: {  	v3 =	vld [tilespmem:s29+$0xFFFFFF00]  }
0x122: {  	v4 =	vld [tilespmem:s28+$0xFFFFFF80]  }
0x123: {  	v5 =	vld [tilespmem:s29+$0xFFFFFF80]  }
0x124: {  	v6 =	vld [tilespmem:s29+$0x0]  }
0x125: {  	v1 =	vadd.f32 v2, v1;
	v2 =	vld [tilespmem:s28+$0x0]  }
0x126: {  	v7 =	vld [tilespmem:s28+$0xFFFFFF00]  }
0x127: {  	v1 =	vmax.f32 v1, $0.0e+00  }
0x128: {  	v4 =	vadd.f32 v5, v4;
	[tilespmem:s29+$0x80] =	vst v1;
	v1 =	vld [tilespmem:s29+$0x90]  }
0x129: {  	v8 =	vld [tilespmem:s28+$0x90]  }
0x12a: {  	v9 =	vld [tilespmem:s29+$0xFFFFFF90];
	v4 =	vmax.f32 v4, $0.0e+00;
	v2 =	vadd.f32 v6, v2  }
0x12b: {  	v5 =	vld [tilespmem:s29+$0xFFFFFF10];
	v3 =	vadd.f32 v3, v7;
	[tilespmem:s29+$0xFFFFFF80] =	vst v4  }
0x12c: {  	v6 =	vld [tilespmem:s28+$0xFFFFFF90];
	v2 =	vmax.f32 v2, $0.0e+00  }
0x12d: {  	v3 =	vmax.f32 v3, $0.0e+00;
	v4 =	vld [tilespmem:s29+$0x10];
	[tilespmem:s29+$0x0] =	vst v2  }
0x12e: {  	[tilespmem:s29+$0xFFFFFF00] =	vst v3;
	v1 =	vadd.f32 v1, v8;
	v2 =	vld [tilespmem:s28+$0x10]  }
0x12f: {  	v3 =	vld [tilespmem:s28+$0xFFFFFF10]  }
0x130: {  	v1 =	vmax.f32 v1, $0.0e+00  }
0x131: {  	v6 =	vadd.f32 v9, v6;
	[tilespmem:s29+$0x90] =	vst v1;
	v1 =	vld [tilespmem:s29+$0xA0]  }
0x132: {  	v8 =	vld [tilespmem:s28+$0xA0]  }
0x133: {  	v7 =	vld [tilespmem:s29+$0xFFFFFF20];
	v6 =	vmax.f32 v6, $0.0e+00;
	v2 =	vadd.f32 v4, v2  }
0x134: {  	v3 =	vadd.f32 v5, v3;
	v9 =	vld [tilespmem:s29+$0xFFFFFFA0];
	[tilespmem:s29+$0xFFFFFF90] =	vst v6  }
0x135: {  	v5 =	vld [tilespmem:s28+$0xFFFFFFA0];
	v2 =	vmax.f32 v2, $0.0e+00  }
0x136: {  	v3 =	vmax.f32 v3, $0.0e+00;
	v4 =	vld [tilespmem:s29+$0x20];
	[tilespmem:s29+$0x10] =	vst v2  }
0x137: {  	[tilespmem:s29+$0xFFFFFF10] =	vst v3;
	v1 =	vadd.f32 v1, v8;
	v2 =	vld [tilespmem:s28+$0x20]  }
0x138: {  	v3 =	vld [tilespmem:s28+$0xFFFFFF20]  }
0x139: {  	v1 =	vmax.f32 v1, $0.0e+00  }
0x13a: {  	v5 =	vadd.f32 v9, v5;
	[tilespmem:s29+$0xA0] =	vst v1;
	v1 =	vld [tilespmem:s29+$0xB0]  }
0x13b: {  	v8 =	vld [tilespmem:s28+$0xB0]  }
0x13c: {  	v10 =	vld [tilespmem:s29+$0x30];
	v5 =	vmax.f32 v5, $0.0e+00;
	v2 =	vadd.f32 v4, v2  }
0x13d: {  	v3 =	vadd.f32 v7, v3;
	v9 =	vld [tilespmem:s29+$0xFFFFFFB0];
	[tilespmem:s29+$0xFFFFFFA0] =	vst v5  }
0x13e: {  	v4 =	vld [tilespmem:s28+$0xFFFFFFB0];
	v2 =	vmax.f32 v2, $0.0e+00  }
0x13f: {  	v6 =	vld [tilespmem:s29+$0xFFFFFF30];
	[tilespmem:s29+$0x20] =	vst v2;
	v2 =	vmax.f32 v3, $0.0e+00  }
0x140: {  	v1 =	vadd.f32 v1, v8;
	[tilespmem:s29+$0xFFFFFF20] =	vst v2;
	v2 =	vld [tilespmem:s28+$0x30]  }
0x141: {  	v7 =	vld [tilespmem:s28+$0xFFFFFF30]  }
0x142: {  	v11 =	vld [tilespmem:s29+$0xFFFFFF40];
	v1 =	vmax.f32 v1, $0.0e+00  }
0x143: {  	v4 =	vadd.f32 v9, v4;
	[tilespmem:s29+$0xB0] =	vst v1;
	v1 =	vld [tilespmem:s29+$0xC0]  }
0x144: {  	v8 =	vld [tilespmem:s28+$0xC0]  }
0x145: {  	v12 =	vld [tilespmem:s29+$0xFFFFFFD0];
	v4 =	vmax.f32 v4, $0.0e+00;
	v2 =	vadd.f32 v10, v2  }
0x146: {  	v5 =	vld [tilespmem:s29+$0xFFFFFFC0];
	[tilespmem:s29+$0xFFFFFFB0] =	vst v4;
	v6 =	vadd.f32 v6, v7  }
0x147: {  	v7 =	vld [tilespmem:s28+$0xFFFFFFC0];
	v2 =	vmax.f32 v2, $0.0e+00  }
0x148: {  	v3 =	vld [tilespmem:s29+$0x40];
	[tilespmem:s29+$0x30] =	vst v2;
	v2 =	vmax.f32 v6, $0.0e+00  }
0x149: {  	v1 =	vadd.f32 v1, v8;
	v6 =	vld [tilespmem:s28+$0x40];
	[tilespmem:s29+$0xFFFFFF30] =	vst v2  }
0x14a: {  	v2 =	vld [tilespmem:s28+$0xFFFFFF40]  }
0x14b: {  	v9 =	vld [tilespmem:s29+$0xFFFFFF50];
	v1 =	vmax.f32 v1, $0.0e+00  }
0x14c: {  	[tilespmem:s29+$0xC0] =	vst v1;
	v1 =	vadd.f32 v5, v7;
	v7 =	vld [tilespmem:s29+$0xD0]  }
0x14d: {  	v8 =	vld [tilespmem:s28+$0xD0]  }
0x14e: {  	v4 =	vld [tilespmem:s29+$0xFFFFFF60];
	v1 =	vmax.f32 v1, $0.0e+00;
	v3 =	vadd.f32 v3, v6  }
0x14f: {  	v10 =	vld [tilespmem:s29+$0x50];
	[tilespmem:s29+$0xFFFFFFC0] =	vst v1;
	v1 =	vadd.f32 v11, v2  }
0x150: {  	v2 =	vld [tilespmem:s28+$0xFFFFFFD0];
	v3 =	vmax.f32 v3, $0.0e+00  }
0x151: {  	v5 =	vld [tilespmem:s29+$0xFFFFFFE0];
	[tilespmem:s29+$0x40] =	vst v3;
	v1 =	vmax.f32 v1, $0.0e+00  }
0x152: {  	v3 =	vld [tilespmem:s28+$0x50];
	v7 =	vadd.f32 v7, v8;
	[tilespmem:s29+$0xFFFFFF40] =	vst v1  }
0x153: {  	v1 =	vld [tilespmem:s28+$0xFFFFFF50]  }
0x154: {  	v6 =	vld [tilespmem:s29+$0x60];
	v7 =	vmax.f32 v7, $0.0e+00  }
0x155: {  	v2 =	vadd.f32 v12, v2;
	[tilespmem:s29+$0xD0] =	vst v7;
	v7 =	vld [tilespmem:s29+$0xE0]  }
0x156: {  	v11 =	vld [tilespmem:s28+$0xE0]  }
0x157: {  	v2 =	vmax.f32 v2, $0.0e+00;
	v8 =	vadd.f32 v10, v3;
	v3 =	vld [tilespmem:s29+$0xFFFFFF70]  }
0x158: {  	[tilespmem:s29+$0xFFFFFFD0] =	vst v2;
	v1 =	vadd.f32 v9, v1;
	v2 =	vld [tilespmem:s29+$0xFFFFFFF0]  }
0x159: {  	v9 =	vmax.f32 v8, $0.0e+00;
	v8 =	vld [tilespmem:s28+$0xFFFFFFE0]  }
0x15a: {  	[tilespmem:s29+$0x50] =	vst v9;
	v9 =	vmax.f32 v1, $0.0e+00;
	v1 =	vld [tilespmem:s29+$0x70]  }
0x15b: {  	[tilespmem:s29+$0xFFFFFF50] =	vst v9;
	v9 =	vld [tilespmem:s28+$0x60];
	v7 =	vadd.f32 v7, v11  }
0x15c: {  	v10 =	vld [tilespmem:s28+$0xFFFFFF60]  }
0x15d: {  	s8 =	simm.s32 $0x7B00;
	s10 =	simm.s32 $0x2D00;
	s26 =	simm.s32 $0x0;
	v11 =	vmax.f32 v7, $0.0e+00;
	v7 =	vld [tilespmem:s29+$0xF0]  }
.LBB2_6:
0x15e: {  	v12 =	vld [tilespmem:s10+$0x80];
	v5 =	vadd.f32 v5, v8;
	[tilespmem:s29+$0xE0] =	vst v11  }
0x15f: {  	s29 =	sadd.s32 $0x200, s29;
	v8 =	vld [tilespmem:s28+$0xF0]  }
0x160: {  	s26 =	sadd.s32 $0x4, s26;
	v11 =	vld [tilespmem:s29+$0x80];
	v5 =	vmax.f32 v5, $0.0e+00;
	v6 =	vadd.f32 v6, v9  }
0x161: {  	p1 =	slt.u32 s26, $0x4C;
	v9 =	vld [tilespmem:s29+$0xFFFFFF00];
	v4 =	vadd.f32 v4, v10;
	[tilespmem:s8+$0xFFFFFFE0] =	vst v5  }
0x162: {  	v5 =	vld [tilespmem:s10+$0xFFFFFF80];
	v6 =	vmax.f32 v6, $0.0e+00  }
0x163: {  	v10 =	vld [tilespmem:s29+$0xFFFFFF80];
	v4 =	vmax.f32 v4, $0.0e+00;
	[tilespmem:s8+$0x60] =	vst v6  }
0x164: {  	v6 =	vld [tilespmem:s10+$0x0];
	[tilespmem:s8+$0xFFFFFF60] =	vst v4;
	v4 =	vadd.f32 v7, v8  }
0x165: {  	v7 =	vld [tilespmem:s29+$0x0];
	v8 =	vadd.f32 v11, v12  }
0x166: {  	v11 =	vld [tilespmem:s10+$0xFFFFFF00];
	v4 =	vmax.f32 v4, $0.0e+00  }
0x167: {  	v12 =	vld [tilespmem:s29+$0xFFFFFF10];
	v8 =	vmax.f32 v8, $0.0e+00;
	[tilespmem:s8+$0xF0] =	vst v4  }
0x168: {  	v4 =	vadd.f32 v10, v5;
	[tilespmem:s29+$0x80] =	vst v8;
	v5 =	vld [tilespmem:s29+$0x90]  }
0x169: {  	v8 =	vld [tilespmem:s10+$0x90]  }
0x16a: {  	v4 =	vmax.f32 v4, $0.0e+00;
	v10 =	vld [tilespmem:s29+$0xFFFFFF90];
	v6 =	vadd.f32 v7, v6  }
0x16b: {  	v7 =	vadd.f32 v9, v11;
	[tilespmem:s29+$0xFFFFFF80] =	vst v4;
	v4 =	vld [tilespmem:s29+$0x10]  }
0x16c: {  	v9 =	vld [tilespmem:s10+$0xFFFFFF90];
	v6 =	vmax.f32 v6, $0.0e+00  }
0x16d: {  	v7 =	vmax.f32 v7, $0.0e+00;
	v11 =	vld [tilespmem:s29+$0xFFFFFF20];
	[tilespmem:s29+$0x0] =	vst v6  }
0x16e: {  	[tilespmem:s29+$0xFFFFFF00] =	vst v7;
	v6 =	vld [tilespmem:s10+$0x10];
	v5 =	vadd.f32 v5, v8  }
0x16f: {  	v7 =	vld [tilespmem:s10+$0xFFFFFF10]  }
0x170: {  	v8 =	vld [tilespmem:s29+$0xFFFFFFA0];
	v5 =	vmax.f32 v5, $0.0e+00  }
0x171: {  	v9 =	vadd.f32 v10, v9;
	[tilespmem:s29+$0x90] =	vst v5;
	v5 =	vld [tilespmem:s29+$0xA0]  }
0x172: {  	v10 =	vld [tilespmem:s10+$0xA0]  }
0x173: {  	v9 =	vmax.f32 v9, $0.0e+00;
	v4 =	vadd.f32 v4, v6;
	v6 =	vld [tilespmem:s29+$0x20]  }
0x174: {  	v7 =	vadd.f32 v12, v7;
	v12 =	vld [tilespmem:s29+$0xFFFFFF30];
	[tilespmem:s29+$0xFFFFFF90] =	vst v9  }
0x175: {  	v9 =	vld [tilespmem:s10+$0xFFFFFFA0];
	v4 =	vmax.f32 v4, $0.0e+00  }
0x176: {  	v7 =	vmax.f32 v7, $0.0e+00;
	v13 =	vld [tilespmem:s29+$0xFFFFFFB0];
	[tilespmem:s29+$0x10] =	vst v4  }
0x177: {  	[tilespmem:s29+$0xFFFFFF10] =	vst v7;
	v4 =	vld [tilespmem:s10+$0x20];
	v5 =	vadd.f32 v5, v10  }
0x178: {  	v7 =	vld [tilespmem:s10+$0xFFFFFF20]  }
0x179: {  	v10 =	vld [tilespmem:s29+$0x30];
	v5 =	vmax.f32 v5, $0.0e+00  }
0x17a: {  	v8 =	vadd.f32 v8, v9;
	[tilespmem:s29+$0xA0] =	vst v5;
	v5 =	vld [tilespmem:s29+$0xB0]  }
0x17b: {  	v9 =	vld [tilespmem:s10+$0xB0]  }
0x17c: {  	v14 =	vld [tilespmem:s29+$0xFFFFFF40];
	v8 =	vmax.f32 v8, $0.0e+00;
	v4 =	vadd.f32 v6, v4  }
0x17d: {  	v6 =	vadd.f32 v11, v7;
	[tilespmem:s29+$0xFFFFFFA0] =	vst v8;
	v7 =	vld [tilespmem:s29+$0xFFFFFFC0]  }
0x17e: {  	v8 =	vld [tilespmem:s10+$0xFFFFFFB0];
	v4 =	vmax.f32 v4, $0.0e+00  }
0x17f: {  	v6 =	vmax.f32 v6, $0.0e+00;
	[tilespmem:s29+$0x20] =	vst v4;
	v11 =	vld [tilespmem:s29+$0x40]  }
0x180: {  	[tilespmem:s29+$0xFFFFFF20] =	vst v6;
	v4 =	vld [tilespmem:s10+$0x30];
	v5 =	vadd.f32 v5, v9  }
0x181: {  	v6 =	vld [tilespmem:s10+$0xFFFFFF30]  }
0x182: {  	v9 =	vld [tilespmem:s29+$0xFFFFFF50];
	v5 =	vmax.f32 v5, $0.0e+00  }
0x183: {  	v8 =	vadd.f32 v13, v8;
	[tilespmem:s29+$0xB0] =	vst v5;
	v5 =	vld [tilespmem:s29+$0xC0]  }
0x184: {  	v13 =	vld [tilespmem:s10+$0xC0]  }
0x185: {  	v8 =	vmax.f32 v8, $0.0e+00;
	v15 =	vld [tilespmem:s29+$0xFFFFFFD0];
	v4 =	vadd.f32 v10, v4  }
0x186: {  	v6 =	vadd.f32 v12, v6;
	[tilespmem:s29+$0xFFFFFFB0] =	vst v8;
	v8 =	vld [tilespmem:s29+$0x50]  }
0x187: {  	v10 =	vld [tilespmem:s10+$0xFFFFFFC0];
	v12 =	vmax.f32 v4, $0.0e+00  }
0x188: {  	v6 =	vmax.f32 v6, $0.0e+00;
	v4 =	vld [tilespmem:s29+$0xFFFFFF60];
	[tilespmem:s29+$0x30] =	vst v12  }
0x189: {  	[tilespmem:s29+$0xFFFFFF30] =	vst v6;
	v6 =	vld [tilespmem:s10+$0x40];
	v12 =	vadd.f32 v5, v13  }
0x18a: {  	v13 =	vld [tilespmem:s10+$0xFFFFFF40]  }
0x18b: {  	v5 =	vld [tilespmem:s29+$0xFFFFFFE0];
	v12 =	vmax.f32 v12, $0.0e+00  }
0x18c: {  	v7 =	vadd.f32 v7, v10;
	[tilespmem:s29+$0xC0] =	vst v12;
	v10 =	vld [tilespmem:s29+$0xD0]  }
0x18d: {  	v12 =	vld [tilespmem:s10+$0xD0]  }
0x18e: {  	v7 =	vmax.f32 v7, $0.0e+00;
	v11 =	vadd.f32 v11, v6;
	v6 =	vld [tilespmem:s29+$0x60]  }
0x18f: {  	v13 =	vadd.f32 v14, v13;
	[tilespmem:s29+$0xFFFFFFC0] =	vst v7;
	v7 =	vld [tilespmem:s28+$0xFFFFFF70]  }
0x190: {  	v14 =	vld [tilespmem:s10+$0xFFFFFFD0];
	v11 =	vmax.f32 v11, $0.0e+00  }
0x191: {  	v13 =	vmax.f32 v13, $0.0e+00;
	[tilespmem:s29+$0x40] =	vst v11;
	v11 =	vld [tilespmem:s28+$0xFFFFFFF0]  }
0x192: {  	[tilespmem:s29+$0xFFFFFF40] =	vst v13;
	v13 =	vld [tilespmem:s10+$0x50];
	v10 =	vadd.f32 v10, v12  }
0x193: {  	v12 =	vld [tilespmem:s10+$0xFFFFFF50]  }
0x194: {  	v10 =	vmax.f32 v10, $0.0e+00;
	v3 =	vadd.f32 v3, v7;
	v7 =	vld [tilespmem:s28+$0x70];
	s28 =	smov.u32 s10  }
0x195: {  	v14 =	vadd.f32 v15, v14;
	[tilespmem:s29+$0xD0] =	vst v10;
	v10 =	vld [tilespmem:s29+$0xE0]  }
0x196: {  	v15 =	vld [tilespmem:s10+$0xE0];
	v16 =	vmax.f32 v3, $0.0e+00;
	v11 =	vadd.f32 v2, v11  }
0x197: {  	v3 =	vld [tilespmem:s29+$0xFFFFFF70];
	v2 =	vmax.f32 v14, $0.0e+00;
	v13 =	vadd.f32 v8, v13;
	[tilespmem:s8+$0xFFFFFF70] =	vst v16  }
0x198: {  	v9 =	vadd.f32 v9, v12;
	[tilespmem:s29+$0xFFFFFFD0] =	vst v2;
	v2 =	vld [tilespmem:s29+$0xFFFFFFF0];
	v11 =	vmax.f32 v11, $0.0e+00  }
.Ltmp2:
0x199: {  	v8 =	vld [tilespmem:s10+$0xFFFFFFE0];
	v12 =	vmax.f32 v13, $0.0e+00;
	[tilespmem:s8+$0xFFFFFFF0] =	vst v11;
	v7 =	vadd.f32 v1, v7;
	(pc) =	sbr.rel @p1 .LBB2_6-.Ltmp2, $4  }
0x19a: {  	v9 =	vmax.f32 v9, $0.0e+00;
	[tilespmem:s29+$0x50] =	vst v12;
	v1 =	vld [tilespmem:s29+$0x70]  }
0x19b: {  	[tilespmem:s29+$0xFFFFFF50] =	vst v9;
	v9 =	vld [tilespmem:s10+$0x60];
	v11 =	vadd.f32 v10, v15;
	v7 =	vmax.f32 v7, $0.0e+00  }
0x19c: {  	v10 =	vld [tilespmem:s10+$0xFFFFFF60];
	[tilespmem:s8+$0x70] =	vst v7;
	s8 =	smov.u32 s29  }
0x19d: {  	s10 =	sadd.s32 $0x200, s10;
	v11 =	vmax.f32 v11, $0.0e+00;
	v7 =	vld [tilespmem:s29+$0xF0]  }
0x19e: {  	_ = 	snop  }
0x19f: {  	v5 =	vadd.f32 v5, v8  }
0x1a0: {  	[dreg:$0x18] =	wrdreg s18;
	v6 =	vadd.f32 v6, v9  }
0x1a1: {  	[tilespmem:s29+$0xE0] =	vst v11;
	v5 =	vmax.f32 v5, $0.0e+00;
	v4 =	vadd.f32 v4, v10  }
0x1a2: {  	v58 =	vld [tilespmem:s28+$0xF0];
	[tilespmem:s8+$0xFFFFFFE0] =	vst v5;
	v59 =	vmax.f32 v6, $0.0e+00  }
0x1a3: {  	v61 =	vld [tilespmem:s28+$0xFFFFFFF0];
	v4 =	vmax.f32 v4, $0.0e+00;
	[tilespmem:s8+$0x60] =	vst v59  }
0x1a4: {  	[tilespmem:s8+$0xFFFFFF60] =	vst v4;
	v62 =	vld [tilespmem:s28+$0x70]  }
0x1a5: {  	v60 =	vld [tilespmem:s28+$0xFFFFFF70];
	_ =	sdelay $0x1  }
0x1a6: {  	v7 =	vadd.f32 v7, v58  }
0x1a7: {  	v2 =	vadd.f32 v2, v61  }
0x1a8: {  	v63 =	vmax.f32 v7, $0.0e+00;
	v1 =	vadd.f32 v1, v62  }
0x1a9: {  	[tilespmem:s8+$0xF0] =	vst v63;
	v2 =	vmax.f32 v2, $0.0e+00;
	v3 =	vadd.f32 v3, v60  }
0x1aa: {  	[tilespmem:s8+$0xFFFFFFF0] =	vst v2;
	v1 =	vmax.f32 v1, $0.0e+00  }
0x1ab: {  	v3 =	vmax.f32 v3, $0.0e+00;
	[tilespmem:s8+$0x70] =	vst v1  }
0x1ac: {  	s28 =	simm.s32 $0x0;
	[tilespmem:s8+$0xFFFFFF70] =	vst v3  }
0x1ad: {  	[spmem:s1] =	stream.indirect.scatter.add.f32 [tilespmem:s19], [sflag:$0x6], $0x80, s16, s13, $0xb8;
	[tilespmem:$0x1DA80] =	vst v63  }
.LBB2_8:
0x1ae: {  	_ =	swait.ge [sflag:s20], $0x2800  }
0x1af: {  	[sflag:s20] =	ssyncset.done $0x0  }
0x1b0: {  	s29 =	sshll.u32 s28, $0x5;
	[sflag:s20] =	ssyncadd.s32 $0xFFFFD800  }
0x1b1: {  	s8 =	sadd.s32 s31, s29;
	_ =	swait.ge [sflag:s21], $0x2800  }
0x1b2: {  	s8 =	smul.u32 $0x50, s8;
	[sflag:s21] =	ssyncset.done $0x0  }
0x1b3: {  	[sflag:s21] =	ssyncadd.s32 $0xFFFFD800  }
0x1b4: {  	s10 =	sadd.s32 s9, s8;
	_ =	swait.ge [sflag:s25], $0x2800  }
0x1b5: {  	s18 =	sshrl.u32 s10, $0x3;
	[sflag:s25] =	ssyncset.done $0x0  }
0x1b6: {  	s8 =	sshrl.u32 s8, $0x3;
	s18 =	sadd.s32 s4, s18;
	[sflag:s25] =	ssyncadd.s32 $0xFFFFD800  }
0x1b7: {  	[tilespmem:s15], [sflag:$0x8] =	stream.linear.gather [hbm4b:s18+s3], $0x50, $0x38;
	[tilespmem:$0x1DA80] =	vst v63  }
0x1b8: {  	s8 =	sadd.s32 s5, s8  }
0x1b9: {  	[tilespmem:s16], [sflag:$0x8] =	stream.linear.gather [hbm4b:s8+s3], $0x50, $0x38;
	[tilespmem:$0x1DA80] =	vst v63  }
0x1ba: {  	_ =	swait.ge [sflag:s17], $0x50  }
0x1bb: {  	[sflag:s17] =	ssyncset.done $0x0  }
0x1bc: {  	[sflag:s17] =	ssyncadd.s32 $0xFFFFFFB0  }
0x1bd: {  	_ =	swait.ge [sflag:s17], $0x50  }
0x1be: {  	[sflag:s17] =	ssyncset.done $0x0  }
0x1bf: {  	s26 =	sshll.u32 s10, $0x4;
	s18 =	simm.s32 $0x2A00;
	[sflag:s17] =	ssyncadd.s32 $0xFFFFFFB0  }
0x1c0: {  	[tilespmem:s18], [sflag:$0x2] =	stream.indirect.gather [hbm4b:s6+s13], $0x80, s15, s13, $0xb8;
	[tilespmem:$0x1DA80] =	vst v63  }
0x1c1: {  	s30 =	simm.s32 $0x300;
	s8 =	sadd.s32 s7, s26  }
0x1c2: {  	[tilespmem:s19], [sflag:$0x4] =	stream.linear.gather [hbm4b:s8+s3], $0x2800, $0x38;
	[tilespmem:$0x1DA80] =	vst v63  }
0x1c3: {  	s8 =	simm.s32 $0x5300;
	v1 =	vld [tilespmem:s30+$0x80]  }
0x1c4: {  	v2 =	vld [tilespmem:s8+$0x80]  }
0x1c5: {  	v3 =	vld [tilespmem:s8+$0xFFFFFF00]  }
0x1c6: {  	v4 =	vld [tilespmem:s30+$0xFFFFFF80]  }
0x1c7: {  	v5 =	vld [tilespmem:s8+$0xFFFFFF80]  }
0x1c8: {  	v6 =	vld [tilespmem:s8+$0x0]  }
0x1c9: {  	v1 =	vadd.f32 v2, v1;
	v2 =	vld [tilespmem:s30+$0x0]  }
0x1ca: {  	v7 =	vld [tilespmem:s30+$0xFFFFFF00]  }
0x1cb: {  	v1 =	vmax.f32 v1, $0.0e+00  }
0x1cc: {  	v4 =	vadd.f32 v5, v4;
	[tilespmem:s8+$0x80] =	vst v1;
	v1 =	vld [tilespmem:s8+$0x90]  }
0x1cd: {  	v8 =	vld [tilespmem:s30+$0x90]  }
0x1ce: {  	v9 =	vld [tilespmem:s8+$0xFFFFFF90];
	v4 =	vmax.f32 v4, $0.0e+00;
	v2 =	vadd.f32 v6, v2  }
0x1cf: {  	v5 =	vld [tilespmem:s8+$0xFFFFFF10];
	v3 =	vadd.f32 v3, v7;
	[tilespmem:s8+$0xFFFFFF80] =	vst v4  }
0x1d0: {  	v6 =	vld [tilespmem:s30+$0xFFFFFF90];
	v2 =	vmax.f32 v2, $0.0e+00  }
0x1d1: {  	v3 =	vmax.f32 v3, $0.0e+00;
	v4 =	vld [tilespmem:s8+$0x10];
	[tilespmem:s8+$0x0] =	vst v2  }
0x1d2: {  	[tilespmem:s8+$0xFFFFFF00] =	vst v3;
	v1 =	vadd.f32 v1, v8;
	v2 =	vld [tilespmem:s30+$0x10]  }
0x1d3: {  	v3 =	vld [tilespmem:s30+$0xFFFFFF10]  }
0x1d4: {  	v1 =	vmax.f32 v1, $0.0e+00  }
0x1d5: {  	v6 =	vadd.f32 v9, v6;
	[tilespmem:s8+$0x90] =	vst v1;
	v1 =	vld [tilespmem:s8+$0xA0]  }
0x1d6: {  	v8 =	vld [tilespmem:s30+$0xA0]  }
0x1d7: {  	v7 =	vld [tilespmem:s8+$0xFFFFFF20];
	v6 =	vmax.f32 v6, $0.0e+00;
	v2 =	vadd.f32 v4, v2  }
0x1d8: {  	v3 =	vadd.f32 v5, v3;
	v9 =	vld [tilespmem:s8+$0xFFFFFFA0];
	[tilespmem:s8+$0xFFFFFF90] =	vst v6  }
0x1d9: {  	v5 =	vld [tilespmem:s30+$0xFFFFFFA0];
	v2 =	vmax.f32 v2, $0.0e+00  }
0x1da: {  	v3 =	vmax.f32 v3, $0.0e+00;
	v4 =	vld [tilespmem:s8+$0x20];
	[tilespmem:s8+$0x10] =	vst v2  }
0x1db: {  	[tilespmem:s8+$0xFFFFFF10] =	vst v3;
	v1 =	vadd.f32 v1, v8;
	v2 =	vld [tilespmem:s30+$0x20]  }
0x1dc: {  	v3 =	vld [tilespmem:s30+$0xFFFFFF20]  }
0x1dd: {  	v1 =	vmax.f32 v1, $0.0e+00  }
0x1de: {  	v5 =	vadd.f32 v9, v5;
	[tilespmem:s8+$0xA0] =	vst v1;
	v1 =	vld [tilespmem:s8+$0xB0]  }
0x1df: {  	v8 =	vld [tilespmem:s30+$0xB0]  }
0x1e0: {  	v10 =	vld [tilespmem:s8+$0x30];
	v5 =	vmax.f32 v5, $0.0e+00;
	v2 =	vadd.f32 v4, v2  }
0x1e1: {  	v3 =	vadd.f32 v7, v3;
	v9 =	vld [tilespmem:s8+$0xFFFFFFB0];
	[tilespmem:s8+$0xFFFFFFA0] =	vst v5  }
0x1e2: {  	v4 =	vld [tilespmem:s30+$0xFFFFFFB0];
	v2 =	vmax.f32 v2, $0.0e+00  }
0x1e3: {  	v6 =	vld [tilespmem:s8+$0xFFFFFF30];
	[tilespmem:s8+$0x20] =	vst v2;
	v2 =	vmax.f32 v3, $0.0e+00  }
0x1e4: {  	v1 =	vadd.f32 v1, v8;
	[tilespmem:s8+$0xFFFFFF20] =	vst v2;
	v2 =	vld [tilespmem:s30+$0x30]  }
0x1e5: {  	v7 =	vld [tilespmem:s30+$0xFFFFFF30]  }
0x1e6: {  	v11 =	vld [tilespmem:s8+$0xFFFFFF40];
	v1 =	vmax.f32 v1, $0.0e+00  }
0x1e7: {  	v4 =	vadd.f32 v9, v4;
	[tilespmem:s8+$0xB0] =	vst v1;
	v1 =	vld [tilespmem:s8+$0xC0]  }
0x1e8: {  	v8 =	vld [tilespmem:s30+$0xC0]  }
0x1e9: {  	v12 =	vld [tilespmem:s8+$0xFFFFFFD0];
	v4 =	vmax.f32 v4, $0.0e+00;
	v2 =	vadd.f32 v10, v2  }
0x1ea: {  	v5 =	vld [tilespmem:s8+$0xFFFFFFC0];
	[tilespmem:s8+$0xFFFFFFB0] =	vst v4;
	v6 =	vadd.f32 v6, v7  }
0x1eb: {  	v7 =	vld [tilespmem:s30+$0xFFFFFFC0];
	v2 =	vmax.f32 v2, $0.0e+00  }
0x1ec: {  	v3 =	vld [tilespmem:s8+$0x40];
	[tilespmem:s8+$0x30] =	vst v2;
	v2 =	vmax.f32 v6, $0.0e+00  }
0x1ed: {  	v1 =	vadd.f32 v1, v8;
	v6 =	vld [tilespmem:s30+$0x40];
	[tilespmem:s8+$0xFFFFFF30] =	vst v2  }
0x1ee: {  	v2 =	vld [tilespmem:s30+$0xFFFFFF40]  }
0x1ef: {  	v9 =	vld [tilespmem:s8+$0xFFFFFF50];
	v1 =	vmax.f32 v1, $0.0e+00  }
0x1f0: {  	[tilespmem:s8+$0xC0] =	vst v1;
	v1 =	vadd.f32 v5, v7;
	v7 =	vld [tilespmem:s8+$0xD0]  }
0x1f1: {  	v8 =	vld [tilespmem:s30+$0xD0]  }
0x1f2: {  	v4 =	vld [tilespmem:s8+$0xFFFFFF60];
	v1 =	vmax.f32 v1, $0.0e+00;
	v3 =	vadd.f32 v3, v6  }
0x1f3: {  	v10 =	vld [tilespmem:s8+$0x50];
	[tilespmem:s8+$0xFFFFFFC0] =	vst v1;
	v1 =	vadd.f32 v11, v2  }
0x1f4: {  	v2 =	vld [tilespmem:s30+$0xFFFFFFD0];
	v3 =	vmax.f32 v3, $0.0e+00  }
0x1f5: {  	v5 =	vld [tilespmem:s8+$0xFFFFFFE0];
	[tilespmem:s8+$0x40] =	vst v3;
	v1 =	vmax.f32 v1, $0.0e+00  }
0x1f6: {  	v3 =	vld [tilespmem:s30+$0x50];
	v7 =	vadd.f32 v7, v8;
	[tilespmem:s8+$0xFFFFFF40] =	vst v1  }
0x1f7: {  	v1 =	vld [tilespmem:s30+$0xFFFFFF50]  }
0x1f8: {  	v6 =	vld [tilespmem:s8+$0x60];
	v7 =	vmax.f32 v7, $0.0e+00  }
0x1f9: {  	v2 =	vadd.f32 v12, v2;
	[tilespmem:s8+$0xD0] =	vst v7;
	v7 =	vld [tilespmem:s8+$0xE0]  }
0x1fa: {  	v11 =	vld [tilespmem:s30+$0xE0]  }
0x1fb: {  	v2 =	vmax.f32 v2, $0.0e+00;
	v8 =	vadd.f32 v10, v3;
	v3 =	vld [tilespmem:s8+$0xFFFFFF70]  }
0x1fc: {  	[tilespmem:s8+$0xFFFFFFD0] =	vst v2;
	v1 =	vadd.f32 v9, v1;
	v2 =	vld [tilespmem:s8+$0xFFFFFFF0]  }
0x1fd: {  	v9 =	vmax.f32 v8, $0.0e+00;
	v8 =	vld [tilespmem:s30+$0xFFFFFFE0]  }
0x1fe: {  	[tilespmem:s8+$0x50] =	vst v9;
	v9 =	vmax.f32 v1, $0.0e+00;
	v1 =	vld [tilespmem:s8+$0x70]  }
0x1ff: {  	[tilespmem:s8+$0xFFFFFF50] =	vst v9;
	v9 =	vld [tilespmem:s30+$0x60];
	v7 =	vadd.f32 v7, v11  }
0x200: {  	v10 =	vld [tilespmem:s30+$0xFFFFFF60]  }
0x201: {  	s10 =	simm.s32 $0x0;
	s26 =	simm.s32 $0x5300;
	s18 =	simm.s32 $0x500;
	v11 =	vmax.f32 v7, $0.0e+00;
	v7 =	vld [tilespmem:s8+$0xF0]  }
.LBB2_9:
0x202: {  	v12 =	vld [tilespmem:s18+$0x80];
	v5 =	vadd.f32 v5, v8;
	[tilespmem:s8+$0xE0] =	vst v11  }
0x203: {  	s8 =	sadd.s32 $0x200, s8;
	v8 =	vld [tilespmem:s30+$0xF0]  }
0x204: {  	s10 =	sadd.s32 $0x4, s10;
	v11 =	vld [tilespmem:s8+$0x80];
	v5 =	vmax.f32 v5, $0.0e+00;
	v6 =	vadd.f32 v6, v9  }
0x205: {  	p1 =	slt.u32 s10, $0x4C;
	v9 =	vld [tilespmem:s8+$0xFFFFFF00];
	v4 =	vadd.f32 v4, v10;
	[tilespmem:s26+$0xFFFFFFE0] =	vst v5  }
0x206: {  	v5 =	vld [tilespmem:s18+$0xFFFFFF80];
	v6 =	vmax.f32 v6, $0.0e+00  }
0x207: {  	v10 =	vld [tilespmem:s8+$0xFFFFFF80];
	v4 =	vmax.f32 v4, $0.0e+00;
	[tilespmem:s26+$0x60] =	vst v6  }
0x208: {  	v6 =	vld [tilespmem:s18+$0x0];
	[tilespmem:s26+$0xFFFFFF60] =	vst v4;
	v4 =	vadd.f32 v7, v8  }
0x209: {  	v7 =	vld [tilespmem:s8+$0x0];
	v8 =	vadd.f32 v11, v12  }
0x20a: {  	v11 =	vld [tilespmem:s18+$0xFFFFFF00];
	v4 =	vmax.f32 v4, $0.0e+00  }
0x20b: {  	v12 =	vld [tilespmem:s8+$0xFFFFFF10];
	v8 =	vmax.f32 v8, $0.0e+00;
	[tilespmem:s26+$0xF0] =	vst v4  }
0x20c: {  	v4 =	vadd.f32 v10, v5;
	[tilespmem:s8+$0x80] =	vst v8;
	v5 =	vld [tilespmem:s8+$0x90]  }
0x20d: {  	v8 =	vld [tilespmem:s18+$0x90]  }
0x20e: {  	v4 =	vmax.f32 v4, $0.0e+00;
	v10 =	vld [tilespmem:s8+$0xFFFFFF90];
	v6 =	vadd.f32 v7, v6  }
0x20f: {  	v7 =	vadd.f32 v9, v11;
	[tilespmem:s8+$0xFFFFFF80] =	vst v4;
	v4 =	vld [tilespmem:s8+$0x10]  }
0x210: {  	v9 =	vld [tilespmem:s18+$0xFFFFFF90];
	v6 =	vmax.f32 v6, $0.0e+00  }
0x211: {  	v7 =	vmax.f32 v7, $0.0e+00;
	v11 =	vld [tilespmem:s8+$0xFFFFFF20];
	[tilespmem:s8+$0x0] =	vst v6  }
0x212: {  	[tilespmem:s8+$0xFFFFFF00] =	vst v7;
	v6 =	vld [tilespmem:s18+$0x10];
	v5 =	vadd.f32 v5, v8  }
0x213: {  	v7 =	vld [tilespmem:s18+$0xFFFFFF10]  }
0x214: {  	v8 =	vld [tilespmem:s8+$0xFFFFFFA0];
	v5 =	vmax.f32 v5, $0.0e+00  }
0x215: {  	v9 =	vadd.f32 v10, v9;
	[tilespmem:s8+$0x90] =	vst v5;
	v5 =	vld [tilespmem:s8+$0xA0]  }
0x216: {  	v10 =	vld [tilespmem:s18+$0xA0]  }
0x217: {  	v9 =	vmax.f32 v9, $0.0e+00;
	v4 =	vadd.f32 v4, v6;
	v6 =	vld [tilespmem:s8+$0x20]  }
0x218: {  	v7 =	vadd.f32 v12, v7;
	v12 =	vld [tilespmem:s8+$0xFFFFFF30];
	[tilespmem:s8+$0xFFFFFF90] =	vst v9  }
0x219: {  	v9 =	vld [tilespmem:s18+$0xFFFFFFA0];
	v4 =	vmax.f32 v4, $0.0e+00  }
0x21a: {  	v7 =	vmax.f32 v7, $0.0e+00;
	v13 =	vld [tilespmem:s8+$0xFFFFFFB0];
	[tilespmem:s8+$0x10] =	vst v4  }
0x21b: {  	[tilespmem:s8+$0xFFFFFF10] =	vst v7;
	v4 =	vld [tilespmem:s18+$0x20];
	v5 =	vadd.f32 v5, v10  }
0x21c: {  	v7 =	vld [tilespmem:s18+$0xFFFFFF20]  }
0x21d: {  	v10 =	vld [tilespmem:s8+$0x30];
	v5 =	vmax.f32 v5, $0.0e+00  }
0x21e: {  	v8 =	vadd.f32 v8, v9;
	[tilespmem:s8+$0xA0] =	vst v5;
	v5 =	vld [tilespmem:s8+$0xB0]  }
0x21f: {  	v9 =	vld [tilespmem:s18+$0xB0]  }
0x220: {  	v14 =	vld [tilespmem:s8+$0xFFFFFF40];
	v8 =	vmax.f32 v8, $0.0e+00;
	v4 =	vadd.f32 v6, v4  }
0x221: {  	v6 =	vadd.f32 v11, v7;
	[tilespmem:s8+$0xFFFFFFA0] =	vst v8;
	v7 =	vld [tilespmem:s8+$0xFFFFFFC0]  }
0x222: {  	v8 =	vld [tilespmem:s18+$0xFFFFFFB0];
	v4 =	vmax.f32 v4, $0.0e+00  }
0x223: {  	v6 =	vmax.f32 v6, $0.0e+00;
	[tilespmem:s8+$0x20] =	vst v4;
	v11 =	vld [tilespmem:s8+$0x40]  }
0x224: {  	[tilespmem:s8+$0xFFFFFF20] =	vst v6;
	v4 =	vld [tilespmem:s18+$0x30];
	v5 =	vadd.f32 v5, v9  }
0x225: {  	v6 =	vld [tilespmem:s18+$0xFFFFFF30]  }
0x226: {  	v9 =	vld [tilespmem:s8+$0xFFFFFF50];
	v5 =	vmax.f32 v5, $0.0e+00  }
0x227: {  	v8 =	vadd.f32 v13, v8;
	[tilespmem:s8+$0xB0] =	vst v5;
	v5 =	vld [tilespmem:s8+$0xC0]  }
0x228: {  	v13 =	vld [tilespmem:s18+$0xC0]  }
0x229: {  	v8 =	vmax.f32 v8, $0.0e+00;
	v15 =	vld [tilespmem:s8+$0xFFFFFFD0];
	v4 =	vadd.f32 v10, v4  }
0x22a: {  	v6 =	vadd.f32 v12, v6;
	[tilespmem:s8+$0xFFFFFFB0] =	vst v8;
	v8 =	vld [tilespmem:s8+$0x50]  }
0x22b: {  	v10 =	vld [tilespmem:s18+$0xFFFFFFC0];
	v12 =	vmax.f32 v4, $0.0e+00  }
0x22c: {  	v6 =	vmax.f32 v6, $0.0e+00;
	v4 =	vld [tilespmem:s8+$0xFFFFFF60];
	[tilespmem:s8+$0x30] =	vst v12  }
0x22d: {  	[tilespmem:s8+$0xFFFFFF30] =	vst v6;
	v6 =	vld [tilespmem:s18+$0x40];
	v12 =	vadd.f32 v5, v13  }
0x22e: {  	v13 =	vld [tilespmem:s18+$0xFFFFFF40]  }
0x22f: {  	v5 =	vld [tilespmem:s8+$0xFFFFFFE0];
	v12 =	vmax.f32 v12, $0.0e+00  }
0x230: {  	v7 =	vadd.f32 v7, v10;
	[tilespmem:s8+$0xC0] =	vst v12;
	v10 =	vld [tilespmem:s8+$0xD0]  }
0x231: {  	v12 =	vld [tilespmem:s18+$0xD0]  }
0x232: {  	v7 =	vmax.f32 v7, $0.0e+00;
	v11 =	vadd.f32 v11, v6;
	v6 =	vld [tilespmem:s8+$0x60]  }
0x233: {  	v13 =	vadd.f32 v14, v13;
	[tilespmem:s8+$0xFFFFFFC0] =	vst v7;
	v7 =	vld [tilespmem:s30+$0xFFFFFF70]  }
0x234: {  	v14 =	vld [tilespmem:s18+$0xFFFFFFD0];
	v11 =	vmax.f32 v11, $0.0e+00  }
0x235: {  	v13 =	vmax.f32 v13, $0.0e+00;
	[tilespmem:s8+$0x40] =	vst v11;
	v11 =	vld [tilespmem:s30+$0xFFFFFFF0]  }
0x236: {  	[tilespmem:s8+$0xFFFFFF40] =	vst v13;
	v13 =	vld [tilespmem:s18+$0x50];
	v10 =	vadd.f32 v10, v12  }
0x237: {  	v12 =	vld [tilespmem:s18+$0xFFFFFF50]  }
0x238: {  	v10 =	vmax.f32 v10, $0.0e+00;
	v3 =	vadd.f32 v3, v7;
	v7 =	vld [tilespmem:s30+$0x70];
	s30 =	smov.u32 s18  }
0x239: {  	v14 =	vadd.f32 v15, v14;
	[tilespmem:s8+$0xD0] =	vst v10;
	v10 =	vld [tilespmem:s8+$0xE0]  }
0x23a: {  	v15 =	vld [tilespmem:s18+$0xE0];
	v16 =	vmax.f32 v3, $0.0e+00;
	v11 =	vadd.f32 v2, v11  }
0x23b: {  	v3 =	vld [tilespmem:s8+$0xFFFFFF70];
	v2 =	vmax.f32 v14, $0.0e+00;
	v13 =	vadd.f32 v8, v13;
	[tilespmem:s26+$0xFFFFFF70] =	vst v16  }
0x23c: {  	v9 =	vadd.f32 v9, v12;
	[tilespmem:s8+$0xFFFFFFD0] =	vst v2;
	v2 =	vld [tilespmem:s8+$0xFFFFFFF0];
	v11 =	vmax.f32 v11, $0.0e+00  }
.Ltmp3:
0x23d: {  	v8 =	vld [tilespmem:s18+$0xFFFFFFE0];
	v12 =	vmax.f32 v13, $0.0e+00;
	[tilespmem:s26+$0xFFFFFFF0] =	vst v11;
	v7 =	vadd.f32 v1, v7;
	(pc) =	sbr.rel @p1 .LBB2_9-.Ltmp3, $4  }
0x23e: {  	v9 =	vmax.f32 v9, $0.0e+00;
	[tilespmem:s8+$0x50] =	vst v12;
	v1 =	vld [tilespmem:s8+$0x70]  }
0x23f: {  	[tilespmem:s8+$0xFFFFFF50] =	vst v9;
	v9 =	vld [tilespmem:s18+$0x60];
	v11 =	vadd.f32 v10, v15;
	v7 =	vmax.f32 v7, $0.0e+00  }
0x240: {  	v10 =	vld [tilespmem:s18+$0xFFFFFF60];
	[tilespmem:s26+$0x70] =	vst v7;
	s26 =	smov.u32 s8  }
0x241: {  	s18 =	sadd.s32 $0x200, s18;
	v11 =	vmax.f32 v11, $0.0e+00;
	v7 =	vld [tilespmem:s8+$0xF0]  }
0x242: {  	_ =	sdelay $0x2  }
0x243: {  	v4 =	vadd.f32 v4, v10  }
0x244: {  	v5 =	vadd.f32 v5, v8  }
0x245: {  	[tilespmem:s8+$0xE0] =	vst v11;
	v6 =	vadd.f32 v6, v9;
	v4 =	vmax.f32 v4, $0.0e+00  }
0x246: {  	v8 =	vld [tilespmem:s30+$0xF0];
	v5 =	vmax.f32 v5, $0.0e+00;
	[tilespmem:s26+$0xFFFFFF60] =	vst v4  }
0x247: {  	[tilespmem:s26+$0xFFFFFFE0] =	vst v5;
	v4 =	vmax.f32 v6, $0.0e+00;
	v5 =	vld [tilespmem:s30+$0xFFFFFF70]  }
0x248: {  	[tilespmem:s26+$0x60] =	vst v4;
	v4 =	vld [tilespmem:s30+$0xFFFFFFF0]  }
0x249: {  	v6 =	vld [tilespmem:s30+$0x70];
	_ =	sdelay $0x1  }
0x24a: {  	v7 =	vadd.f32 v7, v8  }
0x24b: {  	v3 =	vadd.f32 v3, v5  }
0x24c: {  	v5 =	vmax.f32 v7, $0.0e+00;
	v2 =	vadd.f32 v2, v4  }
0x24d: {  	[tilespmem:s26+$0xF0] =	vst v5;
	v1 =	vadd.f32 v1, v6;
	v3 =	vmax.f32 v3, $0.0e+00  }
0x24e: {  	v2 =	vmax.f32 v2, $0.0e+00;
	[tilespmem:s26+$0xFFFFFF70] =	vst v3  }
0x24f: {  	[tilespmem:s26+$0xFFFFFFF0] =	vst v2;
	v1 =	vmax.f32 v1, $0.0e+00  }
0x250: {  	[tilespmem:s26+$0x70] =	vst v1  }
0x251: {  	[spmem:s1] =	stream.indirect.scatter.add.f32 [tilespmem:s14], [sflag:$0x5], $0x80, s11, s13, $0xb8;
	[tilespmem:$0x1DA80] =	vst v63  }
0x252: {  	_ =	swait.ge [sflag:s22], $0x2800  }
0x253: {  	[sflag:s22] =	ssyncset.done $0x0  }
0x254: {  	[sflag:s22] =	ssyncadd.s32 $0xFFFFD800  }
0x255: {  	s26 =	sadd.s32 s0, s29;
	_ =	swait.ge [sflag:s23], $0x2800  }
0x256: {  	s8 =	smul.u32 $0x50, s26;
	[sflag:s23] =	ssyncset.done $0x0  }
0x257: {  	[sflag:s23] =	ssyncadd.s32 $0xFFFFD800  }
0x258: {  	s10 =	sadd.s32 s9, s8;
	_ =	swait.ge [sflag:s24], $0x2800  }
0x259: {  	s18 =	sshrl.u32 s10, $0x3;
	[sflag:s24] =	ssyncset.done $0x0  }
0x25a: {  	s8 =	sshrl.u32 s8, $0x3;
	s18 =	sadd.s32 s4, s18;
	[sflag:s24] =	ssyncadd.s32 $0xFFFFD800  }
0x25b: {  	[tilespmem:s3], [sflag:$0x7] =	stream.linear.gather [hbm4b:s18+s3], $0x50, $0x38;
	[tilespmem:$0x1DA80] =	vst v63  }
0x25c: {  	s8 =	sadd.s32 s5, s8  }
0x25d: {  	[tilespmem:s11], [sflag:$0x7] =	stream.linear.gather [hbm4b:s8+s3], $0x50, $0x38;
	[tilespmem:$0x1DA80] =	vst v63  }
0x25e: {  	_ =	swait.ge [sflag:s12], $0x50  }
0x25f: {  	[sflag:s12] =	ssyncset.done $0x0  }
0x260: {  	[sflag:s12] =	ssyncadd.s32 $0xFFFFFFB0  }
0x261: {  	_ =	swait.ge [sflag:s12], $0x50  }
0x262: {  	[sflag:s12] =	ssyncset.done $0x0  }
0x263: {  	s30 =	sshll.u32 s10, $0x4;
	[sflag:s12] =	ssyncadd.s32 $0xFFFFFFB0  }
0x264: {  	[tilespmem:s2], [sflag:$0x1] =	stream.indirect.gather [hbm4b:s6+s13], $0x80, s3, s13, $0xb8;
	[tilespmem:$0x1DA80] =	vst v63  }
0x265: {  	s29 =	simm.s32 $0x2B00;
	s8 =	sadd.s32 s7, s30  }
0x266: {  	[tilespmem:s14], [sflag:$0x3] =	stream.linear.gather [hbm4b:s8+s3], $0x2800, $0x38;
	[tilespmem:$0x1DA80] =	vst v63  }
0x267: {  	s8 =	simm.s32 $0x7B00;
	v1 =	vld [tilespmem:s29+$0x80]  }
0x268: {  	v2 =	vld [tilespmem:s8+$0x80]  }
0x269: {  	v3 =	vld [tilespmem:s8+$0xFFFFFF00]  }
0x26a: {  	v4 =	vld [tilespmem:s29+$0xFFFFFF80]  }
0x26b: {  	v5 =	vld [tilespmem:s8+$0xFFFFFF80]  }
0x26c: {  	v6 =	vld [tilespmem:s8+$0x0]  }
0x26d: {  	v1 =	vadd.f32 v2, v1;
	v2 =	vld [tilespmem:s29+$0x0]  }
0x26e: {  	v7 =	vld [tilespmem:s29+$0xFFFFFF00]  }
0x26f: {  	v1 =	vmax.f32 v1, $0.0e+00  }
0x270: {  	v4 =	vadd.f32 v5, v4;
	[tilespmem:s8+$0x80] =	vst v1;
	v1 =	vld [tilespmem:s8+$0x90]  }
0x271: {  	v8 =	vld [tilespmem:s29+$0x90]  }
0x272: {  	v9 =	vld [tilespmem:s8+$0xFFFFFF90];
	v4 =	vmax.f32 v4, $0.0e+00;
	v2 =	vadd.f32 v6, v2  }
0x273: {  	v5 =	vld [tilespmem:s8+$0xFFFFFF10];
	v3 =	vadd.f32 v3, v7;
	[tilespmem:s8+$0xFFFFFF80] =	vst v4  }
0x274: {  	v6 =	vld [tilespmem:s29+$0xFFFFFF90];
	v2 =	vmax.f32 v2, $0.0e+00  }
0x275: {  	v3 =	vmax.f32 v3, $0.0e+00;
	v4 =	vld [tilespmem:s8+$0x10];
	[tilespmem:s8+$0x0] =	vst v2  }
0x276: {  	[tilespmem:s8+$0xFFFFFF00] =	vst v3;
	v1 =	vadd.f32 v1, v8;
	v2 =	vld [tilespmem:s29+$0x10]  }
0x277: {  	v3 =	vld [tilespmem:s29+$0xFFFFFF10]  }
0x278: {  	v1 =	vmax.f32 v1, $0.0e+00  }
0x279: {  	v6 =	vadd.f32 v9, v6;
	[tilespmem:s8+$0x90] =	vst v1;
	v1 =	vld [tilespmem:s8+$0xA0]  }
0x27a: {  	v8 =	vld [tilespmem:s29+$0xA0]  }
0x27b: {  	v7 =	vld [tilespmem:s8+$0xFFFFFF20];
	v6 =	vmax.f32 v6, $0.0e+00;
	v2 =	vadd.f32 v4, v2  }
0x27c: {  	v3 =	vadd.f32 v5, v3;
	v9 =	vld [tilespmem:s8+$0xFFFFFFA0];
	[tilespmem:s8+$0xFFFFFF90] =	vst v6  }
0x27d: {  	v5 =	vld [tilespmem:s29+$0xFFFFFFA0];
	v2 =	vmax.f32 v2, $0.0e+00  }
0x27e: {  	v3 =	vmax.f32 v3, $0.0e+00;
	v4 =	vld [tilespmem:s8+$0x20];
	[tilespmem:s8+$0x10] =	vst v2  }
0x27f: {  	[tilespmem:s8+$0xFFFFFF10] =	vst v3;
	v1 =	vadd.f32 v1, v8;
	v2 =	vld [tilespmem:s29+$0x20]  }
0x280: {  	v3 =	vld [tilespmem:s29+$0xFFFFFF20]  }
0x281: {  	v1 =	vmax.f32 v1, $0.0e+00  }
0x282: {  	v5 =	vadd.f32 v9, v5;
	[tilespmem:s8+$0xA0] =	vst v1;
	v1 =	vld [tilespmem:s8+$0xB0]  }
0x283: {  	v8 =	vld [tilespmem:s29+$0xB0]  }
0x284: {  	v10 =	vld [tilespmem:s8+$0x30];
	v5 =	vmax.f32 v5, $0.0e+00;
	v2 =	vadd.f32 v4, v2  }
0x285: {  	v3 =	vadd.f32 v7, v3;
	v9 =	vld [tilespmem:s8+$0xFFFFFFB0];
	[tilespmem:s8+$0xFFFFFFA0] =	vst v5  }
0x286: {  	v4 =	vld [tilespmem:s29+$0xFFFFFFB0];
	v2 =	vmax.f32 v2, $0.0e+00  }
0x287: {  	v6 =	vld [tilespmem:s8+$0xFFFFFF30];
	[tilespmem:s8+$0x20] =	vst v2;
	v2 =	vmax.f32 v3, $0.0e+00  }
0x288: {  	v1 =	vadd.f32 v1, v8;
	[tilespmem:s8+$0xFFFFFF20] =	vst v2;
	v2 =	vld [tilespmem:s29+$0x30]  }
0x289: {  	v7 =	vld [tilespmem:s29+$0xFFFFFF30]  }
0x28a: {  	v11 =	vld [tilespmem:s8+$0xFFFFFF40];
	v1 =	vmax.f32 v1, $0.0e+00  }
0x28b: {  	v4 =	vadd.f32 v9, v4;
	[tilespmem:s8+$0xB0] =	vst v1;
	v1 =	vld [tilespmem:s8+$0xC0]  }
0x28c: {  	v8 =	vld [tilespmem:s29+$0xC0]  }
0x28d: {  	v12 =	vld [tilespmem:s8+$0xFFFFFFD0];
	v4 =	vmax.f32 v4, $0.0e+00;
	v2 =	vadd.f32 v10, v2  }
0x28e: {  	v5 =	vld [tilespmem:s8+$0xFFFFFFC0];
	[tilespmem:s8+$0xFFFFFFB0] =	vst v4;
	v6 =	vadd.f32 v6, v7  }
0x28f: {  	v7 =	vld [tilespmem:s29+$0xFFFFFFC0];
	v2 =	vmax.f32 v2, $0.0e+00  }
0x290: {  	v3 =	vld [tilespmem:s8+$0x40];
	[tilespmem:s8+$0x30] =	vst v2;
	v2 =	vmax.f32 v6, $0.0e+00  }
0x291: {  	v1 =	vadd.f32 v1, v8;
	v6 =	vld [tilespmem:s29+$0x40];
	[tilespmem:s8+$0xFFFFFF30] =	vst v2  }
0x292: {  	v2 =	vld [tilespmem:s29+$0xFFFFFF40]  }
0x293: {  	v9 =	vld [tilespmem:s8+$0xFFFFFF50];
	v1 =	vmax.f32 v1, $0.0e+00  }
0x294: {  	[tilespmem:s8+$0xC0] =	vst v1;
	v1 =	vadd.f32 v5, v7;
	v7 =	vld [tilespmem:s8+$0xD0]  }
0x295: {  	v8 =	vld [tilespmem:s29+$0xD0]  }
0x296: {  	v4 =	vld [tilespmem:s8+$0xFFFFFF60];
	v1 =	vmax.f32 v1, $0.0e+00;
	v3 =	vadd.f32 v3, v6  }
0x297: {  	v10 =	vld [tilespmem:s8+$0x50];
	[tilespmem:s8+$0xFFFFFFC0] =	vst v1;
	v1 =	vadd.f32 v11, v2  }
0x298: {  	v2 =	vld [tilespmem:s29+$0xFFFFFFD0];
	v3 =	vmax.f32 v3, $0.0e+00  }
0x299: {  	v5 =	vld [tilespmem:s8+$0xFFFFFFE0];
	[tilespmem:s8+$0x40] =	vst v3;
	v1 =	vmax.f32 v1, $0.0e+00  }
0x29a: {  	v3 =	vld [tilespmem:s29+$0x50];
	v7 =	vadd.f32 v7, v8;
	[tilespmem:s8+$0xFFFFFF40] =	vst v1  }
0x29b: {  	v1 =	vld [tilespmem:s29+$0xFFFFFF50]  }
0x29c: {  	v6 =	vld [tilespmem:s8+$0x60];
	v7 =	vmax.f32 v7, $0.0e+00  }
0x29d: {  	v2 =	vadd.f32 v12, v2;
	[tilespmem:s8+$0xD0] =	vst v7;
	v7 =	vld [tilespmem:s8+$0xE0]  }
0x29e: {  	v11 =	vld [tilespmem:s29+$0xE0]  }
0x29f: {  	v2 =	vmax.f32 v2, $0.0e+00;
	v8 =	vadd.f32 v10, v3;
	v3 =	vld [tilespmem:s8+$0xFFFFFF70]  }
0x2a0: {  	[tilespmem:s8+$0xFFFFFFD0] =	vst v2;
	v1 =	vadd.f32 v9, v1;
	v2 =	vld [tilespmem:s8+$0xFFFFFFF0]  }
0x2a1: {  	v9 =	vmax.f32 v8, $0.0e+00;
	v8 =	vld [tilespmem:s29+$0xFFFFFFE0]  }
0x2a2: {  	[tilespmem:s8+$0x50] =	vst v9;
	v9 =	vmax.f32 v1, $0.0e+00;
	v1 =	vld [tilespmem:s8+$0x70]  }
0x2a3: {  	[tilespmem:s8+$0xFFFFFF50] =	vst v9;
	v9 =	vld [tilespmem:s29+$0x60];
	v7 =	vadd.f32 v7, v11  }
0x2a4: {  	v10 =	vld [tilespmem:s29+$0xFFFFFF60]  }
0x2a5: {  	s26 =	simm.s32 $0x7B00;
	s10 =	simm.s32 $0x0;
	s18 =	simm.s32 $0x2D00;
	v11 =	vmax.f32 v7, $0.0e+00;
	v7 =	vld [tilespmem:s8+$0xF0]  }
.LBB2_11:
0x2a6: {  	v12 =	vld [tilespmem:s18+$0x80];
	v5 =	vadd.f32 v5, v8;
	[tilespmem:s8+$0xE0] =	vst v11  }
0x2a7: {  	s8 =	sadd.s32 $0x200, s8;
	v8 =	vld [tilespmem:s29+$0xF0]  }
0x2a8: {  	s10 =	sadd.s32 $0x4, s10;
	v11 =	vld [tilespmem:s8+$0x80];
	v5 =	vmax.f32 v5, $0.0e+00;
	v6 =	vadd.f32 v6, v9  }
0x2a9: {  	p1 =	slt.u32 s10, $0x4C;
	v9 =	vld [tilespmem:s8+$0xFFFFFF00];
	v4 =	vadd.f32 v4, v10;
	[tilespmem:s26+$0xFFFFFFE0] =	vst v5  }
0x2aa: {  	v5 =	vld [tilespmem:s18+$0xFFFFFF80];
	v6 =	vmax.f32 v6, $0.0e+00  }
0x2ab: {  	v10 =	vld [tilespmem:s8+$0xFFFFFF80];
	v4 =	vmax.f32 v4, $0.0e+00;
	[tilespmem:s26+$0x60] =	vst v6  }
0x2ac: {  	v6 =	vld [tilespmem:s18+$0x0];
	[tilespmem:s26+$0xFFFFFF60] =	vst v4;
	v4 =	vadd.f32 v7, v8  }
0x2ad: {  	v7 =	vld [tilespmem:s8+$0x0];
	v8 =	vadd.f32 v11, v12  }
0x2ae: {  	v11 =	vld [tilespmem:s18+$0xFFFFFF00];
	v4 =	vmax.f32 v4, $0.0e+00  }
0x2af: {  	v12 =	vld [tilespmem:s8+$0xFFFFFF10];
	v8 =	vmax.f32 v8, $0.0e+00;
	[tilespmem:s26+$0xF0] =	vst v4  }
0x2b0: {  	v4 =	vadd.f32 v10, v5;
	[tilespmem:s8+$0x80] =	vst v8;
	v5 =	vld [tilespmem:s8+$0x90]  }
0x2b1: {  	v8 =	vld [tilespmem:s18+$0x90]  }
0x2b2: {  	v4 =	vmax.f32 v4, $0.0e+00;
	v10 =	vld [tilespmem:s8+$0xFFFFFF90];
	v6 =	vadd.f32 v7, v6  }
0x2b3: {  	v7 =	vadd.f32 v9, v11;
	[tilespmem:s8+$0xFFFFFF80] =	vst v4;
	v4 =	vld [tilespmem:s8+$0x10]  }
0x2b4: {  	v9 =	vld [tilespmem:s18+$0xFFFFFF90];
	v6 =	vmax.f32 v6, $0.0e+00  }
0x2b5: {  	v7 =	vmax.f32 v7, $0.0e+00;
	v11 =	vld [tilespmem:s8+$0xFFFFFF20];
	[tilespmem:s8+$0x0] =	vst v6  }
0x2b6: {  	[tilespmem:s8+$0xFFFFFF00] =	vst v7;
	v6 =	vld [tilespmem:s18+$0x10];
	v5 =	vadd.f32 v5, v8  }
0x2b7: {  	v7 =	vld [tilespmem:s18+$0xFFFFFF10]  }
0x2b8: {  	v8 =	vld [tilespmem:s8+$0xFFFFFFA0];
	v5 =	vmax.f32 v5, $0.0e+00  }
0x2b9: {  	v9 =	vadd.f32 v10, v9;
	[tilespmem:s8+$0x90] =	vst v5;
	v5 =	vld [tilespmem:s8+$0xA0]  }
0x2ba: {  	v10 =	vld [tilespmem:s18+$0xA0]  }
0x2bb: {  	v9 =	vmax.f32 v9, $0.0e+00;
	v4 =	vadd.f32 v4, v6;
	v6 =	vld [tilespmem:s8+$0x20]  }
0x2bc: {  	v7 =	vadd.f32 v12, v7;
	v12 =	vld [tilespmem:s8+$0xFFFFFF30];
	[tilespmem:s8+$0xFFFFFF90] =	vst v9  }
0x2bd: {  	v9 =	vld [tilespmem:s18+$0xFFFFFFA0];
	v4 =	vmax.f32 v4, $0.0e+00  }
0x2be: {  	v7 =	vmax.f32 v7, $0.0e+00;
	v13 =	vld [tilespmem:s8+$0xFFFFFFB0];
	[tilespmem:s8+$0x10] =	vst v4  }
0x2bf: {  	[tilespmem:s8+$0xFFFFFF10] =	vst v7;
	v4 =	vld [tilespmem:s18+$0x20];
	v5 =	vadd.f32 v5, v10  }
0x2c0: {  	v7 =	vld [tilespmem:s18+$0xFFFFFF20]  }
0x2c1: {  	v10 =	vld [tilespmem:s8+$0x30];
	v5 =	vmax.f32 v5, $0.0e+00  }
0x2c2: {  	v8 =	vadd.f32 v8, v9;
	[tilespmem:s8+$0xA0] =	vst v5;
	v5 =	vld [tilespmem:s8+$0xB0]  }
0x2c3: {  	v9 =	vld [tilespmem:s18+$0xB0]  }
0x2c4: {  	v14 =	vld [tilespmem:s8+$0xFFFFFF40];
	v8 =	vmax.f32 v8, $0.0e+00;
	v4 =	vadd.f32 v6, v4  }
0x2c5: {  	v6 =	vadd.f32 v11, v7;
	[tilespmem:s8+$0xFFFFFFA0] =	vst v8;
	v7 =	vld [tilespmem:s8+$0xFFFFFFC0]  }
0x2c6: {  	v8 =	vld [tilespmem:s18+$0xFFFFFFB0];
	v4 =	vmax.f32 v4, $0.0e+00  }
0x2c7: {  	v6 =	vmax.f32 v6, $0.0e+00;
	[tilespmem:s8+$0x20] =	vst v4;
	v11 =	vld [tilespmem:s8+$0x40]  }
0x2c8: {  	[tilespmem:s8+$0xFFFFFF20] =	vst v6;
	v4 =	vld [tilespmem:s18+$0x30];
	v5 =	vadd.f32 v5, v9  }
0x2c9: {  	v6 =	vld [tilespmem:s18+$0xFFFFFF30]  }
0x2ca: {  	v9 =	vld [tilespmem:s8+$0xFFFFFF50];
	v5 =	vmax.f32 v5, $0.0e+00  }
0x2cb: {  	v8 =	vadd.f32 v13, v8;
	[tilespmem:s8+$0xB0] =	vst v5;
	v5 =	vld [tilespmem:s8+$0xC0]  }
0x2cc: {  	v13 =	vld [tilespmem:s18+$0xC0]  }
0x2cd: {  	v8 =	vmax.f32 v8, $0.0e+00;
	v15 =	vld [tilespmem:s8+$0xFFFFFFD0];
	v4 =	vadd.f32 v10, v4  }
0x2ce: {  	v6 =	vadd.f32 v12, v6;
	[tilespmem:s8+$0xFFFFFFB0] =	vst v8;
	v8 =	vld [tilespmem:s8+$0x50]  }
0x2cf: {  	v10 =	vld [tilespmem:s18+$0xFFFFFFC0];
	v12 =	vmax.f32 v4, $0.0e+00  }
0x2d0: {  	v6 =	vmax.f32 v6, $0.0e+00;
	v4 =	vld [tilespmem:s8+$0xFFFFFF60];
	[tilespmem:s8+$0x30] =	vst v12  }
0x2d1: {  	[tilespmem:s8+$0xFFFFFF30] =	vst v6;
	v6 =	vld [tilespmem:s18+$0x40];
	v12 =	vadd.f32 v5, v13  }
0x2d2: {  	v13 =	vld [tilespmem:s18+$0xFFFFFF40]  }
0x2d3: {  	v5 =	vld [tilespmem:s8+$0xFFFFFFE0];
	v12 =	vmax.f32 v12, $0.0e+00  }
0x2d4: {  	v7 =	vadd.f32 v7, v10;
	[tilespmem:s8+$0xC0] =	vst v12;
	v10 =	vld [tilespmem:s8+$0xD0]  }
0x2d5: {  	v12 =	vld [tilespmem:s18+$0xD0]  }
0x2d6: {  	v7 =	vmax.f32 v7, $0.0e+00;
	v11 =	vadd.f32 v11, v6;
	v6 =	vld [tilespmem:s8+$0x60]  }
0x2d7: {  	v13 =	vadd.f32 v14, v13;
	[tilespmem:s8+$0xFFFFFFC0] =	vst v7;
	v7 =	vld [tilespmem:s29+$0xFFFFFF70]  }
0x2d8: {  	v14 =	vld [tilespmem:s18+$0xFFFFFFD0];
	v11 =	vmax.f32 v11, $0.0e+00  }
0x2d9: {  	v13 =	vmax.f32 v13, $0.0e+00;
	[tilespmem:s8+$0x40] =	vst v11;
	v11 =	vld [tilespmem:s29+$0xFFFFFFF0]  }
0x2da: {  	[tilespmem:s8+$0xFFFFFF40] =	vst v13;
	v13 =	vld [tilespmem:s18+$0x50];
	v10 =	vadd.f32 v10, v12  }
0x2db: {  	v12 =	vld [tilespmem:s18+$0xFFFFFF50]  }
0x2dc: {  	v10 =	vmax.f32 v10, $0.0e+00;
	v3 =	vadd.f32 v3, v7;
	v7 =	vld [tilespmem:s29+$0x70];
	s29 =	smov.u32 s18  }
0x2dd: {  	v14 =	vadd.f32 v15, v14;
	[tilespmem:s8+$0xD0] =	vst v10;
	v10 =	vld [tilespmem:s8+$0xE0]  }
0x2de: {  	v15 =	vld [tilespmem:s18+$0xE0];
	v16 =	vmax.f32 v3, $0.0e+00;
	v11 =	vadd.f32 v2, v11  }
0x2df: {  	v3 =	vld [tilespmem:s8+$0xFFFFFF70];
	v2 =	vmax.f32 v14, $0.0e+00;
	v13 =	vadd.f32 v8, v13;
	[tilespmem:s26+$0xFFFFFF70] =	vst v16  }
0x2e0: {  	v9 =	vadd.f32 v9, v12;
	[tilespmem:s8+$0xFFFFFFD0] =	vst v2;
	v2 =	vld [tilespmem:s8+$0xFFFFFFF0];
	v11 =	vmax.f32 v11, $0.0e+00  }
.Ltmp4:
0x2e1: {  	v8 =	vld [tilespmem:s18+$0xFFFFFFE0];
	v12 =	vmax.f32 v13, $0.0e+00;
	[tilespmem:s26+$0xFFFFFFF0] =	vst v11;
	v7 =	vadd.f32 v1, v7;
	(pc) =	sbr.rel @p1 .LBB2_11-.Ltmp4, $4  }
0x2e2: {  	v9 =	vmax.f32 v9, $0.0e+00;
	[tilespmem:s8+$0x50] =	vst v12;
	v1 =	vld [tilespmem:s8+$0x70]  }
0x2e3: {  	[tilespmem:s8+$0xFFFFFF50] =	vst v9;
	v9 =	vld [tilespmem:s18+$0x60];
	v11 =	vadd.f32 v10, v15;
	v7 =	vmax.f32 v7, $0.0e+00  }
0x2e4: {  	v10 =	vld [tilespmem:s18+$0xFFFFFF60];
	[tilespmem:s26+$0x70] =	vst v7;
	s26 =	smov.u32 s8  }
0x2e5: {  	s18 =	sadd.s32 $0x200, s18;
	v11 =	vmax.f32 v11, $0.0e+00;
	v7 =	vld [tilespmem:s8+$0xF0]  }
0x2e6: {  	_ = 	snop  }
0x2e7: {  	v5 =	vadd.f32 v5, v8  }
0x2e8: {  	v6 =	vadd.f32 v6, v9  }
0x2e9: {  	[tilespmem:s8+$0xE0] =	vst v11;
	v5 =	vmax.f32 v5, $0.0e+00;
	v4 =	vadd.f32 v4, v10  }
0x2ea: {  	v58 =	vld [tilespmem:s29+$0xF0];
	[tilespmem:s26+$0xFFFFFFE0] =	vst v5;
	v59 =	vmax.f32 v6, $0.0e+00  }
0x2eb: {  	v61 =	vld [tilespmem:s29+$0xFFFFFFF0];
	v4 =	vmax.f32 v4, $0.0e+00;
	[tilespmem:s26+$0x60] =	vst v59  }
0x2ec: {  	[tilespmem:s26+$0xFFFFFF60] =	vst v4;
	v62 =	vld [tilespmem:s29+$0x70]  }
0x2ed: {  	v60 =	vld [tilespmem:s29+$0xFFFFFF70];
	_ =	sdelay $0x1  }
0x2ee: {  	v7 =	vadd.f32 v7, v58  }
0x2ef: {  	s28 =	sadd.s32 $0x1, s28;
	v2 =	vadd.f32 v2, v61  }
0x2f0: {  	p1 =	sne.s32 s28, $0x3D;
	v63 =	vmax.f32 v7, $0.0e+00;
	v1 =	vadd.f32 v1, v62  }
.Ltmp5:
0x2f1: {  	[tilespmem:s26+$0xF0] =	vst v63;
	v2 =	vmax.f32 v2, $0.0e+00;
	v3 =	vadd.f32 v3, v60;
	(pc) =	sbr.rel @p1 .LBB2_8-.Ltmp5, $4  }
0x2f2: {  	[tilespmem:s26+$0xFFFFFFF0] =	vst v2;
	v1 =	vmax.f32 v1, $0.0e+00  }
0x2f3: {  	v3 =	vmax.f32 v3, $0.0e+00;
	[tilespmem:s26+$0x70] =	vst v1  }
0x2f4: {  	[tilespmem:s26+$0xFFFFFF70] =	vst v3  }
0x2f5: {  	[spmem:s1] =	stream.indirect.scatter.add.f32 [tilespmem:s19], [sflag:$0x6], $0x80, s16, s13, $0xb8;
	[tilespmem:$0x1DA80] =	vst v63  }
0x2f6: {  	_ =	swait.ge [sflag:s20], $0x2800  }
0x2f7: {  	[sflag:s20] =	ssyncset.done $0x0  }
0x2f8: {  	[sflag:s20] =	ssyncadd.s32 $0xFFFFD800  }
0x2f9: {  	_ =	swait.ge [sflag:s21], $0x2800  }
0x2fa: {  	[sflag:s21] =	ssyncset.done $0x0  }
0x2fb: {  	[sflag:s21] =	ssyncadd.s32 $0xFFFFD800  }
0x2fc: {  	_ =	swait.ge [sflag:s25], $0x2800  }
0x2fd: {  	[sflag:s25] =	ssyncset.done $0x0  }
0x2fe: {  	s28 =	simm.s32 $0x300;
	[sflag:s25] =	ssyncadd.s32 $0xFFFFD800  }
0x2ff: {  	s8 =	simm.s32 $0x5300;
	v1 =	vld [tilespmem:s28+$0x80]  }
0x300: {  	v2 =	vld [tilespmem:s8+$0x80]  }
0x301: {  	v3 =	vld [tilespmem:s8+$0xFFFFFF00]  }
0x302: {  	v4 =	vld [tilespmem:s28+$0xFFFFFF80]  }
0x303: {  	v5 =	vld [tilespmem:s8+$0xFFFFFF80]  }
0x304: {  	v6 =	vld [tilespmem:s8+$0x0]  }
0x305: {  	v1 =	vadd.f32 v2, v1;
	v2 =	vld [tilespmem:s28+$0x0]  }
0x306: {  	v7 =	vld [tilespmem:s28+$0xFFFFFF00]  }
0x307: {  	v1 =	vmax.f32 v1, $0.0e+00  }
0x308: {  	v4 =	vadd.f32 v5, v4;
	[tilespmem:s8+$0x80] =	vst v1;
	v1 =	vld [tilespmem:s8+$0x90]  }
0x309: {  	v8 =	vld [tilespmem:s28+$0x90]  }
0x30a: {  	v9 =	vld [tilespmem:s8+$0xFFFFFF90];
	v4 =	vmax.f32 v4, $0.0e+00;
	v2 =	vadd.f32 v6, v2  }
0x30b: {  	v5 =	vld [tilespmem:s8+$0xFFFFFF10];
	v3 =	vadd.f32 v3, v7;
	[tilespmem:s8+$0xFFFFFF80] =	vst v4  }
0x30c: {  	v6 =	vld [tilespmem:s28+$0xFFFFFF90];
	v2 =	vmax.f32 v2, $0.0e+00  }
0x30d: {  	v3 =	vmax.f32 v3, $0.0e+00;
	v4 =	vld [tilespmem:s8+$0x10];
	[tilespmem:s8+$0x0] =	vst v2  }
0x30e: {  	[tilespmem:s8+$0xFFFFFF00] =	vst v3;
	v1 =	vadd.f32 v1, v8;
	v2 =	vld [tilespmem:s28+$0x10]  }
0x30f: {  	v3 =	vld [tilespmem:s28+$0xFFFFFF10]  }
0x310: {  	v1 =	vmax.f32 v1, $0.0e+00  }
0x311: {  	v6 =	vadd.f32 v9, v6;
	[tilespmem:s8+$0x90] =	vst v1;
	v1 =	vld [tilespmem:s8+$0xA0]  }
0x312: {  	v8 =	vld [tilespmem:s28+$0xA0]  }
0x313: {  	v7 =	vld [tilespmem:s8+$0xFFFFFF20];
	v6 =	vmax.f32 v6, $0.0e+00;
	v2 =	vadd.f32 v4, v2  }
0x314: {  	v3 =	vadd.f32 v5, v3;
	v9 =	vld [tilespmem:s8+$0xFFFFFFA0];
	[tilespmem:s8+$0xFFFFFF90] =	vst v6  }
0x315: {  	v5 =	vld [tilespmem:s28+$0xFFFFFFA0];
	v2 =	vmax.f32 v2, $0.0e+00  }
0x316: {  	v3 =	vmax.f32 v3, $0.0e+00;
	v4 =	vld [tilespmem:s8+$0x20];
	[tilespmem:s8+$0x10] =	vst v2  }
0x317: {  	[tilespmem:s8+$0xFFFFFF10] =	vst v3;
	v1 =	vadd.f32 v1, v8;
	v2 =	vld [tilespmem:s28+$0x20]  }
0x318: {  	v3 =	vld [tilespmem:s28+$0xFFFFFF20]  }
0x319: {  	v1 =	vmax.f32 v1, $0.0e+00  }
0x31a: {  	v5 =	vadd.f32 v9, v5;
	[tilespmem:s8+$0xA0] =	vst v1;
	v1 =	vld [tilespmem:s8+$0xB0]  }
0x31b: {  	v8 =	vld [tilespmem:s28+$0xB0]  }
0x31c: {  	v10 =	vld [tilespmem:s8+$0x30];
	v5 =	vmax.f32 v5, $0.0e+00;
	v2 =	vadd.f32 v4, v2  }
0x31d: {  	v3 =	vadd.f32 v7, v3;
	v9 =	vld [tilespmem:s8+$0xFFFFFFB0];
	[tilespmem:s8+$0xFFFFFFA0] =	vst v5  }
0x31e: {  	v4 =	vld [tilespmem:s28+$0xFFFFFFB0];
	v2 =	vmax.f32 v2, $0.0e+00  }
0x31f: {  	v6 =	vld [tilespmem:s8+$0xFFFFFF30];
	[tilespmem:s8+$0x20] =	vst v2;
	v2 =	vmax.f32 v3, $0.0e+00  }
0x320: {  	v1 =	vadd.f32 v1, v8;
	[tilespmem:s8+$0xFFFFFF20] =	vst v2;
	v2 =	vld [tilespmem:s28+$0x30]  }
0x321: {  	v7 =	vld [tilespmem:s28+$0xFFFFFF30]  }
0x322: {  	v11 =	vld [tilespmem:s8+$0xFFFFFF40];
	v1 =	vmax.f32 v1, $0.0e+00  }
0x323: {  	v4 =	vadd.f32 v9, v4;
	[tilespmem:s8+$0xB0] =	vst v1;
	v1 =	vld [tilespmem:s8+$0xC0]  }
0x324: {  	v8 =	vld [tilespmem:s28+$0xC0]  }
0x325: {  	v12 =	vld [tilespmem:s8+$0xFFFFFFD0];
	v4 =	vmax.f32 v4, $0.0e+00;
	v2 =	vadd.f32 v10, v2  }
0x326: {  	v5 =	vld [tilespmem:s8+$0xFFFFFFC0];
	[tilespmem:s8+$0xFFFFFFB0] =	vst v4;
	v6 =	vadd.f32 v6, v7  }
0x327: {  	v7 =	vld [tilespmem:s28+$0xFFFFFFC0];
	v2 =	vmax.f32 v2, $0.0e+00  }
0x328: {  	v3 =	vld [tilespmem:s8+$0x40];
	[tilespmem:s8+$0x30] =	vst v2;
	v2 =	vmax.f32 v6, $0.0e+00  }
0x329: {  	v1 =	vadd.f32 v1, v8;
	v6 =	vld [tilespmem:s28+$0x40];
	[tilespmem:s8+$0xFFFFFF30] =	vst v2  }
0x32a: {  	v2 =	vld [tilespmem:s28+$0xFFFFFF40]  }
0x32b: {  	v9 =	vld [tilespmem:s8+$0xFFFFFF50];
	v1 =	vmax.f32 v1, $0.0e+00  }
0x32c: {  	[tilespmem:s8+$0xC0] =	vst v1;
	v1 =	vadd.f32 v5, v7;
	v7 =	vld [tilespmem:s8+$0xD0]  }
0x32d: {  	v8 =	vld [tilespmem:s28+$0xD0]  }
0x32e: {  	v4 =	vld [tilespmem:s8+$0xFFFFFF60];
	v1 =	vmax.f32 v1, $0.0e+00;
	v3 =	vadd.f32 v3, v6  }
0x32f: {  	v10 =	vld [tilespmem:s8+$0x50];
	[tilespmem:s8+$0xFFFFFFC0] =	vst v1;
	v1 =	vadd.f32 v11, v2  }
0x330: {  	v2 =	vld [tilespmem:s28+$0xFFFFFFD0];
	v3 =	vmax.f32 v3, $0.0e+00  }
0x331: {  	v5 =	vld [tilespmem:s8+$0xFFFFFFE0];
	[tilespmem:s8+$0x40] =	vst v3;
	v1 =	vmax.f32 v1, $0.0e+00  }
0x332: {  	v3 =	vld [tilespmem:s28+$0x50];
	v7 =	vadd.f32 v7, v8;
	[tilespmem:s8+$0xFFFFFF40] =	vst v1  }
0x333: {  	v1 =	vld [tilespmem:s28+$0xFFFFFF50]  }
0x334: {  	v6 =	vld [tilespmem:s8+$0x60];
	v7 =	vmax.f32 v7, $0.0e+00  }
0x335: {  	v2 =	vadd.f32 v12, v2;
	[tilespmem:s8+$0xD0] =	vst v7;
	v7 =	vld [tilespmem:s8+$0xE0]  }
0x336: {  	v11 =	vld [tilespmem:s28+$0xE0]  }
0x337: {  	v2 =	vmax.f32 v2, $0.0e+00;
	v8 =	vadd.f32 v10, v3;
	v3 =	vld [tilespmem:s8+$0xFFFFFF70]  }
0x338: {  	[tilespmem:s8+$0xFFFFFFD0] =	vst v2;
	v1 =	vadd.f32 v9, v1;
	v2 =	vld [tilespmem:s8+$0xFFFFFFF0]  }
0x339: {  	v9 =	vmax.f32 v8, $0.0e+00;
	v8 =	vld [tilespmem:s28+$0xFFFFFFE0]  }
0x33a: {  	[tilespmem:s8+$0x50] =	vst v9;
	v9 =	vmax.f32 v1, $0.0e+00;
	v1 =	vld [tilespmem:s8+$0x70]  }
0x33b: {  	[tilespmem:s8+$0xFFFFFF50] =	vst v9;
	v9 =	vld [tilespmem:s28+$0x60];
	v7 =	vadd.f32 v7, v11  }
0x33c: {  	v10 =	vld [tilespmem:s28+$0xFFFFFF60]  }
0x33d: {  	s10 =	simm.s32 $0x0;
	s18 =	simm.s32 $0x500;
	s26 =	simm.s32 $0x5300;
	v11 =	vmax.f32 v7, $0.0e+00;
	v7 =	vld [tilespmem:s8+$0xF0]  }
.LBB2_14:
0x33e: {  	v12 =	vld [tilespmem:s18+$0x80];
	v5 =	vadd.f32 v5, v8;
	[tilespmem:s8+$0xE0] =	vst v11  }
0x33f: {  	s8 =	sadd.s32 $0x200, s8;
	v8 =	vld [tilespmem:s28+$0xF0]  }
0x340: {  	s10 =	sadd.s32 $0x4, s10;
	v11 =	vld [tilespmem:s8+$0x80];
	v5 =	vmax.f32 v5, $0.0e+00;
	v6 =	vadd.f32 v6, v9  }
0x341: {  	p1 =	slt.u32 s10, $0x4C;
	v9 =	vld [tilespmem:s8+$0xFFFFFF00];
	v4 =	vadd.f32 v4, v10;
	[tilespmem:s26+$0xFFFFFFE0] =	vst v5  }
0x342: {  	v5 =	vld [tilespmem:s18+$0xFFFFFF80];
	v6 =	vmax.f32 v6, $0.0e+00  }
0x343: {  	v10 =	vld [tilespmem:s8+$0xFFFFFF80];
	v4 =	vmax.f32 v4, $0.0e+00;
	[tilespmem:s26+$0x60] =	vst v6  }
0x344: {  	v6 =	vld [tilespmem:s18+$0x0];
	[tilespmem:s26+$0xFFFFFF60] =	vst v4;
	v4 =	vadd.f32 v7, v8  }
0x345: {  	v7 =	vld [tilespmem:s8+$0x0];
	v8 =	vadd.f32 v11, v12  }
0x346: {  	v11 =	vld [tilespmem:s18+$0xFFFFFF00];
	v4 =	vmax.f32 v4, $0.0e+00  }
0x347: {  	v12 =	vld [tilespmem:s8+$0xFFFFFF10];
	v8 =	vmax.f32 v8, $0.0e+00;
	[tilespmem:s26+$0xF0] =	vst v4  }
0x348: {  	v4 =	vadd.f32 v10, v5;
	[tilespmem:s8+$0x80] =	vst v8;
	v5 =	vld [tilespmem:s8+$0x90]  }
0x349: {  	v8 =	vld [tilespmem:s18+$0x90]  }
0x34a: {  	v4 =	vmax.f32 v4, $0.0e+00;
	v10 =	vld [tilespmem:s8+$0xFFFFFF90];
	v6 =	vadd.f32 v7, v6  }
0x34b: {  	v7 =	vadd.f32 v9, v11;
	[tilespmem:s8+$0xFFFFFF80] =	vst v4;
	v4 =	vld [tilespmem:s8+$0x10]  }
0x34c: {  	v9 =	vld [tilespmem:s18+$0xFFFFFF90];
	v6 =	vmax.f32 v6, $0.0e+00  }
0x34d: {  	v7 =	vmax.f32 v7, $0.0e+00;
	v11 =	vld [tilespmem:s8+$0xFFFFFF20];
	[tilespmem:s8+$0x0] =	vst v6  }
0x34e: {  	[tilespmem:s8+$0xFFFFFF00] =	vst v7;
	v6 =	vld [tilespmem:s18+$0x10];
	v5 =	vadd.f32 v5, v8  }
0x34f: {  	v7 =	vld [tilespmem:s18+$0xFFFFFF10]  }
0x350: {  	v8 =	vld [tilespmem:s8+$0xFFFFFFA0];
	v5 =	vmax.f32 v5, $0.0e+00  }
0x351: {  	v9 =	vadd.f32 v10, v9;
	[tilespmem:s8+$0x90] =	vst v5;
	v5 =	vld [tilespmem:s8+$0xA0]  }
0x352: {  	v10 =	vld [tilespmem:s18+$0xA0]  }
0x353: {  	v9 =	vmax.f32 v9, $0.0e+00;
	v4 =	vadd.f32 v4, v6;
	v6 =	vld [tilespmem:s8+$0x20]  }
0x354: {  	v7 =	vadd.f32 v12, v7;
	v12 =	vld [tilespmem:s8+$0xFFFFFF30];
	[tilespmem:s8+$0xFFFFFF90] =	vst v9  }
0x355: {  	v9 =	vld [tilespmem:s18+$0xFFFFFFA0];
	v4 =	vmax.f32 v4, $0.0e+00  }
0x356: {  	v7 =	vmax.f32 v7, $0.0e+00;
	v13 =	vld [tilespmem:s8+$0xFFFFFFB0];
	[tilespmem:s8+$0x10] =	vst v4  }
0x357: {  	[tilespmem:s8+$0xFFFFFF10] =	vst v7;
	v4 =	vld [tilespmem:s18+$0x20];
	v5 =	vadd.f32 v5, v10  }
0x358: {  	v7 =	vld [tilespmem:s18+$0xFFFFFF20]  }
0x359: {  	v10 =	vld [tilespmem:s8+$0x30];
	v5 =	vmax.f32 v5, $0.0e+00  }
0x35a: {  	v8 =	vadd.f32 v8, v9;
	[tilespmem:s8+$0xA0] =	vst v5;
	v5 =	vld [tilespmem:s8+$0xB0]  }
0x35b: {  	v9 =	vld [tilespmem:s18+$0xB0]  }
0x35c: {  	v14 =	vld [tilespmem:s8+$0xFFFFFF40];
	v8 =	vmax.f32 v8, $0.0e+00;
	v4 =	vadd.f32 v6, v4  }
0x35d: {  	v6 =	vadd.f32 v11, v7;
	[tilespmem:s8+$0xFFFFFFA0] =	vst v8;
	v7 =	vld [tilespmem:s8+$0xFFFFFFC0]  }
0x35e: {  	v8 =	vld [tilespmem:s18+$0xFFFFFFB0];
	v4 =	vmax.f32 v4, $0.0e+00  }
0x35f: {  	v6 =	vmax.f32 v6, $0.0e+00;
	[tilespmem:s8+$0x20] =	vst v4;
	v11 =	vld [tilespmem:s8+$0x40]  }
0x360: {  	[tilespmem:s8+$0xFFFFFF20] =	vst v6;
	v4 =	vld [tilespmem:s18+$0x30];
	v5 =	vadd.f32 v5, v9  }
0x361: {  	v6 =	vld [tilespmem:s18+$0xFFFFFF30]  }
0x362: {  	v9 =	vld [tilespmem:s8+$0xFFFFFF50];
	v5 =	vmax.f32 v5, $0.0e+00  }
0x363: {  	v8 =	vadd.f32 v13, v8;
	[tilespmem:s8+$0xB0] =	vst v5;
	v5 =	vld [tilespmem:s8+$0xC0]  }
0x364: {  	v13 =	vld [tilespmem:s18+$0xC0]  }
0x365: {  	v8 =	vmax.f32 v8, $0.0e+00;
	v15 =	vld [tilespmem:s8+$0xFFFFFFD0];
	v4 =	vadd.f32 v10, v4  }
0x366: {  	v6 =	vadd.f32 v12, v6;
	[tilespmem:s8+$0xFFFFFFB0] =	vst v8;
	v8 =	vld [tilespmem:s8+$0x50]  }
0x367: {  	v10 =	vld [tilespmem:s18+$0xFFFFFFC0];
	v12 =	vmax.f32 v4, $0.0e+00  }
0x368: {  	v6 =	vmax.f32 v6, $0.0e+00;
	v4 =	vld [tilespmem:s8+$0xFFFFFF60];
	[tilespmem:s8+$0x30] =	vst v12  }
0x369: {  	[tilespmem:s8+$0xFFFFFF30] =	vst v6;
	v6 =	vld [tilespmem:s18+$0x40];
	v12 =	vadd.f32 v5, v13  }
0x36a: {  	v13 =	vld [tilespmem:s18+$0xFFFFFF40]  }
0x36b: {  	v5 =	vld [tilespmem:s8+$0xFFFFFFE0];
	v12 =	vmax.f32 v12, $0.0e+00  }
0x36c: {  	v7 =	vadd.f32 v7, v10;
	[tilespmem:s8+$0xC0] =	vst v12;
	v10 =	vld [tilespmem:s8+$0xD0]  }
0x36d: {  	v12 =	vld [tilespmem:s18+$0xD0]  }
0x36e: {  	v7 =	vmax.f32 v7, $0.0e+00;
	v11 =	vadd.f32 v11, v6;
	v6 =	vld [tilespmem:s8+$0x60]  }
0x36f: {  	v13 =	vadd.f32 v14, v13;
	[tilespmem:s8+$0xFFFFFFC0] =	vst v7;
	v7 =	vld [tilespmem:s28+$0xFFFFFF70]  }
0x370: {  	v14 =	vld [tilespmem:s18+$0xFFFFFFD0];
	v11 =	vmax.f32 v11, $0.0e+00  }
0x371: {  	v13 =	vmax.f32 v13, $0.0e+00;
	[tilespmem:s8+$0x40] =	vst v11;
	v11 =	vld [tilespmem:s28+$0xFFFFFFF0]  }
0x372: {  	[tilespmem:s8+$0xFFFFFF40] =	vst v13;
	v13 =	vld [tilespmem:s18+$0x50];
	v10 =	vadd.f32 v10, v12  }
0x373: {  	v12 =	vld [tilespmem:s18+$0xFFFFFF50]  }
0x374: {  	v10 =	vmax.f32 v10, $0.0e+00;
	v3 =	vadd.f32 v3, v7;
	v7 =	vld [tilespmem:s28+$0x70];
	s28 =	smov.u32 s18  }
0x375: {  	v14 =	vadd.f32 v15, v14;
	[tilespmem:s8+$0xD0] =	vst v10;
	v10 =	vld [tilespmem:s8+$0xE0]  }
0x376: {  	v15 =	vld [tilespmem:s18+$0xE0];
	v16 =	vmax.f32 v3, $0.0e+00;
	v11 =	vadd.f32 v2, v11  }
0x377: {  	v3 =	vld [tilespmem:s8+$0xFFFFFF70];
	v2 =	vmax.f32 v14, $0.0e+00;
	v13 =	vadd.f32 v8, v13;
	[tilespmem:s26+$0xFFFFFF70] =	vst v16  }
0x378: {  	v9 =	vadd.f32 v9, v12;
	[tilespmem:s8+$0xFFFFFFD0] =	vst v2;
	v2 =	vld [tilespmem:s8+$0xFFFFFFF0];
	v11 =	vmax.f32 v11, $0.0e+00  }
.Ltmp6:
0x379: {  	v8 =	vld [tilespmem:s18+$0xFFFFFFE0];
	v12 =	vmax.f32 v13, $0.0e+00;
	[tilespmem:s26+$0xFFFFFFF0] =	vst v11;
	v7 =	vadd.f32 v1, v7;
	(pc) =	sbr.rel @p1 .LBB2_14-.Ltmp6, $4  }
0x37a: {  	v9 =	vmax.f32 v9, $0.0e+00;
	[tilespmem:s8+$0x50] =	vst v12;
	v1 =	vld [tilespmem:s8+$0x70]  }
0x37b: {  	[tilespmem:s8+$0xFFFFFF50] =	vst v9;
	v9 =	vld [tilespmem:s18+$0x60];
	v11 =	vadd.f32 v10, v15;
	v7 =	vmax.f32 v7, $0.0e+00  }
0x37c: {  	v10 =	vld [tilespmem:s18+$0xFFFFFF60];
	[tilespmem:s26+$0x70] =	vst v7;
	s26 =	smov.u32 s8  }
0x37d: {  	s18 =	sadd.s32 $0x200, s18;
	v11 =	vmax.f32 v11, $0.0e+00;
	v7 =	vld [tilespmem:s8+$0xF0]  }
0x37e: {  	_ = 	snop  }
0x37f: {  	v5 =	vadd.f32 v5, v8  }
0x380: {  	v6 =	vadd.f32 v6, v9  }
0x381: {  	[tilespmem:s8+$0xE0] =	vst v11;
	v5 =	vmax.f32 v5, $0.0e+00;
	v4 =	vadd.f32 v4, v10  }
0x382: {  	v58 =	vld [tilespmem:s28+$0xF0];
	[tilespmem:s26+$0xFFFFFFE0] =	vst v5;
	v59 =	vmax.f32 v6, $0.0e+00  }
0x383: {  	v61 =	vld [tilespmem:s28+$0xFFFFFFF0];
	v4 =	vmax.f32 v4, $0.0e+00;
	[tilespmem:s26+$0x60] =	vst v59  }
0x384: {  	[tilespmem:s26+$0xFFFFFF60] =	vst v4;
	v62 =	vld [tilespmem:s28+$0x70]  }
0x385: {  	v60 =	vld [tilespmem:s28+$0xFFFFFF70];
	_ =	sdelay $0x1  }
0x386: {  	v7 =	vadd.f32 v7, v58  }
0x387: {  	v2 =	vadd.f32 v2, v61  }
0x388: {  	v63 =	vmax.f32 v7, $0.0e+00;
	v1 =	vadd.f32 v1, v62  }
0x389: {  	[tilespmem:s26+$0xF0] =	vst v63;
	v2 =	vmax.f32 v2, $0.0e+00;
	v3 =	vadd.f32 v3, v60  }
0x38a: {  	[tilespmem:s26+$0xFFFFFFF0] =	vst v2;
	v1 =	vmax.f32 v1, $0.0e+00  }
0x38b: {  	v3 =	vmax.f32 v3, $0.0e+00;
	[tilespmem:s26+$0x70] =	vst v1  }
0x38c: {  	[tilespmem:s26+$0xFFFFFF70] =	vst v3  }
0x38d: {  	[spmem:s1] =	stream.indirect.scatter.add.f32 [tilespmem:s14], [sflag:$0x5], $0x80, s11, s13, $0xb8;
	[tilespmem:$0x1DA80] =	vst v63  }
0x38e: {  	_ =	swait.ge [sflag:s24], $0x2800  }
0x38f: {  	[sflag:s24] =	ssyncset.done $0x0  }
0x390: {  	s18 =	stileid.u32;
	[sflag:s24] =	ssyncadd.s32 $0xFFFFD800  }
0x391: {  	s8 =	sshll.u32 s18, $0x6;
	[bflag:$0x0] =	sbarrier.arrive $0xFFFF  }
0x392: {  	s8 =	sor.u32 $0x1C09, s8;
	s29 =	rddreg [dreg:$0x3]  }
0x393: {  	s26 =	simm.s32 $0x9;
	s18 =	rddreg [dreg:$0xe];
	s10 =	sshrl.u32 s29, $0x3  }
0x394: {  	[hbm:s18@s11], [sflag:s8] =	dma.strided [spmem:s10@s15], $0x2700, s17, $0x10   }
0x395: {  	_ =	swait.ge [sflag:s26], $0x2700  }
0x396: {  	s28 =	simm.s32 @!p0 $0x80;
	s10 =	rddreg [dreg:$0x17]  }
0x397: {  	s18 =	simm.s32 @!p0 $0x8;
	[sflag:s26] =	ssyncset.done $0x0;
	s30 =	rddreg [dreg:$0x12]  }
0x398: {  	[sflag:s26] =	ssyncadd.s32 $0xFFFFD900;
	s10 =	sshrl.u32 @!p0 s10, $0x3;
	s26 =	simm.s32 @!p0 $0x100  }
0x399: {  	[hbm:s30@s26], [sflag:s8] =	dma.strided @!p0 [spmem:s10@s28], $0x100, s18, $0x10   }
0x39a: {  	s8 =	simm.s32 @!p0 $0x9  }
0x39b: {  	_ =	swait.ge @!p0 [sflag:s8], $0x100  }
0x39c: {  	s28 =	rddreg [dreg:$0x18]  }
0x39d: {  	s30 =	rddreg [dreg:$0x13];
	s18 =	sadd.s32 $0x1, s28  }
0x39e: {  	p1 =	sne.s32 s18, s30  }
.Ltmp7:
0x39f: {  	_ = 	snop;
	(pc) =	sbr.rel @p1 .LBB2_1-.Ltmp7, $3  }
0x3a0: {  	_ =	sdelay $0x1  }
0x3a1: {  	[sflag:s8] =	ssyncset.done @!p0 $0x0  }
0x3a2: {  	[sflag:s8] =	ssyncadd.s32 @!p0 $0xFFFFFF00  }
0x3a3: {  	_ =	sfence.sel $0x180000  }
0x3a4: {  	[bflag:$0x0] =	sbarrier.arrive $0xFFFF  }
0x3a5: {  	_ =	strace $0x90000047  }
0x3a6: {  	s0 =	stileid.u32;
	[bflag:$0x2] =	sbarrier.arrive $0xFFFF  }
0x3a7: {  	p0 =	sne.s32 s0, $0x0;
	s0 =	rddreg [dreg:$0x2]  }
0x3a8: {  	s0 =	sadd.s32 @!p0 $0x100000, s0  }
0x3a9: {  	[sflag:s0] =	ssyncadd.tile.s32 @!p0 $0x1;
	_ =	shalt  }
.Lfunc_end2:
_tile_overlayer_lowered:
.L_overlay_start_2:
0x3aa: {  	(tag) =	ssettag $0x2  }
0x3ab: {  	s0 =	rddreg [dreg:$0x0];
	s2 =	stileid.u32  }
0x3ac: {  	s1 =	rddreg [dreg:$0x1];
	p0 =	sne.s32 s2, $0x0  }
0x3ad: {  	s3 =	rddreg [dreg:$0x2];
	[bflag:$0x3] =	sbarrier.arrive $0xFFFF;
	s2 =	simm.s32 @!p0 $0x1C09  }
0x3ae: {  	[timem:s3], [sflag:s2] =	dma.local @!p0 [hbm:s0], s1  }
0x3af: {  	s0 =	simm.s32 @!p0 $0x9  }
0x3b0: {  	_ =	swait.ge @!p0 [sflag:s0], s1  }
0x3b1: {  	s1 =	ssub.s32 @!p0 $0x0, s1;
	[sflag:s0] =	ssyncset.done @!p0 $0x0  }
0x3b2: {  	[sflag:s0] =	ssyncadd.s32 @!p0 s1  }
0x3b3: {  	[bflag:$0x3] =	sbarrier.arrive $0xFFFF  }
0x3b4: {  	_ =	shalt  }

</sc_bundles>
